<compile_context>
chip_gen: v7x
topology: tpu7x:2x2x1
jax: 0.10.2.dev20260603
libtpu: 0.0.44.dev20260713+nightly
codegen_flags: <defaults>
</compile_context>

<pallas_src>
import jax
import jax.numpy as jnp
from jax import lax
from jax.experimental import pallas as pl
from jax.experimental.pallas import tpu as pltpu
from jax.experimental.pallas import tpu_sc as plsc

N = 10000
D = 128
E = 160000
NC = 2
NS = 16
CHUNK = 80
EPT = E // NS
EPC = EPT // CHUNK
G16 = CHUNK // 16

BROW = 2000
BL = N // BROW


def _sc_mesh():
    return plsc.VectorSubcoreMesh(
        core_axis_name="c", subcore_axis_name="s", num_cores=NC, num_subcores=NS
    )


def _stage_chunk(src_1d, start, dst_ref):
    for k in range(G16):
        dst_ref[pl.ds(k * 16, 16)] = src_1d[pl.ds(start + k * 16, 16)]



def _deg_body(src_hbm, dst_hbm, zeros_hbm, out_hbm,
              src_v, dst_v, idx_i, ones_v, acc, ssem):
    c = lax.axis_index("c")
    s = lax.axis_index("s")

    def fill(i, carry):
        ones_v[i // 8, pl.ds((i % 8) * 16, 16)] = jnp.ones((16,), jnp.float32)
        return carry

    lax.fori_loop(0, CHUNK * 8, fill, 0)

    base = c * E + s * EPT
    pltpu.sync_copy(src_hbm.at[pl.ds(base, EPT)], src_v)
    pltpu.sync_copy(dst_hbm.at[pl.ds(base, EPT)], dst_v)

    def drain_one():
        pltpu.make_async_copy(zeros_hbm.at[pl.ds(0, CHUNK)], ones_v, ssem).wait()

    def histogram(idx_v, out_base):
        @pl.when(s < 10)
        def _():
            pltpu.sync_copy(zeros_hbm, acc.at[pl.ds(s * 1000, 1000)])

        plsc.subcore_barrier()

        def body(j, carry):
            p = lax.rem(j, 4)
            for k in range(G16):
                idx_i[p, pl.ds(k * 16, 16)] = idx_v[pl.ds(j * CHUNK + k * 16, 16)]
            pltpu.async_copy(ones_v, acc.at[idx_i.at[p]], ssem, add=True)

            @pl.when(j >= 3)
            def _():
                drain_one()

            return carry

        lax.fori_loop(0, EPC, body, 0)
        drain_one()
        drain_one()
        drain_one()
        plsc.subcore_barrier()

        @pl.when(s < 10)
        def _():
            pltpu.sync_copy(acc.at[pl.ds(s * 1000, 1000)],
                            out_hbm.at[pl.ds(out_base + s * 1000, 1000)])

        plsc.subcore_barrier()

    histogram(src_v, c * 2 * N)
    histogram(dst_v, c * 2 * N + N)


_deg_call = pl.kernel(
    _deg_body,
    out_type=jax.ShapeDtypeStruct((4 * N, D), jnp.float32),
    mesh=_sc_mesh(),
    scratch_types=[
        pltpu.VMEM((EPT,), jnp.int32),
        pltpu.VMEM((EPT,), jnp.int32),
        pltpu.VMEM((4, CHUNK), jnp.int32),
        pltpu.VMEM((CHUNK, D), jnp.float32),
        pltpu.VMEM_SHARED((N, D), jnp.float32),
        pltpu.SemaphoreType.DMA,
    ],
)


NBUF = 4
PARTS = (42, 42, 41)


def _agg_body(m_hbm, src_hbm, dst_hbm, zeros_hbm, out_hbm,
              src_v, dst_v, dst_i, rows, acc, gsem):
    c = lax.axis_index("c")
    s = lax.axis_index("s")

    @pl.when(s < 10)
    def _():
        pltpu.sync_copy(zeros_hbm, acc.at[pl.ds(s * 1000, 1000)])

    base = c * E + s * EPT
    plsc.subcore_barrier()

    def gather(j, p):
        pltpu.async_copy(m_hbm.at[src_v.at[pl.ds(j * CHUNK, CHUNK)]],
                         rows.at[p], gsem)

    def wait_gather(p):
        pltpu.make_async_copy(m_hbm.at[pl.ds(0, CHUNK)], rows.at[p], gsem).wait()

    def run_part(nchunks):
        gather(0, 0)
        gather(1, 1)
        gather(2, 2)

        def body(j, carry):
            p = lax.rem(j, NBUF)
            wait_gather(p)

            @pl.when(j + 3 < nchunks)
            def _():
                gather(j + 3, lax.rem(j + 3, NBUF))

            for k in range(G16):
                dst_i[p, pl.ds(k * 16, 16)] = \
                    dst_v[pl.ds(j * CHUNK + k * 16, 16)]
            pltpu.sync_copy(rows.at[p], acc.at[dst_i.at[p]], add=True)
            return carry

        lax.fori_loop(0, nchunks, body, 0)

    off = 0
    for nchunks in PARTS:
        pltpu.sync_copy(src_hbm.at[pl.ds(base + off, nchunks * CHUNK)],
                        src_v.at[pl.ds(0, nchunks * CHUNK)])
        pltpu.sync_copy(dst_hbm.at[pl.ds(base + off, nchunks * CHUNK)],
                        dst_v.at[pl.ds(0, nchunks * CHUNK)])
        run_part(nchunks)
        off += nchunks * CHUNK
    plsc.subcore_barrier()

    @pl.when(s < 10)
    def _():
        pltpu.sync_copy(acc.at[pl.ds(s * 1000, 1000)],
                        out_hbm.at[pl.ds(c * N + s * 1000, 1000)])


_agg_call = pl.kernel(
    _agg_body,
    out_type=jax.ShapeDtypeStruct((2 * N, D), jnp.float32),
    mesh=_sc_mesh(),
    scratch_types=[
        pltpu.VMEM((PARTS[0] * CHUNK,), jnp.int32),
        pltpu.VMEM((PARTS[0] * CHUNK,), jnp.int32),
        pltpu.VMEM((NBUF, CHUNK), jnp.int32),
        pltpu.VMEM((NBUF, CHUNK, D), jnp.float32),
        pltpu.VMEM_SHARED((N, D), jnp.float32),
        pltpu.SemaphoreType.DMA,
    ],
)



def _norm_from_deg(d):
    return jnp.where(d > 0.0, lax.rsqrt(jnp.maximum(d, 1.0)), 0.0)


def _l2n(h):
    nrm = jnp.sqrt(jnp.sum(h * h, axis=-1, keepdims=True))
    return h / jnp.maximum(nrm, 1e-12)


def _pre_body(x_ref, ds_ref, w_ref, m_ref):
    xn = x_ref[...] * _norm_from_deg(ds_ref[...])
    m_ref[...] = jnp.dot(xn, w_ref[0], preferred_element_type=jnp.float32,
                         precision=lax.Precision.HIGHEST)


_pre_call = pl.pallas_call(
    _pre_body,
    grid=(2, BL),
    in_specs=[
        pl.BlockSpec((BROW, D), lambda r, i: (i, 0)),
        pl.BlockSpec((BROW, 1), lambda r, i: (r * BL + i, 0)),
        pl.BlockSpec((1, D, D), lambda r, i: (r, 0, 0)),
    ],
    out_specs=pl.BlockSpec((BROW, D), lambda r, i: (r * BL + i, 0)),
    out_shape=jax.ShapeDtypeStruct((2 * N, D), jnp.float32),
)


def _layer_h(a0, a1, dd0, dd1, b):
    h = (a0 * _norm_from_deg(dd0) + a1 * _norm_from_deg(dd1) + b[0:1, :])
    h = jnp.maximum(h, 0.0)
    return _l2n(h)


def _mid_body(a0_ref, a1_ref, dd0_ref, dd1_ref, b_ref, ds_ref, w_ref, m_ref):
    h = _layer_h(a0_ref[...], a1_ref[...], dd0_ref[...], dd1_ref[...], b_ref[...])
    m_ref[...] = jnp.dot(h * _norm_from_deg(ds_ref[...]), w_ref[0],
                         preferred_element_type=jnp.float32,
                         precision=lax.Precision.HIGHEST)


_mid_call = pl.pallas_call(
    _mid_body,
    grid=(2, BL),
    in_specs=[
        pl.BlockSpec((BROW, D), lambda r, i: (i, 0)),
        pl.BlockSpec((BROW, D), lambda r, i: (BL + i, 0)),
        pl.BlockSpec((BROW, 1), lambda r, i: (i, 0)),
        pl.BlockSpec((BROW, 1), lambda r, i: (BL + i, 0)),
        pl.BlockSpec((8, D), lambda r, i: (0, 0)),
        pl.BlockSpec((BROW, 1), lambda r, i: (r * BL + i, 0)),
        pl.BlockSpec((1, D, D), lambda r, i: (r, 0, 0)),
    ],
    out_specs=pl.BlockSpec((BROW, D), lambda r, i: (r * BL + i, 0)),
    out_shape=jax.ShapeDtypeStruct((2 * N, D), jnp.float32),
)


def _post_body(a0_ref, a1_ref, dd0_ref, dd1_ref, b_ref, o_ref):
    h = _layer_h(a0_ref[...], a1_ref[...], dd0_ref[...], dd1_ref[...], b_ref[...])
    o_ref[...] = _l2n(h)


_post_call = pl.pallas_call(
    _post_body,
    grid=(BL,),
    in_specs=[
        pl.BlockSpec((BROW, D), lambda i: (i, 0)),
        pl.BlockSpec((BROW, D), lambda i: (BL + i, 0)),
        pl.BlockSpec((BROW, 1), lambda i: (i, 0)),
        pl.BlockSpec((BROW, 1), lambda i: (BL + i, 0)),
        pl.BlockSpec((8, D), lambda i: (0, 0)),
    ],
    out_specs=pl.BlockSpec((BROW, D), lambda i: (i, 0)),
    out_shape=jax.ShapeDtypeStruct((N, D), jnp.float32),
)



def kernel(x, edge_index_rel0, edge_index_rel1,
           W0_rel0, W0_rel1, b0, W1_rel0, W1_rel1, b1):
    s0, d0 = edge_index_rel0[0], edge_index_rel0[1]
    s1, d1 = edge_index_rel1[0], edge_index_rel1[1]
    deg_src = jnp.concatenate([s0, s1])
    deg_dst = jnp.concatenate([d0, d1])
    agg_src = jnp.concatenate([s0, s1 + N])
    agg_dst = deg_dst

    zerosD = jnp.zeros((1000, D), jnp.float32)

    degout = _deg_call(deg_src, deg_dst, zerosD)
    ds_cat = jnp.concatenate([degout[0:N, :1], degout[2 * N:3 * N, :1]], axis=0)
    dd_cat = jnp.concatenate([degout[N:2 * N, :1], degout[3 * N:4 * N, :1]], axis=0)

    W0s = jnp.stack([W0_rel0, W0_rel1])
    W1s = jnp.stack([W1_rel0, W1_rel1])
    b0_8 = jnp.broadcast_to(b0[None, :], (8, D))
    b1_8 = jnp.broadcast_to(b1[None, :], (8, D))

    m1 = _pre_call(x, ds_cat, W0s)
    agg1 = _agg_call(m1, agg_src, agg_dst, zerosD)
    m2 = _mid_call(agg1, agg1, dd_cat, dd_cat, b0_8, ds_cat, W1s)
    agg2 = _agg_call(m2, agg_src, agg_dst, zerosD)
    return _post_call(agg2, agg2, dd_cat, dd_cat, b1_8)

# --- scband reference (transcript-rebuilt; emitter-appended) ---
"""Pipeline reference for scband-hgnnstack-stage-27728308863410 (READ-ONLY COPY).

The authoritative reference and input builder live on the scoring server;
editing this copy changes nothing except your own understanding.
"""

import jax, jax.numpy as jnp
import numpy as np

N = 10000
D = 128
E = 160000


def setup_inputs(seed: int = 0) -> dict:
    key = jax.random.key(seed)
    ks = jax.random.split(key, 10)
    x = jax.random.normal(ks[0], (N, D), dtype=jnp.float32)
    edge_index_rel0 = jax.random.randint(ks[1], (2, E), 0, N, dtype=jnp.int32)
    edge_index_rel1 = jax.random.randint(ks[2], (2, E), 0, N, dtype=jnp.int32)
    W0_rel0 = jax.random.normal(ks[3], (D, D), dtype=jnp.float32) * 0.05
    W0_rel1 = jax.random.normal(ks[4], (D, D), dtype=jnp.float32) * 0.05
    b0 = jnp.zeros((D,), dtype=jnp.float32)
    W1_rel0 = jax.random.normal(ks[5], (D, D), dtype=jnp.float32) * 0.05
    W1_rel1 = jax.random.normal(ks[6], (D, D), dtype=jnp.float32) * 0.05
    b1 = jnp.zeros((D,), dtype=jnp.float32)
    return {"x": x, "edge_index_rel0": edge_index_rel0, "edge_index_rel1": edge_index_rel1,
            "W0_rel0": W0_rel0, "W0_rel1": W0_rel1, "b0": b0,
            "W1_rel0": W1_rel0, "W1_rel1": W1_rel1, "b1": b1}


def _gcn_rel(x, src, dst, W, n):
    # DGL GraphConv with norm='both': D_dst^{-1/2} A D_src^{-1/2} X W
    ones = jnp.ones(src.shape[0], dtype=x.dtype)
    deg_s = jax.ops.segment_sum(ones, src, num_segments=n)
    deg_d = jax.ops.segment_sum(ones, dst, num_segments=n)
    norm_s = jnp.where(deg_s > 0, jax.lax.rsqrt(jnp.maximum(deg_s, 1.0)), 0.0)
    norm_d = jnp.where(deg_d > 0, jax.lax.rsqrt(jnp.maximum(deg_d, 1.0)), 0.0)
    m = jnp.take(x, src, axis=0) * norm_s[src][:, None]
    agg = jax.ops.segment_sum(m, dst, num_segments=n)
    agg = agg * norm_d[:, None]
    return agg @ W


def _l2norm(h):
    return h / jnp.maximum(jnp.linalg.norm(h, axis=-1, keepdims=True), 1e-12)


def _layer(x, e0, e1, W_r0, W_r1, b):
    n = x.shape[0]
    # HeteroConv: sum aggregation across relations
    h = _gcn_rel(x, e0[0], e0[1], W_r0, n) + _gcn_rel(x, e1[0], e1[1], W_r1, n) + b
    h = jax.nn.relu(h)          # act
    h = _l2norm(h)              # has_l2norm inside HeteroGeneralLayer
    return h


def reference(x, edge_index_rel0, edge_index_rel1, W0_rel0, W0_rel1, b0, W1_rel0, W1_rel1, b1):
    h = _layer(x, edge_index_rel0, edge_index_rel1, W0_rel0, W0_rel1, b0)
    h = _layer(h, edge_index_rel0, edge_index_rel1, W1_rel0, W1_rel1, b1)
    # stage-level final l2norm (has_l2norm=True)
    h = _l2norm(h)
    return h

if __name__ == "__main__":
    import jax
    _d = setup_inputs()
    print(jax.jit(kernel)(*tuple(_d.values())))

</pallas_src>

<mosaic_0001>
#map = affine_map<(d0, d1) -> (0)>
#map1 = affine_map<(d0, d1) -> (0, 0)>
module attributes {stable_mosaic.version = 14 : i64} {
  func.func @_deg_body(%arg0: i32, %arg1: i32, %arg2: memref<320000xi32, #tpu.memory_space<hbm>>, %arg3: memref<320000xi32, #tpu.memory_space<hbm>>, %arg4: memref<1000x128xf32, #tpu.memory_space<hbm>>, %arg5: memref<40000x128xf32, #tpu.memory_space<hbm>>, %arg6: memref<10000xi32, #tpu.memory_space<vmem>>, %arg7: memref<10000xi32, #tpu.memory_space<vmem>>, %arg8: memref<4x80xi32, #tpu.memory_space<vmem>>, %arg9: memref<80x128xf32, #tpu.memory_space<vmem>>, %arg10: memref<10000x128xf32, #tpu.memory_space<vmem_shared>>, %arg11: memref<!tpu.dma_semaphore, #tpu.memory_space<semaphore_mem>>) attributes {dimension_semantics = [#tpu.dimension_semantics<core_parallel>, #tpu.dimension_semantics<subcore_parallel>], iteration_bounds = array<i64: 2, 16>, scalar_prefetch = 0 : i64, scratch_operands = 6 : i64, tpu.core_type = #tpu.core_type<sc_vector_subcore>, window_params = [{transform_indices = #map}, {transform_indices = #map}, {transform_indices = #map1}, {transform_indices = #map1}]} {
    %scan3A = arith.constant 0 : i32
    %scan3A_0 = arith.constant 0 : i32
    %scan3A_1 = arith.constant 640 : i32
    %scan3A_2 = arith.addi %scan3A_0, %scan3A_1 : i32
    %scan3A_3 = arith.constant 1 : i32
    scf.for %scan3A_87 = %scan3A_0 to %scan3A_2 step %scan3A_3  : i32 {
      %broadcast_in_dim3A = arith.constant 1.000000e+00 : f32
      %broadcast_in_dim3A_88 = vector.broadcast %broadcast_in_dim3A : f32 to vector<16xf32>
      %jit3A = arith.constant 8 : i32
      %div3A = arith.divsi %scan3A_87, %jit3A : i32
      %sign3A = arith.constant 0 : i32
      %sign3A_89 = arith.cmpi sgt, %scan3A_87, %sign3A : i32
      %sign3A_90 = arith.extui %sign3A_89 : i1 to i32
      %sign3A_91 = arith.constant 0 : i32
      %sign3A_92 = arith.cmpi slt, %scan3A_87, %sign3A_91 : i32
      %sign3A_93 = arith.extui %sign3A_92 : i1 to i32
      %sign3A_94 = arith.subi %sign3A_90, %sign3A_93 : i32
      %sign3A_95 = arith.constant 0 : i32
      %sign3A_96 = arith.cmpi sgt, %jit3A, %sign3A_95 : i32
      %sign3A_97 = arith.extui %sign3A_96 : i1 to i32
      %sign3A_98 = arith.constant 0 : i32
      %sign3A_99 = arith.cmpi slt, %jit3A, %sign3A_98 : i32
      %sign3A_100 = arith.extui %sign3A_99 : i1 to i32
      %sign3A_101 = arith.subi %sign3A_97, %sign3A_100 : i32
      %ne3A = arith.cmpi ne, %sign3A_94, %sign3A_101 : i32
      %rem3A = arith.remsi %scan3A_87, %jit3A : i32
      %ne3A_102 = arith.constant 0 : i32
      %ne3A_103 = arith.cmpi ne, %rem3A, %ne3A_102 : i32
      %and3A = arith.andi %ne3A, %ne3A_103 : i1
      %sub3A = arith.constant 1 : i32
      %sub3A_104 = arith.subi %div3A, %sub3A : i32
      %select_n3A = arith.select %and3A, %sub3A_104, %div3A : i32
      %jit3A_105 = arith.constant 8 : i32
      %eq3A = arith.constant 0 : i32
      %eq3A_106 = arith.cmpi eq, %jit3A_105, %eq3A : i32
      %jit3A_107 = arith.constant 1 : i32
      %select_n3A_108 = arith.select %eq3A_106, %jit3A_107, %jit3A_105 : i32
      %rem3A_109 = arith.remsi %scan3A_87, %select_n3A_108 : i32
      %ne3A_110 = arith.constant 0 : i32
      %ne3A_111 = arith.cmpi ne, %rem3A_109, %ne3A_110 : i32
      %lt3A_112 = arith.constant 0 : i32
      %lt3A_113 = arith.cmpi slt, %rem3A_109, %lt3A_112 : i32
      %lt3A_114 = arith.constant 0 : i32
      %lt3A_115 = arith.cmpi slt, %select_n3A_108, %lt3A_114 : i32
      %ne3A_116 = arith.xori %lt3A_113, %lt3A_115 : i1
      %and3A_117 = arith.andi %ne3A_116, %ne3A_111 : i1
      %add3A_118 = arith.addi %rem3A_109, %select_n3A_108 : i32
      %select_n3A_119 = arith.select %and3A_117, %add3A_118, %rem3A_109 : i32
      %mul3A_120 = arith.constant 16 : i32
      %mul3A_121 = arith.muli %select_n3A_119, %mul3A_120 : i32
      %swap3A = arith.index_cast %select_n3A : i32 to index
      %swap3A_122 = arith.index_cast %mul3A_121 : i32 to index
      %swap3A_123 = tpu.vector_load %arg9[%swap3A, %swap3A_122] {strides = array<i32>} : memref<80x128xf32, #tpu.memory_space<vmem>>, vector<1x16xf32>,
      %swap3A_124 = vector.shape_cast %swap3A_123 : vector<1x16xf32> to vector<16xf32>
      %swap3A_125 = vector.shape_cast %broadcast_in_dim3A_88 : vector<16xf32> to vector<1x16xf32>
      tpu.vector_store %arg9[%swap3A, %swap3A_122], %swap3A_125 {strides = array<i32>} : memref<80x128xf32, #tpu.memory_space<vmem>>, vector<1x16xf32>,
    }
    %scan3A_4 = arith.constant 640 : i32
    %mul3A = arith.constant 160000 : i32
    %mul3A_5 = arith.muli %arg0, %mul3A : i32
    %mul3A_6 = arith.constant 10000 : i32
    %mul3A_7 = arith.muli %arg1, %mul3A_6 : i32
    %add3A = arith.addi %mul3A_5, %mul3A_7 : i32
    "tpu.region"() ({
      %run_scoped3A = tpu.sem_alloc : memref<!tpu.dma_semaphore, #tpu.memory_space<semaphore_mem>>
      %dma_start3A = tpu.memref_slice %arg2[%add3A] : memref<320000xi32, #tpu.memory_space<hbm>> -> memref<10000xi32, #tpu.memory_space<hbm>>
      %dma_start3A_87 = tpu.memref_slice %arg2[%add3A] : memref<320000xi32, #tpu.memory_space<hbm>> -> memref<10000xi32, #tpu.memory_space<hbm>>
      tpu.enqueue_dma source(%dma_start3A_87 : memref<10000xi32, #tpu.memory_space<hbm>>) target(%arg6 : memref<10000xi32, #tpu.memory_space<vmem>>) target_semaphore(%run_scoped3A : memref<!tpu.dma_semaphore, #tpu.memory_space<semaphore_mem>>)
      %dma_wait3A_88 = tpu.memref_slice %arg2[%add3A] : memref<320000xi32, #tpu.memory_space<hbm>> -> memref<10000xi32, #tpu.memory_space<hbm>>
      %dma_wait3A_89 = tpu.memref_slice %arg2[%add3A] : memref<320000xi32, #tpu.memory_space<hbm>> -> memref<10000xi32, #tpu.memory_space<hbm>>
      tpu.wait_dma2 semaphore(%run_scoped3A : memref<!tpu.dma_semaphore, #tpu.memory_space<semaphore_mem>>) src(%dma_wait3A_89 : memref<10000xi32, #tpu.memory_space<hbm>>) dst(%arg6 : memref<10000xi32, #tpu.memory_space<vmem>>)
      tpu.yield
    }) : () -> ()
    "tpu.region"() ({
      %run_scoped3A = tpu.sem_alloc : memref<!tpu.dma_semaphore, #tpu.memory_space<semaphore_mem>>
      %dma_start3A = tpu.memref_slice %arg3[%add3A] : memref<320000xi32, #tpu.memory_space<hbm>> -> memref<10000xi32, #tpu.memory_space<hbm>>
      %dma_start3A_87 = tpu.memref_slice %arg3[%add3A] : memref<320000xi32, #tpu.memory_space<hbm>> -> memref<10000xi32, #tpu.memory_space<hbm>>
      tpu.enqueue_dma source(%dma_start3A_87 : memref<10000xi32, #tpu.memory_space<hbm>>) target(%arg7 : memref<10000xi32, #tpu.memory_space<vmem>>) target_semaphore(%run_scoped3A : memref<!tpu.dma_semaphore, #tpu.memory_space<semaphore_mem>>)
      %dma_wait3A_88 = tpu.memref_slice %arg3[%add3A] : memref<320000xi32, #tpu.memory_space<hbm>> -> memref<10000xi32, #tpu.memory_space<hbm>>
      %dma_wait3A_89 = tpu.memref_slice %arg3[%add3A] : memref<320000xi32, #tpu.memory_space<hbm>> -> memref<10000xi32, #tpu.memory_space<hbm>>
      tpu.wait_dma2 semaphore(%run_scoped3A : memref<!tpu.dma_semaphore, #tpu.memory_space<semaphore_mem>>) src(%dma_wait3A_89 : memref<10000xi32, #tpu.memory_space<hbm>>) dst(%arg7 : memref<10000xi32, #tpu.memory_space<vmem>>)
      tpu.yield
    }) : () -> ()
    %mul3A_8 = arith.constant 2 : i32
    %mul3A_9 = arith.muli %arg0, %mul3A_8 : i32
    %mul3A_10 = arith.constant 10000 : i32
    %mul3A_11 = arith.muli %mul3A_9, %mul3A_10 : i32
    %lt3A = arith.constant 10 : i32
    %lt3A_12 = arith.cmpi slt, %arg1, %lt3A : i32
    %convert_element_type3A = arith.extui %lt3A_12 : i1 to i32
    %cond3A = arith.constant 0 : i32
    %cond3A_13 = arith.cmpi ne, %convert_element_type3A, %cond3A : i32
    scf.if %cond3A_13 {
      %mul3A_87 = arith.constant 1000 : i32
      %mul3A_88 = arith.muli %arg1, %mul3A_87 : i32
      "tpu.region"() ({
        %run_scoped3A = tpu.sem_alloc : memref<!tpu.dma_semaphore, #tpu.memory_space<semaphore_mem>>
        %dma_start3A = arith.constant 0 : i32
        %dma_start3A_89 = tpu.memref_slice %arg10[%mul3A_88, %dma_start3A] : memref<10000x128xf32, #tpu.memory_space<vmem_shared>> -> memref<1000x128xf32, #tpu.memory_space<vmem_shared>>
        tpu.enqueue_dma source(%arg4 : memref<1000x128xf32, #tpu.memory_space<hbm>>) target(%dma_start3A_89 : memref<1000x128xf32, #tpu.memory_space<vmem_shared>>) target_semaphore(%run_scoped3A : memref<!tpu.dma_semaphore, #tpu.memory_space<semaphore_mem>>)
        %dma_wait3A_90 = arith.constant 0 : i32
        %dma_wait3A_91 = tpu.memref_slice %arg10[%mul3A_88, %dma_wait3A_90] : memref<10000x128xf32, #tpu.memory_space<vmem_shared>> -> memref<1000x128xf32, #tpu.memory_space<vmem_shared>>
        tpu.wait_dma2 semaphore(%run_scoped3A : memref<!tpu.dma_semaphore, #tpu.memory_space<semaphore_mem>>) src(%arg4 : memref<1000x128xf32, #tpu.memory_space<hbm>>) dst(%dma_wait3A_91 : memref<1000x128xf32, #tpu.memory_space<vmem_shared>>)
        tpu.yield
      }) : () -> ()
    } else {
    }
    %barrier3A = arith.constant 0 : index
    tpu.barrier barrier_id(%barrier3A)
    %scan3A_14 = arith.constant 0 : i32
    %scan3A_15 = arith.constant 0 : i32
    %scan3A_16 = arith.constant 125 : i32
    %scan3A_17 = arith.addi %scan3A_15, %scan3A_16 : i32
    %scan3A_18 = arith.constant 1 : i32
    scf.for %scan3A_87 = %scan3A_15 to %scan3A_17 step %scan3A_18  : i32 {
      %rem3A = arith.constant 4 : i32
      %rem3A_88 = arith.remsi %scan3A_87, %rem3A : i32
      %mul3A_89 = arith.constant 80 : i32
      %mul3A_90 = arith.muli %scan3A_87, %mul3A_89 : i32
      %add3A_91 = arith.constant 0 : i32
      %add3A_92 = arith.addi %mul3A_90, %add3A_91 : i32
      %get3A = arith.index_cast %add3A_92 : i32 to index
      %get3A_93 = tpu.vector_load %arg6[%get3A] {strides = array<i32>} : memref<10000xi32, #tpu.memory_space<vmem>>, vector<16xi32>,
      %get3A_94 = vector.shape_cast %get3A_93 : vector<16xi32> to vector<16xi32>
      %swap3A = arith.index_cast %rem3A_88 : i32 to index
      %swap3A_95 = arith.constant 0 : index
      %swap3A_96 = tpu.vector_load %arg8[%swap3A, %swap3A_95] {strides = array<i32>} : memref<4x80xi32, #tpu.memory_space<vmem>>, vector<1x16xi32>,
      %swap3A_97 = vector.shape_cast %swap3A_96 : vector<1x16xi32> to vector<16xi32>
      %swap3A_98 = vector.shape_cast %get3A_94 : vector<16xi32> to vector<1x16xi32>
      tpu.vector_store %arg8[%swap3A, %swap3A_95], %swap3A_98 {strides = array<i32>} : memref<4x80xi32, #tpu.memory_space<vmem>>, vector<1x16xi32>,
      %mul3A_99 = arith.constant 80 : i32
      %mul3A_100 = arith.muli %scan3A_87, %mul3A_99 : i32
      %add3A_101 = arith.constant 16 : i32
      %add3A_102 = arith.addi %mul3A_100, %add3A_101 : i32
      %get3A_103 = arith.index_cast %add3A_102 : i32 to index
      %get3A_104 = tpu.vector_load %arg6[%get3A_103] {strides = array<i32>} : memref<10000xi32, #tpu.memory_space<vmem>>, vector<16xi32>,
      %get3A_105 = vector.shape_cast %get3A_104 : vector<16xi32> to vector<16xi32>
      %swap3A_106 = arith.index_cast %rem3A_88 : i32 to index
      %swap3A_107 = arith.constant 16 : index
      %swap3A_108 = tpu.vector_load %arg8[%swap3A_106, %swap3A_107] {strides = array<i32>} : memref<4x80xi32, #tpu.memory_space<vmem>>, vector<1x16xi32>,
      %swap3A_109 = vector.shape_cast %swap3A_108 : vector<1x16xi32> to vector<16xi32>
      %swap3A_110 = vector.shape_cast %get3A_105 : vector<16xi32> to vector<1x16xi32>
      tpu.vector_store %arg8[%swap3A_106, %swap3A_107], %swap3A_110 {strides = array<i32>} : memref<4x80xi32, #tpu.memory_space<vmem>>, vector<1x16xi32>,
      %mul3A_111 = arith.constant 80 : i32
      %mul3A_112 = arith.muli %scan3A_87, %mul3A_111 : i32
      %add3A_113 = arith.constant 32 : i32
      %add3A_114 = arith.addi %mul3A_112, %add3A_113 : i32
      %get3A_115 = arith.index_cast %add3A_114 : i32 to index
      %get3A_116 = tpu.vector_load %arg6[%get3A_115] {strides = array<i32>} : memref<10000xi32, #tpu.memory_space<vmem>>, vector<16xi32>,
      %get3A_117 = vector.shape_cast %get3A_116 : vector<16xi32> to vector<16xi32>
      %swap3A_118 = arith.index_cast %rem3A_88 : i32 to index
      %swap3A_119 = arith.constant 32 : index
      %swap3A_120 = tpu.vector_load %arg8[%swap3A_118, %swap3A_119] {strides = array<i32>} : memref<4x80xi32, #tpu.memory_space<vmem>>, vector<1x16xi32>,
      %swap3A_121 = vector.shape_cast %swap3A_120 : vector<1x16xi32> to vector<16xi32>
      %swap3A_122 = vector.shape_cast %get3A_117 : vector<16xi32> to vector<1x16xi32>
      tpu.vector_store %arg8[%swap3A_118, %swap3A_119], %swap3A_122 {strides = array<i32>} : memref<4x80xi32, #tpu.memory_space<vmem>>, vector<1x16xi32>,
      %mul3A_123 = arith.constant 80 : i32
      %mul3A_124 = arith.muli %scan3A_87, %mul3A_123 : i32
      %add3A_125 = arith.constant 48 : i32
      %add3A_126 = arith.addi %mul3A_124, %add3A_125 : i32
      %get3A_127 = arith.index_cast %add3A_126 : i32 to index
      %get3A_128 = tpu.vector_load %arg6[%get3A_127] {strides = array<i32>} : memref<10000xi32, #tpu.memory_space<vmem>>, vector<16xi32>,
      %get3A_129 = vector.shape_cast %get3A_128 : vector<16xi32> to vector<16xi32>
      %swap3A_130 = arith.index_cast %rem3A_88 : i32 to index
      %swap3A_131 = arith.constant 48 : index
      %swap3A_132 = tpu.vector_load %arg8[%swap3A_130, %swap3A_131] {strides = array<i32>} : memref<4x80xi32, #tpu.memory_space<vmem>>, vector<1x16xi32>,
      %swap3A_133 = vector.shape_cast %swap3A_132 : vector<1x16xi32> to vector<16xi32>
      %swap3A_134 = vector.shape_cast %get3A_129 : vector<16xi32> to vector<1x16xi32>
      tpu.vector_store %arg8[%swap3A_130, %swap3A_131], %swap3A_134 {strides = array<i32>} : memref<4x80xi32, #tpu.memory_space<vmem>>, vector<1x16xi32>,
      %mul3A_135 = arith.constant 80 : i32
      %mul3A_136 = arith.muli %scan3A_87, %mul3A_135 : i32
      %add3A_137 = arith.constant 64 : i32
      %add3A_138 = arith.addi %mul3A_136, %add3A_137 : i32
      %get3A_139 = arith.index_cast %add3A_138 : i32 to index
      %get3A_140 = tpu.vector_load %arg6[%get3A_139] {strides = array<i32>} : memref<10000xi32, #tpu.memory_space<vmem>>, vector<16xi32>,
      %get3A_141 = vector.shape_cast %get3A_140 : vector<16xi32> to vector<16xi32>
      %swap3A_142 = arith.index_cast %rem3A_88 : i32 to index
      %swap3A_143 = arith.constant 64 : index
      %swap3A_144 = tpu.vector_load %arg8[%swap3A_142, %swap3A_143] {strides = array<i32>} : memref<4x80xi32, #tpu.memory_space<vmem>>, vector<1x16xi32>,
      %swap3A_145 = vector.shape_cast %swap3A_144 : vector<1x16xi32> to vector<16xi32>
      %swap3A_146 = vector.shape_cast %get3A_141 : vector<16xi32> to vector<1x16xi32>
      tpu.vector_store %arg8[%swap3A_142, %swap3A_143], %swap3A_146 {strides = array<i32>} : memref<4x80xi32, #tpu.memory_space<vmem>>, vector<1x16xi32>,
      %dma_start3A = arith.constant 0 : i32
      %dma_start3A_147 = tpu.memref_slice %arg8[%rem3A_88, %dma_start3A] : memref<4x80xi32, #tpu.memory_space<vmem>> -> memref<1x80xi32, #tpu.memory_space<vmem>>
      %dma_start3A_148 = tpu.memref_squeeze %dma_start3A_147 : memref<1x80xi32, #tpu.memory_space<vmem>> -> memref<80xi32, #tpu.memory_space<vmem>>
      %dma_start3A_149 = arith.constant 0 : i32
      %dma_start3A_150 = arith.constant 0 : i32
      %dma_start3A_151 = tpu.memref_slice %arg10[%dma_start3A_149, %dma_start3A_150] : memref<10000x128xf32, #tpu.memory_space<vmem_shared>> -> memref<10000x128xf32, #tpu.memory_space<vmem_shared>>
      tpu.enqueue_indirect_dma source(%arg9 : memref<80x128xf32, #tpu.memory_space<vmem>>) target(%dma_start3A_151 : memref<10000x128xf32, #tpu.memory_space<vmem_shared>>) offsets(%dma_start3A_148 : memref<80xi32, #tpu.memory_space<vmem>>) semaphore(%arg11 : memref<!tpu.dma_semaphore, #tpu.memory_space<semaphore_mem>>) {add = true}
      %ge3A = arith.constant 3 : i32
      %ge3A_152 = arith.cmpi sge, %scan3A_87, %ge3A : i32
      %convert_element_type3A_153 = arith.extui %ge3A_152 : i1 to i32
      %cond3A_154 = arith.constant 0 : i32
      %cond3A_155 = arith.cmpi ne, %convert_element_type3A_153, %cond3A_154 : i32
      scf.if %cond3A_155 {
        %dma_wait3A_156 = arith.constant 0 : i32
        %dma_wait3A_157 = arith.constant 0 : i32
        %dma_wait3A_158 = tpu.memref_slice %arg4[%dma_wait3A_156, %dma_wait3A_157] : memref<1000x128xf32, #tpu.memory_space<hbm>> -> memref<80x128xf32, #tpu.memory_space<hbm>>
        %dma_wait3A_159 = arith.constant 0 : i32
        %dma_wait3A_160 = arith.constant 0 : i32
        %dma_wait3A_161 = tpu.memref_slice %arg4[%dma_wait3A_159, %dma_wait3A_160] : memref<1000x128xf32, #tpu.memory_space<hbm>> -> memref<80x128xf32, #tpu.memory_space<hbm>>
        tpu.wait_dma2 semaphore(%arg11 : memref<!tpu.dma_semaphore, #tpu.memory_space<semaphore_mem>>) src(%dma_wait3A_161 : memref<80x128xf32, #tpu.memory_space<hbm>>) dst(%arg9 : memref<80x128xf32, #tpu.memory_space<vmem>>)
      } else {
      }
    }
    %scan3A_19 = arith.constant 125 : i32
    %dma_wait3A = arith.constant 0 : i32
    %dma_wait3A_20 = arith.constant 0 : i32
    %dma_wait3A_21 = tpu.memref_slice %arg4[%dma_wait3A, %dma_wait3A_20] : memref<1000x128xf32, #tpu.memory_space<hbm>> -> memref<80x128xf32, #tpu.memory_space<hbm>>
    %dma_wait3A_22 = arith.constant 0 : i32
    %dma_wait3A_23 = arith.constant 0 : i32
    %dma_wait3A_24 = tpu.memref_slice %arg4[%dma_wait3A_22, %dma_wait3A_23] : memref<1000x128xf32, #tpu.memory_space<hbm>> -> memref<80x128xf32, #tpu.memory_space<hbm>>
    tpu.wait_dma2 semaphore(%arg11 : memref<!tpu.dma_semaphore, #tpu.memory_space<semaphore_mem>>) src(%dma_wait3A_24 : memref<80x128xf32, #tpu.memory_space<hbm>>) dst(%arg9 : memref<80x128xf32, #tpu.memory_space<vmem>>)
    %dma_wait3A_25 = arith.constant 0 : i32
    %dma_wait3A_26 = arith.constant 0 : i32
    %dma_wait3A_27 = tpu.memref_slice %arg4[%dma_wait3A_25, %dma_wait3A_26] : memref<1000x128xf32, #tpu.memory_space<hbm>> -> memref<80x128xf32, #tpu.memory_space<hbm>>
    %dma_wait3A_28 = arith.constant 0 : i32
    %dma_wait3A_29 = arith.constant 0 : i32
    %dma_wait3A_30 = tpu.memref_slice %arg4[%dma_wait3A_28, %dma_wait3A_29] : memref<1000x128xf32, #tpu.memory_space<hbm>> -> memref<80x128xf32, #tpu.memory_space<hbm>>
    tpu.wait_dma2 semaphore(%arg11 : memref<!tpu.dma_semaphore, #tpu.memory_space<semaphore_mem>>) src(%dma_wait3A_30 : memref<80x128xf32, #tpu.memory_space<hbm>>) dst(%arg9 : memref<80x128xf32, #tpu.memory_space<vmem>>)
    %dma_wait3A_31 = arith.constant 0 : i32
    %dma_wait3A_32 = arith.constant 0 : i32
    %dma_wait3A_33 = tpu.memref_slice %arg4[%dma_wait3A_31, %dma_wait3A_32] : memref<1000x128xf32, #tpu.memory_space<hbm>> -> memref<80x128xf32, #tpu.memory_space<hbm>>
    %dma_wait3A_34 = arith.constant 0 : i32
    %dma_wait3A_35 = arith.constant 0 : i32
    %dma_wait3A_36 = tpu.memref_slice %arg4[%dma_wait3A_34, %dma_wait3A_35] : memref<1000x128xf32, #tpu.memory_space<hbm>> -> memref<80x128xf32, #tpu.memory_space<hbm>>
    tpu.wait_dma2 semaphore(%arg11 : memref<!tpu.dma_semaphore, #tpu.memory_space<semaphore_mem>>) src(%dma_wait3A_36 : memref<80x128xf32, #tpu.memory_space<hbm>>) dst(%arg9 : memref<80x128xf32, #tpu.memory_space<vmem>>)
    %barrier3A_37 = arith.constant 0 : index
    tpu.barrier barrier_id(%barrier3A_37)
    %lt3A_38 = arith.constant 10 : i32
    %lt3A_39 = arith.cmpi slt, %arg1, %lt3A_38 : i32
    %convert_element_type3A_40 = arith.extui %lt3A_39 : i1 to i32
    %cond3A_41 = arith.constant 0 : i32
    %cond3A_42 = arith.cmpi ne, %convert_element_type3A_40, %cond3A_41 : i32
    scf.if %cond3A_42 {
      %mul3A_87 = arith.constant 1000 : i32
      %mul3A_88 = arith.muli %arg1, %mul3A_87 : i32
      %mul3A_89 = arith.constant 1000 : i32
      %mul3A_90 = arith.muli %arg1, %mul3A_89 : i32
      %add3A_91 = arith.addi %mul3A_11, %mul3A_90 : i32
      "tpu.region"() ({
        %run_scoped3A = tpu.sem_alloc : memref<!tpu.dma_semaphore, #tpu.memory_space<semaphore_mem>>
        %dma_start3A = arith.constant 0 : i32
        %dma_start3A_92 = tpu.memref_slice %arg5[%add3A_91, %dma_start3A] : memref<40000x128xf32, #tpu.memory_space<hbm>> -> memref<1000x128xf32, #tpu.memory_space<hbm>>
        %dma_start3A_93 = arith.constant 0 : i32
        %dma_start3A_94 = tpu.memref_slice %arg10[%mul3A_88, %dma_start3A_93] : memref<10000x128xf32, #tpu.memory_space<vmem_shared>> -> memref<1000x128xf32, #tpu.memory_space<vmem_shared>>
        tpu.enqueue_dma source(%dma_start3A_94 : memref<1000x128xf32, #tpu.memory_space<vmem_shared>>) target(%dma_start3A_92 : memref<1000x128xf32, #tpu.memory_space<hbm>>) target_semaphore(%run_scoped3A : memref<!tpu.dma_semaphore, #tpu.memory_space<semaphore_mem>>)
        %dma_wait3A_95 = arith.constant 0 : i32
        %dma_wait3A_96 = tpu.memref_slice %arg5[%add3A_91, %dma_wait3A_95] : memref<40000x128xf32, #tpu.memory_space<hbm>> -> memref<1000x128xf32, #tpu.memory_space<hbm>>
        %dma_wait3A_97 = arith.constant 0 : i32
        %dma_wait3A_98 = tpu.memref_slice %arg10[%mul3A_88, %dma_wait3A_97] : memref<10000x128xf32, #tpu.memory_space<vmem_shared>> -> memref<1000x128xf32, #tpu.memory_space<vmem_shared>>
        tpu.wait_dma2 semaphore(%run_scoped3A : memref<!tpu.dma_semaphore, #tpu.memory_space<semaphore_mem>>) src(%dma_wait3A_98 : memref<1000x128xf32, #tpu.memory_space<vmem_shared>>) dst(%dma_wait3A_96 : memref<1000x128xf32, #tpu.memory_space<hbm>>)
        tpu.yield
      }) : () -> ()
    } else {
    }
    %barrier3A_43 = arith.constant 0 : index
    tpu.barrier barrier_id(%barrier3A_43)
    %mul3A_44 = arith.constant 2 : i32
    %mul3A_45 = arith.muli %arg0, %mul3A_44 : i32
    %mul3A_46 = arith.constant 10000 : i32
    %mul3A_47 = arith.muli %mul3A_45, %mul3A_46 : i32
    %add3A_48 = arith.constant 10000 : i32
    %add3A_49 = arith.addi %mul3A_47, %add3A_48 : i32
    %lt3A_50 = arith.constant 10 : i32
    %lt3A_51 = arith.cmpi slt, %arg1, %lt3A_50 : i32
    %convert_element_type3A_52 = arith.extui %lt3A_51 : i1 to i32
    %cond3A_53 = arith.constant 0 : i32
    %cond3A_54 = arith.cmpi ne, %convert_element_type3A_52, %cond3A_53 : i32
    scf.if %cond3A_54 {
      %mul3A_87 = arith.constant 1000 : i32
      %mul3A_88 = arith.muli %arg1, %mul3A_87 : i32
      "tpu.region"() ({
        %run_scoped3A = tpu.sem_alloc : memref<!tpu.dma_semaphore, #tpu.memory_space<semaphore_mem>>
        %dma_start3A = arith.constant 0 : i32
        %dma_start3A_89 = tpu.memref_slice %arg10[%mul3A_88, %dma_start3A] : memref<10000x128xf32, #tpu.memory_space<vmem_shared>> -> memref<1000x128xf32, #tpu.memory_space<vmem_shared>>
        tpu.enqueue_dma source(%arg4 : memref<1000x128xf32, #tpu.memory_space<hbm>>) target(%dma_start3A_89 : memref<1000x128xf32, #tpu.memory_space<vmem_shared>>) target_semaphore(%run_scoped3A : memref<!tpu.dma_semaphore, #tpu.memory_space<semaphore_mem>>)
        %dma_wait3A_90 = arith.constant 0 : i32
        %dma_wait3A_91 = tpu.memref_slice %arg10[%mul3A_88, %dma_wait3A_90] : memref<10000x128xf32, #tpu.memory_space<vmem_shared>> -> memref<1000x128xf32, #tpu.memory_space<vmem_shared>>
        tpu.wait_dma2 semaphore(%run_scoped3A : memref<!tpu.dma_semaphore, #tpu.memory_space<semaphore_mem>>) src(%arg4 : memref<1000x128xf32, #tpu.memory_space<hbm>>) dst(%dma_wait3A_91 : memref<1000x128xf32, #tpu.memory_space<vmem_shared>>)
        tpu.yield
      }) : () -> ()
    } else {
    }
    %barrier3A_55 = arith.constant 0 : index
    tpu.barrier barrier_id(%barrier3A_55)
    %scan3A_56 = arith.constant 0 : i32
    %scan3A_57 = arith.constant 0 : i32
    %scan3A_58 = arith.constant 125 : i32
    %scan3A_59 = arith.addi %scan3A_57, %scan3A_58 : i32
    %scan3A_60 = arith.constant 1 : i32
    scf.for %scan3A_87 = %scan3A_57 to %scan3A_59 step %scan3A_60  : i32 {
      %rem3A = arith.constant 4 : i32
      %rem3A_88 = arith.remsi %scan3A_87, %rem3A : i32
      %mul3A_89 = arith.constant 80 : i32
      %mul3A_90 = arith.muli %scan3A_87, %mul3A_89 : i32
      %add3A_91 = arith.constant 0 : i32
      %add3A_92 = arith.addi %mul3A_90, %add3A_91 : i32
      %get3A = arith.index_cast %add3A_92 : i32 to index
      %get3A_93 = tpu.vector_load %arg7[%get3A] {strides = array<i32>} : memref<10000xi32, #tpu.memory_space<vmem>>, vector<16xi32>,
      %get3A_94 = vector.shape_cast %get3A_93 : vector<16xi32> to vector<16xi32>
      %swap3A = arith.index_cast %rem3A_88 : i32 to index
      %swap3A_95 = arith.constant 0 : index
      %swap3A_96 = tpu.vector_load %arg8[%swap3A, %swap3A_95] {strides = array<i32>} : memref<4x80xi32, #tpu.memory_space<vmem>>, vector<1x16xi32>,
      %swap3A_97 = vector.shape_cast %swap3A_96 : vector<1x16xi32> to vector<16xi32>
      %swap3A_98 = vector.shape_cast %get3A_94 : vector<16xi32> to vector<1x16xi32>
      tpu.vector_store %arg8[%swap3A, %swap3A_95], %swap3A_98 {strides = array<i32>} : memref<4x80xi32, #tpu.memory_space<vmem>>, vector<1x16xi32>,
      %mul3A_99 = arith.constant 80 : i32
      %mul3A_100 = arith.muli %scan3A_87, %mul3A_99 : i32
      %add3A_101 = arith.constant 16 : i32
      %add3A_102 = arith.addi %mul3A_100, %add3A_101 : i32
      %get3A_103 = arith.index_cast %add3A_102 : i32 to index
      %get3A_104 = tpu.vector_load %arg7[%get3A_103] {strides = array<i32>} : memref<10000xi32, #tpu.memory_space<vmem>>, vector<16xi32>,
      %get3A_105 = vector.shape_cast %get3A_104 : vector<16xi32> to vector<16xi32>
      %swap3A_106 = arith.index_cast %rem3A_88 : i32 to index
      %swap3A_107 = arith.constant 16 : index
      %swap3A_108 = tpu.vector_load %arg8[%swap3A_106, %swap3A_107] {strides = array<i32>} : memref<4x80xi32, #tpu.memory_space<vmem>>, vector<1x16xi32>,
      %swap3A_109 = vector.shape_cast %swap3A_108 : vector<1x16xi32> to vector<16xi32>
      %swap3A_110 = vector.shape_cast %get3A_105 : vector<16xi32> to vector<1x16xi32>
      tpu.vector_store %arg8[%swap3A_106, %swap3A_107], %swap3A_110 {strides = array<i32>} : memref<4x80xi32, #tpu.memory_space<vmem>>, vector<1x16xi32>,
      %mul3A_111 = arith.constant 80 : i32
      %mul3A_112 = arith.muli %scan3A_87, %mul3A_111 : i32
      %add3A_113 = arith.constant 32 : i32
      %add3A_114 = arith.addi %mul3A_112, %add3A_113 : i32
      %get3A_115 = arith.index_cast %add3A_114 : i32 to index
      %get3A_116 = tpu.vector_load %arg7[%get3A_115] {strides = array<i32>} : memref<10000xi32, #tpu.memory_space<vmem>>, vector<16xi32>,
      %get3A_117 = vector.shape_cast %get3A_116 : vector<16xi32> to vector<16xi32>
      %swap3A_118 = arith.index_cast %rem3A_88 : i32 to index
      %swap3A_119 = arith.constant 32 : index
      %swap3A_120 = tpu.vector_load %arg8[%swap3A_118, %swap3A_119] {strides = array<i32>} : memref<4x80xi32, #tpu.memory_space<vmem>>, vector<1x16xi32>,
      %swap3A_121 = vector.shape_cast %swap3A_120 : vector<1x16xi32> to vector<16xi32>
      %swap3A_122 = vector.shape_cast %get3A_117 : vector<16xi32> to vector<1x16xi32>
      tpu.vector_store %arg8[%swap3A_118, %swap3A_119], %swap3A_122 {strides = array<i32>} : memref<4x80xi32, #tpu.memory_space<vmem>>, vector<1x16xi32>,
      %mul3A_123 = arith.constant 80 : i32
      %mul3A_124 = arith.muli %scan3A_87, %mul3A_123 : i32
      %add3A_125 = arith.constant 48 : i32
      %add3A_126 = arith.addi %mul3A_124, %add3A_125 : i32
      %get3A_127 = arith.index_cast %add3A_126 : i32 to index
      %get3A_128 = tpu.vector_load %arg7[%get3A_127] {strides = array<i32>} : memref<10000xi32, #tpu.memory_space<vmem>>, vector<16xi32>,
      %get3A_129 = vector.shape_cast %get3A_128 : vector<16xi32> to vector<16xi32>
      %swap3A_130 = arith.index_cast %rem3A_88 : i32 to index
      %swap3A_131 = arith.constant 48 : index
      %swap3A_132 = tpu.vector_load %arg8[%swap3A_130, %swap3A_131] {strides = array<i32>} : memref<4x80xi32, #tpu.memory_space<vmem>>, vector<1x16xi32>,
      %swap3A_133 = vector.shape_cast %swap3A_132 : vector<1x16xi32> to vector<16xi32>
      %swap3A_134 = vector.shape_cast %get3A_129 : vector<16xi32> to vector<1x16xi32>
      tpu.vector_store %arg8[%swap3A_130, %swap3A_131], %swap3A_134 {strides = array<i32>} : memref<4x80xi32, #tpu.memory_space<vmem>>, vector<1x16xi32>,
      %mul3A_135 = arith.constant 80 : i32
      %mul3A_136 = arith.muli %scan3A_87, %mul3A_135 : i32
      %add3A_137 = arith.constant 64 : i32
      %add3A_138 = arith.addi %mul3A_136, %add3A_137 : i32
      %get3A_139 = arith.index_cast %add3A_138 : i32 to index
      %get3A_140 = tpu.vector_load %arg7[%get3A_139] {strides = array<i32>} : memref<10000xi32, #tpu.memory_space<vmem>>, vector<16xi32>,
      %get3A_141 = vector.shape_cast %get3A_140 : vector<16xi32> to vector<16xi32>
      %swap3A_142 = arith.index_cast %rem3A_88 : i32 to index
      %swap3A_143 = arith.constant 64 : index
      %swap3A_144 = tpu.vector_load %arg8[%swap3A_142, %swap3A_143] {strides = array<i32>} : memref<4x80xi32, #tpu.memory_space<vmem>>, vector<1x16xi32>,
      %swap3A_145 = vector.shape_cast %swap3A_144 : vector<1x16xi32> to vector<16xi32>
      %swap3A_146 = vector.shape_cast %get3A_141 : vector<16xi32> to vector<1x16xi32>
      tpu.vector_store %arg8[%swap3A_142, %swap3A_143], %swap3A_146 {strides = array<i32>} : memref<4x80xi32, #tpu.memory_space<vmem>>, vector<1x16xi32>,
      %dma_start3A = arith.constant 0 : i32
      %dma_start3A_147 = tpu.memref_slice %arg8[%rem3A_88, %dma_start3A] : memref<4x80xi32, #tpu.memory_space<vmem>> -> memref<1x80xi32, #tpu.memory_space<vmem>>
      %dma_start3A_148 = tpu.memref_squeeze %dma_start3A_147 : memref<1x80xi32, #tpu.memory_space<vmem>> -> memref<80xi32, #tpu.memory_space<vmem>>
      %dma_start3A_149 = arith.constant 0 : i32
      %dma_start3A_150 = arith.constant 0 : i32
      %dma_start3A_151 = tpu.memref_slice %arg10[%dma_start3A_149, %dma_start3A_150] : memref<10000x128xf32, #tpu.memory_space<vmem_shared>> -> memref<10000x128xf32, #tpu.memory_space<vmem_shared>>
      tpu.enqueue_indirect_dma source(%arg9 : memref<80x128xf32, #tpu.memory_space<vmem>>) target(%dma_start3A_151 : memref<10000x128xf32, #tpu.memory_space<vmem_shared>>) offsets(%dma_start3A_148 : memref<80xi32, #tpu.memory_space<vmem>>) semaphore(%arg11 : memref<!tpu.dma_semaphore, #tpu.memory_space<semaphore_mem>>) {add = true}
      %ge3A = arith.constant 3 : i32
      %ge3A_152 = arith.cmpi sge, %scan3A_87, %ge3A : i32
      %convert_element_type3A_153 = arith.extui %ge3A_152 : i1 to i32
      %cond3A_154 = arith.constant 0 : i32
      %cond3A_155 = arith.cmpi ne, %convert_element_type3A_153, %cond3A_154 : i32
      scf.if %cond3A_155 {
        %dma_wait3A_156 = arith.constant 0 : i32
        %dma_wait3A_157 = arith.constant 0 : i32
        %dma_wait3A_158 = tpu.memref_slice %arg4[%dma_wait3A_156, %dma_wait3A_157] : memref<1000x128xf32, #tpu.memory_space<hbm>> -> memref<80x128xf32, #tpu.memory_space<hbm>>
        %dma_wait3A_159 = arith.constant 0 : i32
        %dma_wait3A_160 = arith.constant 0 : i32
        %dma_wait3A_161 = tpu.memref_slice %arg4[%dma_wait3A_159, %dma_wait3A_160] : memref<1000x128xf32, #tpu.memory_space<hbm>> -> memref<80x128xf32, #tpu.memory_space<hbm>>
        tpu.wait_dma2 semaphore(%arg11 : memref<!tpu.dma_semaphore, #tpu.memory_space<semaphore_mem>>) src(%dma_wait3A_161 : memref<80x128xf32, #tpu.memory_space<hbm>>) dst(%arg9 : memref<80x128xf32, #tpu.memory_space<vmem>>)
      } else {
      }
    }
    %scan3A_61 = arith.constant 125 : i32
    %dma_wait3A_62 = arith.constant 0 : i32
    %dma_wait3A_63 = arith.constant 0 : i32
    %dma_wait3A_64 = tpu.memref_slice %arg4[%dma_wait3A_62, %dma_wait3A_63] : memref<1000x128xf32, #tpu.memory_space<hbm>> -> memref<80x128xf32, #tpu.memory_space<hbm>>
    %dma_wait3A_65 = arith.constant 0 : i32
    %dma_wait3A_66 = arith.constant 0 : i32
    %dma_wait3A_67 = tpu.memref_slice %arg4[%dma_wait3A_65, %dma_wait3A_66] : memref<1000x128xf32, #tpu.memory_space<hbm>> -> memref<80x128xf32, #tpu.memory_space<hbm>>
    tpu.wait_dma2 semaphore(%arg11 : memref<!tpu.dma_semaphore, #tpu.memory_space<semaphore_mem>>) src(%dma_wait3A_67 : memref<80x128xf32, #tpu.memory_space<hbm>>) dst(%arg9 : memref<80x128xf32, #tpu.memory_space<vmem>>)
    %dma_wait3A_68 = arith.constant 0 : i32
    %dma_wait3A_69 = arith.constant 0 : i32
    %dma_wait3A_70 = tpu.memref_slice %arg4[%dma_wait3A_68, %dma_wait3A_69] : memref<1000x128xf32, #tpu.memory_space<hbm>> -> memref<80x128xf32, #tpu.memory_space<hbm>>
    %dma_wait3A_71 = arith.constant 0 : i32
    %dma_wait3A_72 = arith.constant 0 : i32
    %dma_wait3A_73 = tpu.memref_slice %arg4[%dma_wait3A_71, %dma_wait3A_72] : memref<1000x128xf32, #tpu.memory_space<hbm>> -> memref<80x128xf32, #tpu.memory_space<hbm>>
    tpu.wait_dma2 semaphore(%arg11 : memref<!tpu.dma_semaphore, #tpu.memory_space<semaphore_mem>>) src(%dma_wait3A_73 : memref<80x128xf32, #tpu.memory_space<hbm>>) dst(%arg9 : memref<80x128xf32, #tpu.memory_space<vmem>>)
    %dma_wait3A_74 = arith.constant 0 : i32
    %dma_wait3A_75 = arith.constant 0 : i32
    %dma_wait3A_76 = tpu.memref_slice %arg4[%dma_wait3A_74, %dma_wait3A_75] : memref<1000x128xf32, #tpu.memory_space<hbm>> -> memref<80x128xf32, #tpu.memory_space<hbm>>
    %dma_wait3A_77 = arith.constant 0 : i32
    %dma_wait3A_78 = arith.constant 0 : i32
    %dma_wait3A_79 = tpu.memref_slice %arg4[%dma_wait3A_77, %dma_wait3A_78] : memref<1000x128xf32, #tpu.memory_space<hbm>> -> memref<80x128xf32, #tpu.memory_space<hbm>>
    tpu.wait_dma2 semaphore(%arg11 : memref<!tpu.dma_semaphore, #tpu.memory_space<semaphore_mem>>) src(%dma_wait3A_79 : memref<80x128xf32, #tpu.memory_space<hbm>>) dst(%arg9 : memref<80x128xf32, #tpu.memory_space<vmem>>)
    %barrier3A_80 = arith.constant 0 : index
    tpu.barrier barrier_id(%barrier3A_80)
    %lt3A_81 = arith.constant 10 : i32
    %lt3A_82 = arith.cmpi slt, %arg1, %lt3A_81 : i32
    %convert_element_type3A_83 = arith.extui %lt3A_82 : i1 to i32
    %cond3A_84 = arith.constant 0 : i32
    %cond3A_85 = arith.cmpi ne, %convert_element_type3A_83, %cond3A_84 : i32
    scf.if %cond3A_85 {
      %mul3A_87 = arith.constant 1000 : i32
      %mul3A_88 = arith.muli %arg1, %mul3A_87 : i32
      %mul3A_89 = arith.constant 1000 : i32
      %mul3A_90 = arith.muli %arg1, %mul3A_89 : i32
      %add3A_91 = arith.addi %add3A_49, %mul3A_90 : i32
      "tpu.region"() ({
        %run_scoped3A = tpu.sem_alloc : memref<!tpu.dma_semaphore, #tpu.memory_space<semaphore_mem>>
        %dma_start3A = arith.constant 0 : i32
        %dma_start3A_92 = tpu.memref_slice %arg5[%add3A_91, %dma_start3A] : memref<40000x128xf32, #tpu.memory_space<hbm>> -> memref<1000x128xf32, #tpu.memory_space<hbm>>
        %dma_start3A_93 = arith.constant 0 : i32
        %dma_start3A_94 = tpu.memref_slice %arg10[%mul3A_88, %dma_start3A_93] : memref<10000x128xf32, #tpu.memory_space<vmem_shared>> -> memref<1000x128xf32, #tpu.memory_space<vmem_shared>>
        tpu.enqueue_dma source(%dma_start3A_94 : memref<1000x128xf32, #tpu.memory_space<vmem_shared>>) target(%dma_start3A_92 : memref<1000x128xf32, #tpu.memory_space<hbm>>) target_semaphore(%run_scoped3A : memref<!tpu.dma_semaphore, #tpu.memory_space<semaphore_mem>>)
        %dma_wait3A_95 = arith.constant 0 : i32
        %dma_wait3A_96 = tpu.memref_slice %arg5[%add3A_91, %dma_wait3A_95] : memref<40000x128xf32, #tpu.memory_space<hbm>> -> memref<1000x128xf32, #tpu.memory_space<hbm>>
        %dma_wait3A_97 = arith.constant 0 : i32
        %dma_wait3A_98 = tpu.memref_slice %arg10[%mul3A_88, %dma_wait3A_97] : memref<10000x128xf32, #tpu.memory_space<vmem_shared>> -> memref<1000x128xf32, #tpu.memory_space<vmem_shared>>
        tpu.wait_dma2 semaphore(%run_scoped3A : memref<!tpu.dma_semaphore, #tpu.memory_space<semaphore_mem>>) src(%dma_wait3A_98 : memref<1000x128xf32, #tpu.memory_space<vmem_shared>>) dst(%dma_wait3A_96 : memref<1000x128xf32, #tpu.memory_space<hbm>>)
        tpu.yield
      }) : () -> ()
    } else {
    }
    %barrier3A_86 = arith.constant 0 : index
    tpu.barrier barrier_id(%barrier3A_86)
    return
  }
}

#map = affine_map<(d0, d1) -> (0, 0)>
#map1 = affine_map<(d0, d1) -> (0)>
module attributes {stable_mosaic.version = 14 : i64} {
  func.func @_agg_body(%arg0: i32, %arg1: i32, %arg2: memref<20000x128xf32, #tpu.memory_space<hbm>>, %arg3: memref<320000xi32, #tpu.memory_space<hbm>>, %arg4: memref<320000xi32, #tpu.memory_space<hbm>>, %arg5: memref<1000x128xf32, #tpu.memory_space<hbm>>, %arg6: memref<20000x128xf32, #tpu.memory_space<hbm>>, %arg7: memref<3360xi32, #tpu.memory_space<vmem>>, %arg8: memref<3360xi32, #tpu.memory_space<vmem>>, %arg9: memref<4x80xi32, #tpu.memory_space<vmem>>, %arg10: memref<4x80x128xf32, #tpu.memory_space<vmem>>, %arg11: memref<10000x128xf32, #tpu.memory_space<vmem_shared>>, %arg12: memref<!tpu.dma_semaphore, #tpu.memory_space<semaphore_mem>>) attributes {dimension_semantics = [#tpu.dimension_semantics<core_parallel>, #tpu.dimension_semantics<subcore_parallel>], iteration_bounds = array<i64: 2, 16>, scalar_prefetch = 0 : i64, scratch_operands = 6 : i64, tpu.core_type = #tpu.core_type<sc_vector_subcore>, window_params = [{transform_indices = #map}, {transform_indices = #map1}, {transform_indices = #map1}, {transform_indices = #map}, {transform_indices = #map}]} {
    %lt3A = arith.constant 10 : i32
    %lt3A_0 = arith.cmpi slt, %arg1, %lt3A : i32
    %convert_element_type3A = arith.extui %lt3A_0 : i1 to i32
    %cond3A = arith.constant 0 : i32
    %cond3A_1 = arith.cmpi ne, %convert_element_type3A, %cond3A : i32
    scf.if %cond3A_1 {
      %mul3A_129 = arith.constant 1000 : i32
      %mul3A_130 = arith.muli %arg1, %mul3A_129 : i32
      "tpu.region"() ({
        %run_scoped3A = tpu.sem_alloc : memref<!tpu.dma_semaphore, #tpu.memory_space<semaphore_mem>>
        %dma_start3A_131 = arith.constant 0 : i32
        %dma_start3A_132 = tpu.memref_slice %arg11[%mul3A_130, %dma_start3A_131] : memref<10000x128xf32, #tpu.memory_space<vmem_shared>> -> memref<1000x128xf32, #tpu.memory_space<vmem_shared>>
        tpu.enqueue_dma source(%arg5 : memref<1000x128xf32, #tpu.memory_space<hbm>>) target(%dma_start3A_132 : memref<1000x128xf32, #tpu.memory_space<vmem_shared>>) target_semaphore(%run_scoped3A : memref<!tpu.dma_semaphore, #tpu.memory_space<semaphore_mem>>)
        %dma_wait3A = arith.constant 0 : i32
        %dma_wait3A_133 = tpu.memref_slice %arg11[%mul3A_130, %dma_wait3A] : memref<10000x128xf32, #tpu.memory_space<vmem_shared>> -> memref<1000x128xf32, #tpu.memory_space<vmem_shared>>
        tpu.wait_dma2 semaphore(%run_scoped3A : memref<!tpu.dma_semaphore, #tpu.memory_space<semaphore_mem>>) src(%arg5 : memref<1000x128xf32, #tpu.memory_space<hbm>>) dst(%dma_wait3A_133 : memref<1000x128xf32, #tpu.memory_space<vmem_shared>>)
        tpu.yield
      }) : () -> ()
    } else {
    }
    %mul3A = arith.constant 160000 : i32
    %mul3A_2 = arith.muli %arg0, %mul3A : i32
    %mul3A_3 = arith.constant 10000 : i32
    %mul3A_4 = arith.muli %arg1, %mul3A_3 : i32
    %add3A = arith.addi %mul3A_2, %mul3A_4 : i32
    %barrier3A = arith.constant 0 : index
    tpu.barrier barrier_id(%barrier3A)
    %add3A_5 = arith.constant 0 : i32
    %add3A_6 = arith.addi %add3A, %add3A_5 : i32
    "tpu.region"() ({
      %run_scoped3A = tpu.sem_alloc : memref<!tpu.dma_semaphore, #tpu.memory_space<semaphore_mem>>
      %dma_start3A_129 = arith.constant 0 : i32
      %dma_start3A_130 = tpu.memref_slice %arg7[%dma_start3A_129] : memref<3360xi32, #tpu.memory_space<vmem>> -> memref<3360xi32, #tpu.memory_space<vmem>>
      %dma_start3A_131 = tpu.memref_slice %arg3[%add3A_6] : memref<320000xi32, #tpu.memory_space<hbm>> -> memref<3360xi32, #tpu.memory_space<hbm>>
      %dma_start3A_132 = arith.constant 0 : i32
      %dma_start3A_133 = tpu.memref_slice %arg7[%dma_start3A_132] : memref<3360xi32, #tpu.memory_space<vmem>> -> memref<3360xi32, #tpu.memory_space<vmem>>
      %dma_start3A_134 = tpu.memref_slice %arg3[%add3A_6] : memref<320000xi32, #tpu.memory_space<hbm>> -> memref<3360xi32, #tpu.memory_space<hbm>>
      tpu.enqueue_dma source(%dma_start3A_134 : memref<3360xi32, #tpu.memory_space<hbm>>) target(%dma_start3A_133 : memref<3360xi32, #tpu.memory_space<vmem>>) target_semaphore(%run_scoped3A : memref<!tpu.dma_semaphore, #tpu.memory_space<semaphore_mem>>)
      %dma_wait3A = arith.constant 0 : i32
      %dma_wait3A_135 = tpu.memref_slice %arg7[%dma_wait3A] : memref<3360xi32, #tpu.memory_space<vmem>> -> memref<3360xi32, #tpu.memory_space<vmem>>
      %dma_wait3A_136 = tpu.memref_slice %arg3[%add3A_6] : memref<320000xi32, #tpu.memory_space<hbm>> -> memref<3360xi32, #tpu.memory_space<hbm>>
      %dma_wait3A_137 = arith.constant 0 : i32
      %dma_wait3A_138 = tpu.memref_slice %arg7[%dma_wait3A_137] : memref<3360xi32, #tpu.memory_space<vmem>> -> memref<3360xi32, #tpu.memory_space<vmem>>
      %dma_wait3A_139 = tpu.memref_slice %arg3[%add3A_6] : memref<320000xi32, #tpu.memory_space<hbm>> -> memref<3360xi32, #tpu.memory_space<hbm>>
      tpu.wait_dma2 semaphore(%run_scoped3A : memref<!tpu.dma_semaphore, #tpu.memory_space<semaphore_mem>>) src(%dma_wait3A_139 : memref<3360xi32, #tpu.memory_space<hbm>>) dst(%dma_wait3A_138 : memref<3360xi32, #tpu.memory_space<vmem>>)
      tpu.yield
    }) : () -> ()
    %add3A_7 = arith.constant 0 : i32
    %add3A_8 = arith.addi %add3A, %add3A_7 : i32
    "tpu.region"() ({
      %run_scoped3A = tpu.sem_alloc : memref<!tpu.dma_semaphore, #tpu.memory_space<semaphore_mem>>
      %dma_start3A_129 = arith.constant 0 : i32
      %dma_start3A_130 = tpu.memref_slice %arg8[%dma_start3A_129] : memref<3360xi32, #tpu.memory_space<vmem>> -> memref<3360xi32, #tpu.memory_space<vmem>>
      %dma_start3A_131 = tpu.memref_slice %arg4[%add3A_8] : memref<320000xi32, #tpu.memory_space<hbm>> -> memref<3360xi32, #tpu.memory_space<hbm>>
      %dma_start3A_132 = arith.constant 0 : i32
      %dma_start3A_133 = tpu.memref_slice %arg8[%dma_start3A_132] : memref<3360xi32, #tpu.memory_space<vmem>> -> memref<3360xi32, #tpu.memory_space<vmem>>
      %dma_start3A_134 = tpu.memref_slice %arg4[%add3A_8] : memref<320000xi32, #tpu.memory_space<hbm>> -> memref<3360xi32, #tpu.memory_space<hbm>>
      tpu.enqueue_dma source(%dma_start3A_134 : memref<3360xi32, #tpu.memory_space<hbm>>) target(%dma_start3A_133 : memref<3360xi32, #tpu.memory_space<vmem>>) target_semaphore(%run_scoped3A : memref<!tpu.dma_semaphore, #tpu.memory_space<semaphore_mem>>)
      %dma_wait3A = arith.constant 0 : i32
      %dma_wait3A_135 = tpu.memref_slice %arg8[%dma_wait3A] : memref<3360xi32, #tpu.memory_space<vmem>> -> memref<3360xi32, #tpu.memory_space<vmem>>
      %dma_wait3A_136 = tpu.memref_slice %arg4[%add3A_8] : memref<320000xi32, #tpu.memory_space<hbm>> -> memref<3360xi32, #tpu.memory_space<hbm>>
      %dma_wait3A_137 = arith.constant 0 : i32
      %dma_wait3A_138 = tpu.memref_slice %arg8[%dma_wait3A_137] : memref<3360xi32, #tpu.memory_space<vmem>> -> memref<3360xi32, #tpu.memory_space<vmem>>
      %dma_wait3A_139 = tpu.memref_slice %arg4[%add3A_8] : memref<320000xi32, #tpu.memory_space<hbm>> -> memref<3360xi32, #tpu.memory_space<hbm>>
      tpu.wait_dma2 semaphore(%run_scoped3A : memref<!tpu.dma_semaphore, #tpu.memory_space<semaphore_mem>>) src(%dma_wait3A_139 : memref<3360xi32, #tpu.memory_space<hbm>>) dst(%dma_wait3A_138 : memref<3360xi32, #tpu.memory_space<vmem>>)
      tpu.yield
    }) : () -> ()
    %dma_start3A = arith.constant 0 : i32
    %dma_start3A_9 = arith.constant 0 : i32
    %dma_start3A_10 = arith.constant 0 : i32
    %dma_start3A_11 = tpu.memref_slice %arg10[%dma_start3A, %dma_start3A_9, %dma_start3A_10] : memref<4x80x128xf32, #tpu.memory_space<vmem>> -> memref<1x80x128xf32, #tpu.memory_space<vmem>>
    %dma_start3A_12 = tpu.memref_squeeze %dma_start3A_11 : memref<1x80x128xf32, #tpu.memory_space<vmem>> -> memref<80x128xf32, #tpu.memory_space<vmem>>
    %dma_start3A_13 = arith.constant 0 : i32
    %dma_start3A_14 = tpu.memref_slice %arg7[%dma_start3A_13] : memref<3360xi32, #tpu.memory_space<vmem>> -> memref<80xi32, #tpu.memory_space<vmem>>
    %dma_start3A_15 = arith.constant 0 : i32
    %dma_start3A_16 = arith.constant 0 : i32
    %dma_start3A_17 = tpu.memref_slice %arg2[%dma_start3A_15, %dma_start3A_16] : memref<20000x128xf32, #tpu.memory_space<hbm>> -> memref<20000x128xf32, #tpu.memory_space<hbm>>
    tpu.enqueue_indirect_dma source(%dma_start3A_17 : memref<20000x128xf32, #tpu.memory_space<hbm>>) target(%dma_start3A_12 : memref<80x128xf32, #tpu.memory_space<vmem>>) offsets(%dma_start3A_14 : memref<80xi32, #tpu.memory_space<vmem>>) semaphore(%arg12 : memref<!tpu.dma_semaphore, #tpu.memory_space<semaphore_mem>>)
    %dma_start3A_18 = arith.constant 1 : i32
    %dma_start3A_19 = arith.constant 0 : i32
    %dma_start3A_20 = arith.constant 0 : i32
    %dma_start3A_21 = tpu.memref_slice %arg10[%dma_start3A_18, %dma_start3A_19, %dma_start3A_20] : memref<4x80x128xf32, #tpu.memory_space<vmem>> -> memref<1x80x128xf32, #tpu.memory_space<vmem>>
    %dma_start3A_22 = tpu.memref_squeeze %dma_start3A_21 : memref<1x80x128xf32, #tpu.memory_space<vmem>> -> memref<80x128xf32, #tpu.memory_space<vmem>>
    %dma_start3A_23 = arith.constant 80 : i32
    %dma_start3A_24 = tpu.memref_slice %arg7[%dma_start3A_23] : memref<3360xi32, #tpu.memory_space<vmem>> -> memref<80xi32, #tpu.memory_space<vmem>>
    %dma_start3A_25 = arith.constant 0 : i32
    %dma_start3A_26 = arith.constant 0 : i32
    %dma_start3A_27 = tpu.memref_slice %arg2[%dma_start3A_25, %dma_start3A_26] : memref<20000x128xf32, #tpu.memory_space<hbm>> -> memref<20000x128xf32, #tpu.memory_space<hbm>>
    tpu.enqueue_indirect_dma source(%dma_start3A_27 : memref<20000x128xf32, #tpu.memory_space<hbm>>) target(%dma_start3A_22 : memref<80x128xf32, #tpu.memory_space<vmem>>) offsets(%dma_start3A_24 : memref<80xi32, #tpu.memory_space<vmem>>) semaphore(%arg12 : memref<!tpu.dma_semaphore, #tpu.memory_space<semaphore_mem>>)
    %dma_start3A_28 = arith.constant 2 : i32
    %dma_start3A_29 = arith.constant 0 : i32
    %dma_start3A_30 = arith.constant 0 : i32
    %dma_start3A_31 = tpu.memref_slice %arg10[%dma_start3A_28, %dma_start3A_29, %dma_start3A_30] : memref<4x80x128xf32, #tpu.memory_space<vmem>> -> memref<1x80x128xf32, #tpu.memory_space<vmem>>
    %dma_start3A_32 = tpu.memref_squeeze %dma_start3A_31 : memref<1x80x128xf32, #tpu.memory_space<vmem>> -> memref<80x128xf32, #tpu.memory_space<vmem>>
    %dma_start3A_33 = arith.constant 160 : i32
    %dma_start3A_34 = tpu.memref_slice %arg7[%dma_start3A_33] : memref<3360xi32, #tpu.memory_space<vmem>> -> memref<80xi32, #tpu.memory_space<vmem>>
    %dma_start3A_35 = arith.constant 0 : i32
    %dma_start3A_36 = arith.constant 0 : i32
    %dma_start3A_37 = tpu.memref_slice %arg2[%dma_start3A_35, %dma_start3A_36] : memref<20000x128xf32, #tpu.memory_space<hbm>> -> memref<20000x128xf32, #tpu.memory_space<hbm>>
    tpu.enqueue_indirect_dma source(%dma_start3A_37 : memref<20000x128xf32, #tpu.memory_space<hbm>>) target(%dma_start3A_32 : memref<80x128xf32, #tpu.memory_space<vmem>>) offsets(%dma_start3A_34 : memref<80xi32, #tpu.memory_space<vmem>>) semaphore(%arg12 : memref<!tpu.dma_semaphore, #tpu.memory_space<semaphore_mem>>)
    %scan3A = arith.constant 0 : i32
    %scan3A_38 = arith.constant 0 : i32
    %scan3A_39 = arith.constant 42 : i32
    %scan3A_40 = arith.addi %scan3A_38, %scan3A_39 : i32
    %scan3A_41 = arith.constant 1 : i32
    scf.for %scan3A_129 = %scan3A_38 to %scan3A_40 step %scan3A_41  : i32 {
      %rem3A = arith.constant 4 : i32
      %rem3A_130 = arith.remsi %scan3A_129, %rem3A : i32
      %dma_wait3A = arith.constant 0 : i32
      %dma_wait3A_131 = arith.constant 0 : i32
      %dma_wait3A_132 = tpu.memref_slice %arg10[%rem3A_130, %dma_wait3A, %dma_wait3A_131] : memref<4x80x128xf32, #tpu.memory_space<vmem>> -> memref<1x80x128xf32, #tpu.memory_space<vmem>>
      %dma_wait3A_133 = tpu.memref_squeeze %dma_wait3A_132 : memref<1x80x128xf32, #tpu.memory_space<vmem>> -> memref<80x128xf32, #tpu.memory_space<vmem>>
      %dma_wait3A_134 = arith.constant 0 : i32
      %dma_wait3A_135 = arith.constant 0 : i32
      %dma_wait3A_136 = tpu.memref_slice %arg2[%dma_wait3A_134, %dma_wait3A_135] : memref<20000x128xf32, #tpu.memory_space<hbm>> -> memref<80x128xf32, #tpu.memory_space<hbm>>
      %dma_wait3A_137 = arith.constant 0 : i32
      %dma_wait3A_138 = arith.constant 0 : i32
      %dma_wait3A_139 = tpu.memref_slice %arg10[%rem3A_130, %dma_wait3A_137, %dma_wait3A_138] : memref<4x80x128xf32, #tpu.memory_space<vmem>> -> memref<1x80x128xf32, #tpu.memory_space<vmem>>
      %dma_wait3A_140 = tpu.memref_squeeze %dma_wait3A_139 : memref<1x80x128xf32, #tpu.memory_space<vmem>> -> memref<80x128xf32, #tpu.memory_space<vmem>>
      %dma_wait3A_141 = arith.constant 0 : i32
      %dma_wait3A_142 = arith.constant 0 : i32
      %dma_wait3A_143 = tpu.memref_slice %arg2[%dma_wait3A_141, %dma_wait3A_142] : memref<20000x128xf32, #tpu.memory_space<hbm>> -> memref<80x128xf32, #tpu.memory_space<hbm>>
      tpu.wait_dma2 semaphore(%arg12 : memref<!tpu.dma_semaphore, #tpu.memory_space<semaphore_mem>>) src(%dma_wait3A_143 : memref<80x128xf32, #tpu.memory_space<hbm>>) dst(%dma_wait3A_140 : memref<80x128xf32, #tpu.memory_space<vmem>>)
      %add3A_144 = arith.constant 3 : i32
      %add3A_145 = arith.addi %scan3A_129, %add3A_144 : i32
      %lt3A_146 = arith.constant 42 : i32
      %lt3A_147 = arith.cmpi slt, %add3A_145, %lt3A_146 : i32
      %convert_element_type3A_148 = arith.extui %lt3A_147 : i1 to i32
      %cond3A_149 = arith.constant 0 : i32
      %cond3A_150 = arith.cmpi ne, %convert_element_type3A_148, %cond3A_149 : i32
      scf.if %cond3A_150 {
        %add3A_209 = arith.constant 3 : i32
        %add3A_210 = arith.addi %scan3A_129, %add3A_209 : i32
        %add3A_211 = arith.constant 3 : i32
        %add3A_212 = arith.addi %scan3A_129, %add3A_211 : i32
        %rem3A_213 = arith.constant 4 : i32
        %rem3A_214 = arith.remsi %add3A_212, %rem3A_213 : i32
        %mul3A_215 = arith.constant 80 : i32
        %mul3A_216 = arith.muli %add3A_210, %mul3A_215 : i32
        %dma_start3A_217 = arith.constant 0 : i32
        %dma_start3A_218 = arith.constant 0 : i32
        %dma_start3A_219 = tpu.memref_slice %arg10[%rem3A_214, %dma_start3A_217, %dma_start3A_218] : memref<4x80x128xf32, #tpu.memory_space<vmem>> -> memref<1x80x128xf32, #tpu.memory_space<vmem>>
        %dma_start3A_220 = tpu.memref_squeeze %dma_start3A_219 : memref<1x80x128xf32, #tpu.memory_space<vmem>> -> memref<80x128xf32, #tpu.memory_space<vmem>>
        %dma_start3A_221 = tpu.memref_slice %arg7[%mul3A_216] : memref<3360xi32, #tpu.memory_space<vmem>> -> memref<80xi32, #tpu.memory_space<vmem>>
        %dma_start3A_222 = arith.constant 0 : i32
        %dma_start3A_223 = arith.constant 0 : i32
        %dma_start3A_224 = tpu.memref_slice %arg2[%dma_start3A_222, %dma_start3A_223] : memref<20000x128xf32, #tpu.memory_space<hbm>> -> memref<20000x128xf32, #tpu.memory_space<hbm>>
        tpu.enqueue_indirect_dma source(%dma_start3A_224 : memref<20000x128xf32, #tpu.memory_space<hbm>>) target(%dma_start3A_220 : memref<80x128xf32, #tpu.memory_space<vmem>>) offsets(%dma_start3A_221 : memref<80xi32, #tpu.memory_space<vmem>>) semaphore(%arg12 : memref<!tpu.dma_semaphore, #tpu.memory_space<semaphore_mem>>)
      } else {
      }
      %mul3A_151 = arith.constant 80 : i32
      %mul3A_152 = arith.muli %scan3A_129, %mul3A_151 : i32
      %add3A_153 = arith.constant 0 : i32
      %add3A_154 = arith.addi %mul3A_152, %add3A_153 : i32
      %get3A = arith.index_cast %add3A_154 : i32 to index
      %get3A_155 = tpu.vector_load %arg8[%get3A] {strides = array<i32>} : memref<3360xi32, #tpu.memory_space<vmem>>, vector<16xi32>,
      %get3A_156 = vector.shape_cast %get3A_155 : vector<16xi32> to vector<16xi32>
      %swap3A = arith.index_cast %rem3A_130 : i32 to index
      %swap3A_157 = arith.constant 0 : index
      %swap3A_158 = tpu.vector_load %arg9[%swap3A, %swap3A_157] {strides = array<i32>} : memref<4x80xi32, #tpu.memory_space<vmem>>, vector<1x16xi32>,
      %swap3A_159 = vector.shape_cast %swap3A_158 : vector<1x16xi32> to vector<16xi32>
      %swap3A_160 = vector.shape_cast %get3A_156 : vector<16xi32> to vector<1x16xi32>
      tpu.vector_store %arg9[%swap3A, %swap3A_157], %swap3A_160 {strides = array<i32>} : memref<4x80xi32, #tpu.memory_space<vmem>>, vector<1x16xi32>,
      %mul3A_161 = arith.constant 80 : i32
      %mul3A_162 = arith.muli %scan3A_129, %mul3A_161 : i32
      %add3A_163 = arith.constant 16 : i32
      %add3A_164 = arith.addi %mul3A_162, %add3A_163 : i32
      %get3A_165 = arith.index_cast %add3A_164 : i32 to index
      %get3A_166 = tpu.vector_load %arg8[%get3A_165] {strides = array<i32>} : memref<3360xi32, #tpu.memory_space<vmem>>, vector<16xi32>,
      %get3A_167 = vector.shape_cast %get3A_166 : vector<16xi32> to vector<16xi32>
      %swap3A_168 = arith.index_cast %rem3A_130 : i32 to index
      %swap3A_169 = arith.constant 16 : index
      %swap3A_170 = tpu.vector_load %arg9[%swap3A_168, %swap3A_169] {strides = array<i32>} : memref<4x80xi32, #tpu.memory_space<vmem>>, vector<1x16xi32>,
      %swap3A_171 = vector.shape_cast %swap3A_170 : vector<1x16xi32> to vector<16xi32>
      %swap3A_172 = vector.shape_cast %get3A_167 : vector<16xi32> to vector<1x16xi32>
      tpu.vector_store %arg9[%swap3A_168, %swap3A_169], %swap3A_172 {strides = array<i32>} : memref<4x80xi32, #tpu.memory_space<vmem>>, vector<1x16xi32>,
      %mul3A_173 = arith.constant 80 : i32
      %mul3A_174 = arith.muli %scan3A_129, %mul3A_173 : i32
      %add3A_175 = arith.constant 32 : i32
      %add3A_176 = arith.addi %mul3A_174, %add3A_175 : i32
      %get3A_177 = arith.index_cast %add3A_176 : i32 to index
      %get3A_178 = tpu.vector_load %arg8[%get3A_177] {strides = array<i32>} : memref<3360xi32, #tpu.memory_space<vmem>>, vector<16xi32>,
      %get3A_179 = vector.shape_cast %get3A_178 : vector<16xi32> to vector<16xi32>
      %swap3A_180 = arith.index_cast %rem3A_130 : i32 to index
      %swap3A_181 = arith.constant 32 : index
      %swap3A_182 = tpu.vector_load %arg9[%swap3A_180, %swap3A_181] {strides = array<i32>} : memref<4x80xi32, #tpu.memory_space<vmem>>, vector<1x16xi32>,
      %swap3A_183 = vector.shape_cast %swap3A_182 : vector<1x16xi32> to vector<16xi32>
      %swap3A_184 = vector.shape_cast %get3A_179 : vector<16xi32> to vector<1x16xi32>
      tpu.vector_store %arg9[%swap3A_180, %swap3A_181], %swap3A_184 {strides = array<i32>} : memref<4x80xi32, #tpu.memory_space<vmem>>, vector<1x16xi32>,
      %mul3A_185 = arith.constant 80 : i32
      %mul3A_186 = arith.muli %scan3A_129, %mul3A_185 : i32
      %add3A_187 = arith.constant 48 : i32
      %add3A_188 = arith.addi %mul3A_186, %add3A_187 : i32
      %get3A_189 = arith.index_cast %add3A_188 : i32 to index
      %get3A_190 = tpu.vector_load %arg8[%get3A_189] {strides = array<i32>} : memref<3360xi32, #tpu.memory_space<vmem>>, vector<16xi32>,
      %get3A_191 = vector.shape_cast %get3A_190 : vector<16xi32> to vector<16xi32>
      %swap3A_192 = arith.index_cast %rem3A_130 : i32 to index
      %swap3A_193 = arith.constant 48 : index
      %swap3A_194 = tpu.vector_load %arg9[%swap3A_192, %swap3A_193] {strides = array<i32>} : memref<4x80xi32, #tpu.memory_space<vmem>>, vector<1x16xi32>,
      %swap3A_195 = vector.shape_cast %swap3A_194 : vector<1x16xi32> to vector<16xi32>
      %swap3A_196 = vector.shape_cast %get3A_191 : vector<16xi32> to vector<1x16xi32>
      tpu.vector_store %arg9[%swap3A_192, %swap3A_193], %swap3A_196 {strides = array<i32>} : memref<4x80xi32, #tpu.memory_space<vmem>>, vector<1x16xi32>,
      %mul3A_197 = arith.constant 80 : i32
      %mul3A_198 = arith.muli %scan3A_129, %mul3A_197 : i32
      %add3A_199 = arith.constant 64 : i32
      %add3A_200 = arith.addi %mul3A_198, %add3A_199 : i32
      %get3A_201 = arith.index_cast %add3A_200 : i32 to index
      %get3A_202 = tpu.vector_load %arg8[%get3A_201] {strides = array<i32>} : memref<3360xi32, #tpu.memory_space<vmem>>, vector<16xi32>,
      %get3A_203 = vector.shape_cast %get3A_202 : vector<16xi32> to vector<16xi32>
      %swap3A_204 = arith.index_cast %rem3A_130 : i32 to index
      %swap3A_205 = arith.constant 64 : index
      %swap3A_206 = tpu.vector_load %arg9[%swap3A_204, %swap3A_205] {strides = array<i32>} : memref<4x80xi32, #tpu.memory_space<vmem>>, vector<1x16xi32>,
      %swap3A_207 = vector.shape_cast %swap3A_206 : vector<1x16xi32> to vector<16xi32>
      %swap3A_208 = vector.shape_cast %get3A_203 : vector<16xi32> to vector<1x16xi32>
      tpu.vector_store %arg9[%swap3A_204, %swap3A_205], %swap3A_208 {strides = array<i32>} : memref<4x80xi32, #tpu.memory_space<vmem>>, vector<1x16xi32>,
      "tpu.region"() ({
        %run_scoped3A = tpu.sem_alloc : memref<!tpu.dma_semaphore, #tpu.memory_space<semaphore_mem>>
        %dma_start3A_209 = arith.constant 0 : i32
        %dma_start3A_210 = arith.constant 0 : i32
        %dma_start3A_211 = tpu.memref_slice %arg10[%rem3A_130, %dma_start3A_209, %dma_start3A_210] : memref<4x80x128xf32, #tpu.memory_space<vmem>> -> memref<1x80x128xf32, #tpu.memory_space<vmem>>
        %dma_start3A_212 = tpu.memref_squeeze %dma_start3A_211 : memref<1x80x128xf32, #tpu.memory_space<vmem>> -> memref<80x128xf32, #tpu.memory_space<vmem>>
        %dma_start3A_213 = arith.constant 0 : i32
        %dma_start3A_214 = tpu.memref_slice %arg9[%rem3A_130, %dma_start3A_213] : memref<4x80xi32, #tpu.memory_space<vmem>> -> memref<1x80xi32, #tpu.memory_space<vmem>>
        %dma_start3A_215 = tpu.memref_squeeze %dma_start3A_214 : memref<1x80xi32, #tpu.memory_space<vmem>> -> memref<80xi32, #tpu.memory_space<vmem>>
        %dma_start3A_216 = arith.constant 0 : i32
        %dma_start3A_217 = arith.constant 0 : i32
        %dma_start3A_218 = tpu.memref_slice %arg11[%dma_start3A_216, %dma_start3A_217] : memref<10000x128xf32, #tpu.memory_space<vmem_shared>> -> memref<10000x128xf32, #tpu.memory_space<vmem_shared>>
        tpu.enqueue_indirect_dma source(%dma_start3A_212 : memref<80x128xf32, #tpu.memory_space<vmem>>) target(%dma_start3A_218 : memref<10000x128xf32, #tpu.memory_space<vmem_shared>>) offsets(%dma_start3A_215 : memref<80xi32, #tpu.memory_space<vmem>>) semaphore(%run_scoped3A : memref<!tpu.dma_semaphore, #tpu.memory_space<semaphore_mem>>) {add = true}
        %dma_wait3A_219 = arith.constant 0 : i32
        %dma_wait3A_220 = arith.constant 0 : i32
        %dma_wait3A_221 = tpu.memref_slice %arg10[%rem3A_130, %dma_wait3A_219, %dma_wait3A_220] : memref<4x80x128xf32, #tpu.memory_space<vmem>> -> memref<1x80x128xf32, #tpu.memory_space<vmem>>
        %dma_wait3A_222 = tpu.memref_squeeze %dma_wait3A_221 : memref<1x80x128xf32, #tpu.memory_space<vmem>> -> memref<80x128xf32, #tpu.memory_space<vmem>>
        %dma_wait3A_223 = arith.constant 0 : i32
        %dma_wait3A_224 = tpu.memref_slice %arg9[%rem3A_130, %dma_wait3A_223] : memref<4x80xi32, #tpu.memory_space<vmem>> -> memref<1x80xi32, #tpu.memory_space<vmem>>
        %dma_wait3A_225 = tpu.memref_squeeze %dma_wait3A_224 : memref<1x80xi32, #tpu.memory_space<vmem>> -> memref<80xi32, #tpu.memory_space<vmem>>
        %dma_wait3A_226 = arith.constant 0 : i32
        %dma_wait3A_227 = arith.constant 0 : i32
        %dma_wait3A_228 = tpu.memref_slice %arg11[%dma_wait3A_226, %dma_wait3A_227] : memref<10000x128xf32, #tpu.memory_space<vmem_shared>> -> memref<10000x128xf32, #tpu.memory_space<vmem_shared>>
        tpu.wait_indirect_dma semaphore(%run_scoped3A : memref<!tpu.dma_semaphore, #tpu.memory_space<semaphore_mem>>) src(%dma_wait3A_222 : memref<80x128xf32, #tpu.memory_space<vmem>>) dst(%dma_wait3A_228 : memref<10000x128xf32, #tpu.memory_space<vmem_shared>>)
        tpu.yield
      }) : () -> ()
    }
    %scan3A_42 = arith.constant 42 : i32
    %add3A_43 = arith.constant 3360 : i32
    %add3A_44 = arith.addi %add3A, %add3A_43 : i32
    "tpu.region"() ({
      %run_scoped3A = tpu.sem_alloc : memref<!tpu.dma_semaphore, #tpu.memory_space<semaphore_mem>>
      %dma_start3A_129 = arith.constant 0 : i32
      %dma_start3A_130 = tpu.memref_slice %arg7[%dma_start3A_129] : memref<3360xi32, #tpu.memory_space<vmem>> -> memref<3360xi32, #tpu.memory_space<vmem>>
      %dma_start3A_131 = tpu.memref_slice %arg3[%add3A_44] : memref<320000xi32, #tpu.memory_space<hbm>> -> memref<3360xi32, #tpu.memory_space<hbm>>
      %dma_start3A_132 = arith.constant 0 : i32
      %dma_start3A_133 = tpu.memref_slice %arg7[%dma_start3A_132] : memref<3360xi32, #tpu.memory_space<vmem>> -> memref<3360xi32, #tpu.memory_space<vmem>>
      %dma_start3A_134 = tpu.memref_slice %arg3[%add3A_44] : memref<320000xi32, #tpu.memory_space<hbm>> -> memref<3360xi32, #tpu.memory_space<hbm>>
      tpu.enqueue_dma source(%dma_start3A_134 : memref<3360xi32, #tpu.memory_space<hbm>>) target(%dma_start3A_133 : memref<3360xi32, #tpu.memory_space<vmem>>) target_semaphore(%run_scoped3A : memref<!tpu.dma_semaphore, #tpu.memory_space<semaphore_mem>>)
      %dma_wait3A = arith.constant 0 : i32
      %dma_wait3A_135 = tpu.memref_slice %arg7[%dma_wait3A] : memref<3360xi32, #tpu.memory_space<vmem>> -> memref<3360xi32, #tpu.memory_space<vmem>>
      %dma_wait3A_136 = tpu.memref_slice %arg3[%add3A_44] : memref<320000xi32, #tpu.memory_space<hbm>> -> memref<3360xi32, #tpu.memory_space<hbm>>
      %dma_wait3A_137 = arith.constant 0 : i32
      %dma_wait3A_138 = tpu.memref_slice %arg7[%dma_wait3A_137] : memref<3360xi32, #tpu.memory_space<vmem>> -> memref<3360xi32, #tpu.memory_space<vmem>>
      %dma_wait3A_139 = tpu.memref_slice %arg3[%add3A_44] : memref<320000xi32, #tpu.memory_space<hbm>> -> memref<3360xi32, #tpu.memory_space<hbm>>
      tpu.wait_dma2 semaphore(%run_scoped3A : memref<!tpu.dma_semaphore, #tpu.memory_space<semaphore_mem>>) src(%dma_wait3A_139 : memref<3360xi32, #tpu.memory_space<hbm>>) dst(%dma_wait3A_138 : memref<3360xi32, #tpu.memory_space<vmem>>)
      tpu.yield
    }) : () -> ()
    %add3A_45 = arith.constant 3360 : i32
    %add3A_46 = arith.addi %add3A, %add3A_45 : i32
    "tpu.region"() ({
      %run_scoped3A = tpu.sem_alloc : memref<!tpu.dma_semaphore, #tpu.memory_space<semaphore_mem>>
      %dma_start3A_129 = arith.constant 0 : i32
      %dma_start3A_130 = tpu.memref_slice %arg8[%dma_start3A_129] : memref<3360xi32, #tpu.memory_space<vmem>> -> memref<3360xi32, #tpu.memory_space<vmem>>
      %dma_start3A_131 = tpu.memref_slice %arg4[%add3A_46] : memref<320000xi32, #tpu.memory_space<hbm>> -> memref<3360xi32, #tpu.memory_space<hbm>>
      %dma_start3A_132 = arith.constant 0 : i32
      %dma_start3A_133 = tpu.memref_slice %arg8[%dma_start3A_132] : memref<3360xi32, #tpu.memory_space<vmem>> -> memref<3360xi32, #tpu.memory_space<vmem>>
      %dma_start3A_134 = tpu.memref_slice %arg4[%add3A_46] : memref<320000xi32, #tpu.memory_space<hbm>> -> memref<3360xi32, #tpu.memory_space<hbm>>
      tpu.enqueue_dma source(%dma_start3A_134 : memref<3360xi32, #tpu.memory_space<hbm>>) target(%dma_start3A_133 : memref<3360xi32, #tpu.memory_space<vmem>>) target_semaphore(%run_scoped3A : memref<!tpu.dma_semaphore, #tpu.memory_space<semaphore_mem>>)
      %dma_wait3A = arith.constant 0 : i32
      %dma_wait3A_135 = tpu.memref_slice %arg8[%dma_wait3A] : memref<3360xi32, #tpu.memory_space<vmem>> -> memref<3360xi32, #tpu.memory_space<vmem>>
      %dma_wait3A_136 = tpu.memref_slice %arg4[%add3A_46] : memref<320000xi32, #tpu.memory_space<hbm>> -> memref<3360xi32, #tpu.memory_space<hbm>>
      %dma_wait3A_137 = arith.constant 0 : i32
      %dma_wait3A_138 = tpu.memref_slice %arg8[%dma_wait3A_137] : memref<3360xi32, #tpu.memory_space<vmem>> -> memref<3360xi32, #tpu.memory_space<vmem>>
      %dma_wait3A_139 = tpu.memref_slice %arg4[%add3A_46] : memref<320000xi32, #tpu.memory_space<hbm>> -> memref<3360xi32, #tpu.memory_space<hbm>>
      tpu.wait_dma2 semaphore(%run_scoped3A : memref<!tpu.dma_semaphore, #tpu.memory_space<semaphore_mem>>) src(%dma_wait3A_139 : memref<3360xi32, #tpu.memory_space<hbm>>) dst(%dma_wait3A_138 : memref<3360xi32, #tpu.memory_space<vmem>>)
      tpu.yield
    }) : () -> ()
    %dma_start3A_47 = arith.constant 0 : i32
    %dma_start3A_48 = arith.constant 0 : i32
    %dma_start3A_49 = arith.constant 0 : i32
    %dma_start3A_50 = tpu.memref_slice %arg10[%dma_start3A_47, %dma_start3A_48, %dma_start3A_49] : memref<4x80x128xf32, #tpu.memory_space<vmem>> -> memref<1x80x128xf32, #tpu.memory_space<vmem>>
    %dma_start3A_51 = tpu.memref_squeeze %dma_start3A_50 : memref<1x80x128xf32, #tpu.memory_space<vmem>> -> memref<80x128xf32, #tpu.memory_space<vmem>>
    %dma_start3A_52 = arith.constant 0 : i32
    %dma_start3A_53 = tpu.memref_slice %arg7[%dma_start3A_52] : memref<3360xi32, #tpu.memory_space<vmem>> -> memref<80xi32, #tpu.memory_space<vmem>>
    %dma_start3A_54 = arith.constant 0 : i32
    %dma_start3A_55 = arith.constant 0 : i32
    %dma_start3A_56 = tpu.memref_slice %arg2[%dma_start3A_54, %dma_start3A_55] : memref<20000x128xf32, #tpu.memory_space<hbm>> -> memref<20000x128xf32, #tpu.memory_space<hbm>>
    tpu.enqueue_indirect_dma source(%dma_start3A_56 : memref<20000x128xf32, #tpu.memory_space<hbm>>) target(%dma_start3A_51 : memref<80x128xf32, #tpu.memory_space<vmem>>) offsets(%dma_start3A_53 : memref<80xi32, #tpu.memory_space<vmem>>) semaphore(%arg12 : memref<!tpu.dma_semaphore, #tpu.memory_space<semaphore_mem>>)
    %dma_start3A_57 = arith.constant 1 : i32
    %dma_start3A_58 = arith.constant 0 : i32
    %dma_start3A_59 = arith.constant 0 : i32
    %dma_start3A_60 = tpu.memref_slice %arg10[%dma_start3A_57, %dma_start3A_58, %dma_start3A_59] : memref<4x80x128xf32, #tpu.memory_space<vmem>> -> memref<1x80x128xf32, #tpu.memory_space<vmem>>
    %dma_start3A_61 = tpu.memref_squeeze %dma_start3A_60 : memref<1x80x128xf32, #tpu.memory_space<vmem>> -> memref<80x128xf32, #tpu.memory_space<vmem>>
    %dma_start3A_62 = arith.constant 80 : i32
    %dma_start3A_63 = tpu.memref_slice %arg7[%dma_start3A_62] : memref<3360xi32, #tpu.memory_space<vmem>> -> memref<80xi32, #tpu.memory_space<vmem>>
    %dma_start3A_64 = arith.constant 0 : i32
    %dma_start3A_65 = arith.constant 0 : i32
    %dma_start3A_66 = tpu.memref_slice %arg2[%dma_start3A_64, %dma_start3A_65] : memref<20000x128xf32, #tpu.memory_space<hbm>> -> memref<20000x128xf32, #tpu.memory_space<hbm>>
    tpu.enqueue_indirect_dma source(%dma_start3A_66 : memref<20000x128xf32, #tpu.memory_space<hbm>>) target(%dma_start3A_61 : memref<80x128xf32, #tpu.memory_space<vmem>>) offsets(%dma_start3A_63 : memref<80xi32, #tpu.memory_space<vmem>>) semaphore(%arg12 : memref<!tpu.dma_semaphore, #tpu.memory_space<semaphore_mem>>)
    %dma_start3A_67 = arith.constant 2 : i32
    %dma_start3A_68 = arith.constant 0 : i32
    %dma_start3A_69 = arith.constant 0 : i32
    %dma_start3A_70 = tpu.memref_slice %arg10[%dma_start3A_67, %dma_start3A_68, %dma_start3A_69] : memref<4x80x128xf32, #tpu.memory_space<vmem>> -> memref<1x80x128xf32, #tpu.memory_space<vmem>>
    %dma_start3A_71 = tpu.memref_squeeze %dma_start3A_70 : memref<1x80x128xf32, #tpu.memory_space<vmem>> -> memref<80x128xf32, #tpu.memory_space<vmem>>
    %dma_start3A_72 = arith.constant 160 : i32
    %dma_start3A_73 = tpu.memref_slice %arg7[%dma_start3A_72] : memref<3360xi32, #tpu.memory_space<vmem>> -> memref<80xi32, #tpu.memory_space<vmem>>
    %dma_start3A_74 = arith.constant 0 : i32
    %dma_start3A_75 = arith.constant 0 : i32
    %dma_start3A_76 = tpu.memref_slice %arg2[%dma_start3A_74, %dma_start3A_75] : memref<20000x128xf32, #tpu.memory_space<hbm>> -> memref<20000x128xf32, #tpu.memory_space<hbm>>
    tpu.enqueue_indirect_dma source(%dma_start3A_76 : memref<20000x128xf32, #tpu.memory_space<hbm>>) target(%dma_start3A_71 : memref<80x128xf32, #tpu.memory_space<vmem>>) offsets(%dma_start3A_73 : memref<80xi32, #tpu.memory_space<vmem>>) semaphore(%arg12 : memref<!tpu.dma_semaphore, #tpu.memory_space<semaphore_mem>>)
    %scan3A_77 = arith.constant 0 : i32
    %scan3A_78 = arith.constant 0 : i32
    %scan3A_79 = arith.constant 42 : i32
    %scan3A_80 = arith.addi %scan3A_78, %scan3A_79 : i32
    %scan3A_81 = arith.constant 1 : i32
    scf.for %scan3A_129 = %scan3A_78 to %scan3A_80 step %scan3A_81  : i32 {
      %rem3A = arith.constant 4 : i32
      %rem3A_130 = arith.remsi %scan3A_129, %rem3A : i32
      %dma_wait3A = arith.constant 0 : i32
      %dma_wait3A_131 = arith.constant 0 : i32
      %dma_wait3A_132 = tpu.memref_slice %arg10[%rem3A_130, %dma_wait3A, %dma_wait3A_131] : memref<4x80x128xf32, #tpu.memory_space<vmem>> -> memref<1x80x128xf32, #tpu.memory_space<vmem>>
      %dma_wait3A_133 = tpu.memref_squeeze %dma_wait3A_132 : memref<1x80x128xf32, #tpu.memory_space<vmem>> -> memref<80x128xf32, #tpu.memory_space<vmem>>
      %dma_wait3A_134 = arith.constant 0 : i32
      %dma_wait3A_135 = arith.constant 0 : i32
      %dma_wait3A_136 = tpu.memref_slice %arg2[%dma_wait3A_134, %dma_wait3A_135] : memref<20000x128xf32, #tpu.memory_space<hbm>> -> memref<80x128xf32, #tpu.memory_space<hbm>>
      %dma_wait3A_137 = arith.constant 0 : i32
      %dma_wait3A_138 = arith.constant 0 : i32
      %dma_wait3A_139 = tpu.memref_slice %arg10[%rem3A_130, %dma_wait3A_137, %dma_wait3A_138] : memref<4x80x128xf32, #tpu.memory_space<vmem>> -> memref<1x80x128xf32, #tpu.memory_space<vmem>>
      %dma_wait3A_140 = tpu.memref_squeeze %dma_wait3A_139 : memref<1x80x128xf32, #tpu.memory_space<vmem>> -> memref<80x128xf32, #tpu.memory_space<vmem>>
      %dma_wait3A_141 = arith.constant 0 : i32
      %dma_wait3A_142 = arith.constant 0 : i32
      %dma_wait3A_143 = tpu.memref_slice %arg2[%dma_wait3A_141, %dma_wait3A_142] : memref<20000x128xf32, #tpu.memory_space<hbm>> -> memref<80x128xf32, #tpu.memory_space<hbm>>
      tpu.wait_dma2 semaphore(%arg12 : memref<!tpu.dma_semaphore, #tpu.memory_space<semaphore_mem>>) src(%dma_wait3A_143 : memref<80x128xf32, #tpu.memory_space<hbm>>) dst(%dma_wait3A_140 : memref<80x128xf32, #tpu.memory_space<vmem>>)
      %add3A_144 = arith.constant 3 : i32
      %add3A_145 = arith.addi %scan3A_129, %add3A_144 : i32
      %lt3A_146 = arith.constant 42 : i32
      %lt3A_147 = arith.cmpi slt, %add3A_145, %lt3A_146 : i32
      %convert_element_type3A_148 = arith.extui %lt3A_147 : i1 to i32
      %cond3A_149 = arith.constant 0 : i32
      %cond3A_150 = arith.cmpi ne, %convert_element_type3A_148, %cond3A_149 : i32
      scf.if %cond3A_150 {
        %add3A_209 = arith.constant 3 : i32
        %add3A_210 = arith.addi %scan3A_129, %add3A_209 : i32
        %add3A_211 = arith.constant 3 : i32
        %add3A_212 = arith.addi %scan3A_129, %add3A_211 : i32
        %rem3A_213 = arith.constant 4 : i32
        %rem3A_214 = arith.remsi %add3A_212, %rem3A_213 : i32
        %mul3A_215 = arith.constant 80 : i32
        %mul3A_216 = arith.muli %add3A_210, %mul3A_215 : i32
        %dma_start3A_217 = arith.constant 0 : i32
        %dma_start3A_218 = arith.constant 0 : i32
        %dma_start3A_219 = tpu.memref_slice %arg10[%rem3A_214, %dma_start3A_217, %dma_start3A_218] : memref<4x80x128xf32, #tpu.memory_space<vmem>> -> memref<1x80x128xf32, #tpu.memory_space<vmem>>
        %dma_start3A_220 = tpu.memref_squeeze %dma_start3A_219 : memref<1x80x128xf32, #tpu.memory_space<vmem>> -> memref<80x128xf32, #tpu.memory_space<vmem>>
        %dma_start3A_221 = tpu.memref_slice %arg7[%mul3A_216] : memref<3360xi32, #tpu.memory_space<vmem>> -> memref<80xi32, #tpu.memory_space<vmem>>
        %dma_start3A_222 = arith.constant 0 : i32
        %dma_start3A_223 = arith.constant 0 : i32
        %dma_start3A_224 = tpu.memref_slice %arg2[%dma_start3A_222, %dma_start3A_223] : memref<20000x128xf32, #tpu.memory_space<hbm>> -> memref<20000x128xf32, #tpu.memory_space<hbm>>
        tpu.enqueue_indirect_dma source(%dma_start3A_224 : memref<20000x128xf32, #tpu.memory_space<hbm>>) target(%dma_start3A_220 : memref<80x128xf32, #tpu.memory_space<vmem>>) offsets(%dma_start3A_221 : memref<80xi32, #tpu.memory_space<vmem>>) semaphore(%arg12 : memref<!tpu.dma_semaphore, #tpu.memory_space<semaphore_mem>>)
      } else {
      }
      %mul3A_151 = arith.constant 80 : i32
      %mul3A_152 = arith.muli %scan3A_129, %mul3A_151 : i32
      %add3A_153 = arith.constant 0 : i32
      %add3A_154 = arith.addi %mul3A_152, %add3A_153 : i32
      %get3A = arith.index_cast %add3A_154 : i32 to index
      %get3A_155 = tpu.vector_load %arg8[%get3A] {strides = array<i32>} : memref<3360xi32, #tpu.memory_space<vmem>>, vector<16xi32>,
      %get3A_156 = vector.shape_cast %get3A_155 : vector<16xi32> to vector<16xi32>
      %swap3A = arith.index_cast %rem3A_130 : i32 to index
      %swap3A_157 = arith.constant 0 : index
      %swap3A_158 = tpu.vector_load %arg9[%swap3A, %swap3A_157] {strides = array<i32>} : memref<4x80xi32, #tpu.memory_space<vmem>>, vector<1x16xi32>,
      %swap3A_159 = vector.shape_cast %swap3A_158 : vector<1x16xi32> to vector<16xi32>
      %swap3A_160 = vector.shape_cast %get3A_156 : vector<16xi32> to vector<1x16xi32>
      tpu.vector_store %arg9[%swap3A, %swap3A_157], %swap3A_160 {strides = array<i32>} : memref<4x80xi32, #tpu.memory_space<vmem>>, vector<1x16xi32>,
      %mul3A_161 = arith.constant 80 : i32
      %mul3A_162 = arith.muli %scan3A_129, %mul3A_161 : i32
      %add3A_163 = arith.constant 16 : i32
      %add3A_164 = arith.addi %mul3A_162, %add3A_163 : i32
      %get3A_165 = arith.index_cast %add3A_164 : i32 to index
      %get3A_166 = tpu.vector_load %arg8[%get3A_165] {strides = array<i32>} : memref<3360xi32, #tpu.memory_space<vmem>>, vector<16xi32>,
      %get3A_167 = vector.shape_cast %get3A_166 : vector<16xi32> to vector<16xi32>
      %swap3A_168 = arith.index_cast %rem3A_130 : i32 to index
      %swap3A_169 = arith.constant 16 : index
      %swap3A_170 = tpu.vector_load %arg9[%swap3A_168, %swap3A_169] {strides = array<i32>} : memref<4x80xi32, #tpu.memory_space<vmem>>, vector<1x16xi32>,
      %swap3A_171 = vector.shape_cast %swap3A_170 : vector<1x16xi32> to vector<16xi32>
      %swap3A_172 = vector.shape_cast %get3A_167 : vector<16xi32> to vector<1x16xi32>
      tpu.vector_store %arg9[%swap3A_168, %swap3A_169], %swap3A_172 {strides = array<i32>} : memref<4x80xi32, #tpu.memory_space<vmem>>, vector<1x16xi32>,
      %mul3A_173 = arith.constant 80 : i32
      %mul3A_174 = arith.muli %scan3A_129, %mul3A_173 : i32
      %add3A_175 = arith.constant 32 : i32
      %add3A_176 = arith.addi %mul3A_174, %add3A_175 : i32
      %get3A_177 = arith.index_cast %add3A_176 : i32 to index
      %get3A_178 = tpu.vector_load %arg8[%get3A_177] {strides = array<i32>} : memref<3360xi32, #tpu.memory_space<vmem>>, vector<16xi32>,
      %get3A_179 = vector.shape_cast %get3A_178 : vector<16xi32> to vector<16xi32>
      %swap3A_180 = arith.index_cast %rem3A_130 : i32 to index
      %swap3A_181 = arith.constant 32 : index
      %swap3A_182 = tpu.vector_load %arg9[%swap3A_180, %swap3A_181] {strides = array<i32>} : memref<4x80xi32, #tpu.memory_space<vmem>>, vector<1x16xi32>,
      %swap3A_183 = vector.shape_cast %swap3A_182 : vector<1x16xi32> to vector<16xi32>
      %swap3A_184 = vector.shape_cast %get3A_179 : vector<16xi32> to vector<1x16xi32>
      tpu.vector_store %arg9[%swap3A_180, %swap3A_181], %swap3A_184 {strides = array<i32>} : memref<4x80xi32, #tpu.memory_space<vmem>>, vector<1x16xi32>,
      %mul3A_185 = arith.constant 80 : i32
      %mul3A_186 = arith.muli %scan3A_129, %mul3A_185 : i32
      %add3A_187 = arith.constant 48 : i32
      %add3A_188 = arith.addi %mul3A_186, %add3A_187 : i32
      %get3A_189 = arith.index_cast %add3A_188 : i32 to index
      %get3A_190 = tpu.vector_load %arg8[%get3A_189] {strides = array<i32>} : memref<3360xi32, #tpu.memory_space<vmem>>, vector<16xi32>,
      %get3A_191 = vector.shape_cast %get3A_190 : vector<16xi32> to vector<16xi32>
      %swap3A_192 = arith.index_cast %rem3A_130 : i32 to index
      %swap3A_193 = arith.constant 48 : index
      %swap3A_194 = tpu.vector_load %arg9[%swap3A_192, %swap3A_193] {strides = array<i32>} : memref<4x80xi32, #tpu.memory_space<vmem>>, vector<1x16xi32>,
      %swap3A_195 = vector.shape_cast %swap3A_194 : vector<1x16xi32> to vector<16xi32>
      %swap3A_196 = vector.shape_cast %get3A_191 : vector<16xi32> to vector<1x16xi32>
      tpu.vector_store %arg9[%swap3A_192, %swap3A_193], %swap3A_196 {strides = array<i32>} : memref<4x80xi32, #tpu.memory_space<vmem>>, vector<1x16xi32>,
      %mul3A_197 = arith.constant 80 : i32
      %mul3A_198 = arith.muli %scan3A_129, %mul3A_197 : i32
      %add3A_199 = arith.constant 64 : i32
      %add3A_200 = arith.addi %mul3A_198, %add3A_199 : i32
      %get3A_201 = arith.index_cast %add3A_200 : i32 to index
      %get3A_202 = tpu.vector_load %arg8[%get3A_201] {strides = array<i32>} : memref<3360xi32, #tpu.memory_space<vmem>>, vector<16xi32>,
      %get3A_203 = vector.shape_cast %get3A_202 : vector<16xi32> to vector<16xi32>
      %swap3A_204 = arith.index_cast %rem3A_130 : i32 to index
      %swap3A_205 = arith.constant 64 : index
      %swap3A_206 = tpu.vector_load %arg9[%swap3A_204, %swap3A_205] {strides = array<i32>} : memref<4x80xi32, #tpu.memory_space<vmem>>, vector<1x16xi32>,
      %swap3A_207 = vector.shape_cast %swap3A_206 : vector<1x16xi32> to vector<16xi32>
      %swap3A_208 = vector.shape_cast %get3A_203 : vector<16xi32> to vector<1x16xi32>
      tpu.vector_store %arg9[%swap3A_204, %swap3A_205], %swap3A_208 {strides = array<i32>} : memref<4x80xi32, #tpu.memory_space<vmem>>, vector<1x16xi32>,
      "tpu.region"() ({
        %run_scoped3A = tpu.sem_alloc : memref<!tpu.dma_semaphore, #tpu.memory_space<semaphore_mem>>
        %dma_start3A_209 = arith.constant 0 : i32
        %dma_start3A_210 = arith.constant 0 : i32
        %dma_start3A_211 = tpu.memref_slice %arg10[%rem3A_130, %dma_start3A_209, %dma_start3A_210] : memref<4x80x128xf32, #tpu.memory_space<vmem>> -> memref<1x80x128xf32, #tpu.memory_space<vmem>>
        %dma_start3A_212 = tpu.memref_squeeze %dma_start3A_211 : memref<1x80x128xf32, #tpu.memory_space<vmem>> -> memref<80x128xf32, #tpu.memory_space<vmem>>
        %dma_start3A_213 = arith.constant 0 : i32
        %dma_start3A_214 = tpu.memref_slice %arg9[%rem3A_130, %dma_start3A_213] : memref<4x80xi32, #tpu.memory_space<vmem>> -> memref<1x80xi32, #tpu.memory_space<vmem>>
        %dma_start3A_215 = tpu.memref_squeeze %dma_start3A_214 : memref<1x80xi32, #tpu.memory_space<vmem>> -> memref<80xi32, #tpu.memory_space<vmem>>
        %dma_start3A_216 = arith.constant 0 : i32
        %dma_start3A_217 = arith.constant 0 : i32
        %dma_start3A_218 = tpu.memref_slice %arg11[%dma_start3A_216, %dma_start3A_217] : memref<10000x128xf32, #tpu.memory_space<vmem_shared>> -> memref<10000x128xf32, #tpu.memory_space<vmem_shared>>
        tpu.enqueue_indirect_dma source(%dma_start3A_212 : memref<80x128xf32, #tpu.memory_space<vmem>>) target(%dma_start3A_218 : memref<10000x128xf32, #tpu.memory_space<vmem_shared>>) offsets(%dma_start3A_215 : memref<80xi32, #tpu.memory_space<vmem>>) semaphore(%run_scoped3A : memref<!tpu.dma_semaphore, #tpu.memory_space<semaphore_mem>>) {add = true}
        %dma_wait3A_219 = arith.constant 0 : i32
        %dma_wait3A_220 = arith.constant 0 : i32
        %dma_wait3A_221 = tpu.memref_slice %arg10[%rem3A_130, %dma_wait3A_219, %dma_wait3A_220] : memref<4x80x128xf32, #tpu.memory_space<vmem>> -> memref<1x80x128xf32, #tpu.memory_space<vmem>>
        %dma_wait3A_222 = tpu.memref_squeeze %dma_wait3A_221 : memref<1x80x128xf32, #tpu.memory_space<vmem>> -> memref<80x128xf32, #tpu.memory_space<vmem>>
        %dma_wait3A_223 = arith.constant 0 : i32
        %dma_wait3A_224 = tpu.memref_slice %arg9[%rem3A_130, %dma_wait3A_223] : memref<4x80xi32, #tpu.memory_space<vmem>> -> memref<1x80xi32, #tpu.memory_space<vmem>>
        %dma_wait3A_225 = tpu.memref_squeeze %dma_wait3A_224 : memref<1x80xi32, #tpu.memory_space<vmem>> -> memref<80xi32, #tpu.memory_space<vmem>>
        %dma_wait3A_226 = arith.constant 0 : i32
        %dma_wait3A_227 = arith.constant 0 : i32
        %dma_wait3A_228 = tpu.memref_slice %arg11[%dma_wait3A_226, %dma_wait3A_227] : memref<10000x128xf32, #tpu.memory_space<vmem_shared>> -> memref<10000x128xf32, #tpu.memory_space<vmem_shared>>
        tpu.wait_indirect_dma semaphore(%run_scoped3A : memref<!tpu.dma_semaphore, #tpu.memory_space<semaphore_mem>>) src(%dma_wait3A_222 : memref<80x128xf32, #tpu.memory_space<vmem>>) dst(%dma_wait3A_228 : memref<10000x128xf32, #tpu.memory_space<vmem_shared>>)
        tpu.yield
      }) : () -> ()
    }
    %scan3A_82 = arith.constant 42 : i32
    %add3A_83 = arith.constant 6720 : i32
    %add3A_84 = arith.addi %add3A, %add3A_83 : i32
    "tpu.region"() ({
      %run_scoped3A = tpu.sem_alloc : memref<!tpu.dma_semaphore, #tpu.memory_space<semaphore_mem>>
      %dma_start3A_129 = arith.constant 0 : i32
      %dma_start3A_130 = tpu.memref_slice %arg7[%dma_start3A_129] : memref<3360xi32, #tpu.memory_space<vmem>> -> memref<3280xi32, #tpu.memory_space<vmem>>
      %dma_start3A_131 = tpu.memref_slice %arg3[%add3A_84] : memref<320000xi32, #tpu.memory_space<hbm>> -> memref<3280xi32, #tpu.memory_space<hbm>>
      %dma_start3A_132 = arith.constant 0 : i32
      %dma_start3A_133 = tpu.memref_slice %arg7[%dma_start3A_132] : memref<3360xi32, #tpu.memory_space<vmem>> -> memref<3280xi32, #tpu.memory_space<vmem>>
      %dma_start3A_134 = tpu.memref_slice %arg3[%add3A_84] : memref<320000xi32, #tpu.memory_space<hbm>> -> memref<3280xi32, #tpu.memory_space<hbm>>
      tpu.enqueue_dma source(%dma_start3A_134 : memref<3280xi32, #tpu.memory_space<hbm>>) target(%dma_start3A_133 : memref<3280xi32, #tpu.memory_space<vmem>>) target_semaphore(%run_scoped3A : memref<!tpu.dma_semaphore, #tpu.memory_space<semaphore_mem>>)
      %dma_wait3A = arith.constant 0 : i32
      %dma_wait3A_135 = tpu.memref_slice %arg7[%dma_wait3A] : memref<3360xi32, #tpu.memory_space<vmem>> -> memref<3280xi32, #tpu.memory_space<vmem>>
      %dma_wait3A_136 = tpu.memref_slice %arg3[%add3A_84] : memref<320000xi32, #tpu.memory_space<hbm>> -> memref<3280xi32, #tpu.memory_space<hbm>>
      %dma_wait3A_137 = arith.constant 0 : i32
      %dma_wait3A_138 = tpu.memref_slice %arg7[%dma_wait3A_137] : memref<3360xi32, #tpu.memory_space<vmem>> -> memref<3280xi32, #tpu.memory_space<vmem>>
      %dma_wait3A_139 = tpu.memref_slice %arg3[%add3A_84] : memref<320000xi32, #tpu.memory_space<hbm>> -> memref<3280xi32, #tpu.memory_space<hbm>>
      tpu.wait_dma2 semaphore(%run_scoped3A : memref<!tpu.dma_semaphore, #tpu.memory_space<semaphore_mem>>) src(%dma_wait3A_139 : memref<3280xi32, #tpu.memory_space<hbm>>) dst(%dma_wait3A_138 : memref<3280xi32, #tpu.memory_space<vmem>>)
      tpu.yield
    }) : () -> ()
    %add3A_85 = arith.constant 6720 : i32
    %add3A_86 = arith.addi %add3A, %add3A_85 : i32
    "tpu.region"() ({
      %run_scoped3A = tpu.sem_alloc : memref<!tpu.dma_semaphore, #tpu.memory_space<semaphore_mem>>
      %dma_start3A_129 = arith.constant 0 : i32
      %dma_start3A_130 = tpu.memref_slice %arg8[%dma_start3A_129] : memref<3360xi32, #tpu.memory_space<vmem>> -> memref<3280xi32, #tpu.memory_space<vmem>>
      %dma_start3A_131 = tpu.memref_slice %arg4[%add3A_86] : memref<320000xi32, #tpu.memory_space<hbm>> -> memref<3280xi32, #tpu.memory_space<hbm>>
      %dma_start3A_132 = arith.constant 0 : i32
      %dma_start3A_133 = tpu.memref_slice %arg8[%dma_start3A_132] : memref<3360xi32, #tpu.memory_space<vmem>> -> memref<3280xi32, #tpu.memory_space<vmem>>
      %dma_start3A_134 = tpu.memref_slice %arg4[%add3A_86] : memref<320000xi32, #tpu.memory_space<hbm>> -> memref<3280xi32, #tpu.memory_space<hbm>>
      tpu.enqueue_dma source(%dma_start3A_134 : memref<3280xi32, #tpu.memory_space<hbm>>) target(%dma_start3A_133 : memref<3280xi32, #tpu.memory_space<vmem>>) target_semaphore(%run_scoped3A : memref<!tpu.dma_semaphore, #tpu.memory_space<semaphore_mem>>)
      %dma_wait3A = arith.constant 0 : i32
      %dma_wait3A_135 = tpu.memref_slice %arg8[%dma_wait3A] : memref<3360xi32, #tpu.memory_space<vmem>> -> memref<3280xi32, #tpu.memory_space<vmem>>
      %dma_wait3A_136 = tpu.memref_slice %arg4[%add3A_86] : memref<320000xi32, #tpu.memory_space<hbm>> -> memref<3280xi32, #tpu.memory_space<hbm>>
      %dma_wait3A_137 = arith.constant 0 : i32
      %dma_wait3A_138 = tpu.memref_slice %arg8[%dma_wait3A_137] : memref<3360xi32, #tpu.memory_space<vmem>> -> memref<3280xi32, #tpu.memory_space<vmem>>
      %dma_wait3A_139 = tpu.memref_slice %arg4[%add3A_86] : memref<320000xi32, #tpu.memory_space<hbm>> -> memref<3280xi32, #tpu.memory_space<hbm>>
      tpu.wait_dma2 semaphore(%run_scoped3A : memref<!tpu.dma_semaphore, #tpu.memory_space<semaphore_mem>>) src(%dma_wait3A_139 : memref<3280xi32, #tpu.memory_space<hbm>>) dst(%dma_wait3A_138 : memref<3280xi32, #tpu.memory_space<vmem>>)
      tpu.yield
    }) : () -> ()
    %dma_start3A_87 = arith.constant 0 : i32
    %dma_start3A_88 = arith.constant 0 : i32
    %dma_start3A_89 = arith.constant 0 : i32
    %dma_start3A_90 = tpu.memref_slice %arg10[%dma_start3A_87, %dma_start3A_88, %dma_start3A_89] : memref<4x80x128xf32, #tpu.memory_space<vmem>> -> memref<1x80x128xf32, #tpu.memory_space<vmem>>
    %dma_start3A_91 = tpu.memref_squeeze %dma_start3A_90 : memref<1x80x128xf32, #tpu.memory_space<vmem>> -> memref<80x128xf32, #tpu.memory_space<vmem>>
    %dma_start3A_92 = arith.constant 0 : i32
    %dma_start3A_93 = tpu.memref_slice %arg7[%dma_start3A_92] : memref<3360xi32, #tpu.memory_space<vmem>> -> memref<80xi32, #tpu.memory_space<vmem>>
    %dma_start3A_94 = arith.constant 0 : i32
    %dma_start3A_95 = arith.constant 0 : i32
    %dma_start3A_96 = tpu.memref_slice %arg2[%dma_start3A_94, %dma_start3A_95] : memref<20000x128xf32, #tpu.memory_space<hbm>> -> memref<20000x128xf32, #tpu.memory_space<hbm>>
    tpu.enqueue_indirect_dma source(%dma_start3A_96 : memref<20000x128xf32, #tpu.memory_space<hbm>>) target(%dma_start3A_91 : memref<80x128xf32, #tpu.memory_space<vmem>>) offsets(%dma_start3A_93 : memref<80xi32, #tpu.memory_space<vmem>>) semaphore(%arg12 : memref<!tpu.dma_semaphore, #tpu.memory_space<semaphore_mem>>)
    %dma_start3A_97 = arith.constant 1 : i32
    %dma_start3A_98 = arith.constant 0 : i32
    %dma_start3A_99 = arith.constant 0 : i32
    %dma_start3A_100 = tpu.memref_slice %arg10[%dma_start3A_97, %dma_start3A_98, %dma_start3A_99] : memref<4x80x128xf32, #tpu.memory_space<vmem>> -> memref<1x80x128xf32, #tpu.memory_space<vmem>>
    %dma_start3A_101 = tpu.memref_squeeze %dma_start3A_100 : memref<1x80x128xf32, #tpu.memory_space<vmem>> -> memref<80x128xf32, #tpu.memory_space<vmem>>
    %dma_start3A_102 = arith.constant 80 : i32
    %dma_start3A_103 = tpu.memref_slice %arg7[%dma_start3A_102] : memref<3360xi32, #tpu.memory_space<vmem>> -> memref<80xi32, #tpu.memory_space<vmem>>
    %dma_start3A_104 = arith.constant 0 : i32
    %dma_start3A_105 = arith.constant 0 : i32
    %dma_start3A_106 = tpu.memref_slice %arg2[%dma_start3A_104, %dma_start3A_105] : memref<20000x128xf32, #tpu.memory_space<hbm>> -> memref<20000x128xf32, #tpu.memory_space<hbm>>
    tpu.enqueue_indirect_dma source(%dma_start3A_106 : memref<20000x128xf32, #tpu.memory_space<hbm>>) target(%dma_start3A_101 : memref<80x128xf32, #tpu.memory_space<vmem>>) offsets(%dma_start3A_103 : memref<80xi32, #tpu.memory_space<vmem>>) semaphore(%arg12 : memref<!tpu.dma_semaphore, #tpu.memory_space<semaphore_mem>>)
    %dma_start3A_107 = arith.constant 2 : i32
    %dma_start3A_108 = arith.constant 0 : i32
    %dma_start3A_109 = arith.constant 0 : i32
    %dma_start3A_110 = tpu.memref_slice %arg10[%dma_start3A_107, %dma_start3A_108, %dma_start3A_109] : memref<4x80x128xf32, #tpu.memory_space<vmem>> -> memref<1x80x128xf32, #tpu.memory_space<vmem>>
    %dma_start3A_111 = tpu.memref_squeeze %dma_start3A_110 : memref<1x80x128xf32, #tpu.memory_space<vmem>> -> memref<80x128xf32, #tpu.memory_space<vmem>>
    %dma_start3A_112 = arith.constant 160 : i32
    %dma_start3A_113 = tpu.memref_slice %arg7[%dma_start3A_112] : memref<3360xi32, #tpu.memory_space<vmem>> -> memref<80xi32, #tpu.memory_space<vmem>>
    %dma_start3A_114 = arith.constant 0 : i32
    %dma_start3A_115 = arith.constant 0 : i32
    %dma_start3A_116 = tpu.memref_slice %arg2[%dma_start3A_114, %dma_start3A_115] : memref<20000x128xf32, #tpu.memory_space<hbm>> -> memref<20000x128xf32, #tpu.memory_space<hbm>>
    tpu.enqueue_indirect_dma source(%dma_start3A_116 : memref<20000x128xf32, #tpu.memory_space<hbm>>) target(%dma_start3A_111 : memref<80x128xf32, #tpu.memory_space<vmem>>) offsets(%dma_start3A_113 : memref<80xi32, #tpu.memory_space<vmem>>) semaphore(%arg12 : memref<!tpu.dma_semaphore, #tpu.memory_space<semaphore_mem>>)
    %scan3A_117 = arith.constant 0 : i32
    %scan3A_118 = arith.constant 0 : i32
    %scan3A_119 = arith.constant 41 : i32
    %scan3A_120 = arith.addi %scan3A_118, %scan3A_119 : i32
    %scan3A_121 = arith.constant 1 : i32
    scf.for %scan3A_129 = %scan3A_118 to %scan3A_120 step %scan3A_121  : i32 {
      %rem3A = arith.constant 4 : i32
      %rem3A_130 = arith.remsi %scan3A_129, %rem3A : i32
      %dma_wait3A = arith.constant 0 : i32
      %dma_wait3A_131 = arith.constant 0 : i32
      %dma_wait3A_132 = tpu.memref_slice %arg10[%rem3A_130, %dma_wait3A, %dma_wait3A_131] : memref<4x80x128xf32, #tpu.memory_space<vmem>> -> memref<1x80x128xf32, #tpu.memory_space<vmem>>
      %dma_wait3A_133 = tpu.memref_squeeze %dma_wait3A_132 : memref<1x80x128xf32, #tpu.memory_space<vmem>> -> memref<80x128xf32, #tpu.memory_space<vmem>>
      %dma_wait3A_134 = arith.constant 0 : i32
      %dma_wait3A_135 = arith.constant 0 : i32
      %dma_wait3A_136 = tpu.memref_slice %arg2[%dma_wait3A_134, %dma_wait3A_135] : memref<20000x128xf32, #tpu.memory_space<hbm>> -> memref<80x128xf32, #tpu.memory_space<hbm>>
      %dma_wait3A_137 = arith.constant 0 : i32
      %dma_wait3A_138 = arith.constant 0 : i32
      %dma_wait3A_139 = tpu.memref_slice %arg10[%rem3A_130, %dma_wait3A_137, %dma_wait3A_138] : memref<4x80x128xf32, #tpu.memory_space<vmem>> -> memref<1x80x128xf32, #tpu.memory_space<vmem>>
      %dma_wait3A_140 = tpu.memref_squeeze %dma_wait3A_139 : memref<1x80x128xf32, #tpu.memory_space<vmem>> -> memref<80x128xf32, #tpu.memory_space<vmem>>
      %dma_wait3A_141 = arith.constant 0 : i32
      %dma_wait3A_142 = arith.constant 0 : i32
      %dma_wait3A_143 = tpu.memref_slice %arg2[%dma_wait3A_141, %dma_wait3A_142] : memref<20000x128xf32, #tpu.memory_space<hbm>> -> memref<80x128xf32, #tpu.memory_space<hbm>>
      tpu.wait_dma2 semaphore(%arg12 : memref<!tpu.dma_semaphore, #tpu.memory_space<semaphore_mem>>) src(%dma_wait3A_143 : memref<80x128xf32, #tpu.memory_space<hbm>>) dst(%dma_wait3A_140 : memref<80x128xf32, #tpu.memory_space<vmem>>)
      %add3A_144 = arith.constant 3 : i32
      %add3A_145 = arith.addi %scan3A_129, %add3A_144 : i32
      %lt3A_146 = arith.constant 41 : i32
      %lt3A_147 = arith.cmpi slt, %add3A_145, %lt3A_146 : i32
      %convert_element_type3A_148 = arith.extui %lt3A_147 : i1 to i32
      %cond3A_149 = arith.constant 0 : i32
      %cond3A_150 = arith.cmpi ne, %convert_element_type3A_148, %cond3A_149 : i32
      scf.if %cond3A_150 {
        %add3A_209 = arith.constant 3 : i32
        %add3A_210 = arith.addi %scan3A_129, %add3A_209 : i32
        %add3A_211 = arith.constant 3 : i32
        %add3A_212 = arith.addi %scan3A_129, %add3A_211 : i32
        %rem3A_213 = arith.constant 4 : i32
        %rem3A_214 = arith.remsi %add3A_212, %rem3A_213 : i32
        %mul3A_215 = arith.constant 80 : i32
        %mul3A_216 = arith.muli %add3A_210, %mul3A_215 : i32
        %dma_start3A_217 = arith.constant 0 : i32
        %dma_start3A_218 = arith.constant 0 : i32
        %dma_start3A_219 = tpu.memref_slice %arg10[%rem3A_214, %dma_start3A_217, %dma_start3A_218] : memref<4x80x128xf32, #tpu.memory_space<vmem>> -> memref<1x80x128xf32, #tpu.memory_space<vmem>>
        %dma_start3A_220 = tpu.memref_squeeze %dma_start3A_219 : memref<1x80x128xf32, #tpu.memory_space<vmem>> -> memref<80x128xf32, #tpu.memory_space<vmem>>
        %dma_start3A_221 = tpu.memref_slice %arg7[%mul3A_216] : memref<3360xi32, #tpu.memory_space<vmem>> -> memref<80xi32, #tpu.memory_space<vmem>>
        %dma_start3A_222 = arith.constant 0 : i32
        %dma_start3A_223 = arith.constant 0 : i32
        %dma_start3A_224 = tpu.memref_slice %arg2[%dma_start3A_222, %dma_start3A_223] : memref<20000x128xf32, #tpu.memory_space<hbm>> -> memref<20000x128xf32, #tpu.memory_space<hbm>>
        tpu.enqueue_indirect_dma source(%dma_start3A_224 : memref<20000x128xf32, #tpu.memory_space<hbm>>) target(%dma_start3A_220 : memref<80x128xf32, #tpu.memory_space<vmem>>) offsets(%dma_start3A_221 : memref<80xi32, #tpu.memory_space<vmem>>) semaphore(%arg12 : memref<!tpu.dma_semaphore, #tpu.memory_space<semaphore_mem>>)
      } else {
      }
      %mul3A_151 = arith.constant 80 : i32
      %mul3A_152 = arith.muli %scan3A_129, %mul3A_151 : i32
      %add3A_153 = arith.constant 0 : i32
      %add3A_154 = arith.addi %mul3A_152, %add3A_153 : i32
      %get3A = arith.index_cast %add3A_154 : i32 to index
      %get3A_155 = tpu.vector_load %arg8[%get3A] {strides = array<i32>} : memref<3360xi32, #tpu.memory_space<vmem>>, vector<16xi32>,
      %get3A_156 = vector.shape_cast %get3A_155 : vector<16xi32> to vector<16xi32>
      %swap3A = arith.index_cast %rem3A_130 : i32 to index
      %swap3A_157 = arith.constant 0 : index
      %swap3A_158 = tpu.vector_load %arg9[%swap3A, %swap3A_157] {strides = array<i32>} : memref<4x80xi32, #tpu.memory_space<vmem>>, vector<1x16xi32>,
      %swap3A_159 = vector.shape_cast %swap3A_158 : vector<1x16xi32> to vector<16xi32>
      %swap3A_160 = vector.shape_cast %get3A_156 : vector<16xi32> to vector<1x16xi32>
      tpu.vector_store %arg9[%swap3A, %swap3A_157], %swap3A_160 {strides = array<i32>} : memref<4x80xi32, #tpu.memory_space<vmem>>, vector<1x16xi32>,
      %mul3A_161 = arith.constant 80 : i32
      %mul3A_162 = arith.muli %scan3A_129, %mul3A_161 : i32
      %add3A_163 = arith.constant 16 : i32
      %add3A_164 = arith.addi %mul3A_162, %add3A_163 : i32
      %get3A_165 = arith.index_cast %add3A_164 : i32 to index
      %get3A_166 = tpu.vector_load %arg8[%get3A_165] {strides = array<i32>} : memref<3360xi32, #tpu.memory_space<vmem>>, vector<16xi32>,
      %get3A_167 = vector.shape_cast %get3A_166 : vector<16xi32> to vector<16xi32>
      %swap3A_168 = arith.index_cast %rem3A_130 : i32 to index
      %swap3A_169 = arith.constant 16 : index
      %swap3A_170 = tpu.vector_load %arg9[%swap3A_168, %swap3A_169] {strides = array<i32>} : memref<4x80xi32, #tpu.memory_space<vmem>>, vector<1x16xi32>,
      %swap3A_171 = vector.shape_cast %swap3A_170 : vector<1x16xi32> to vector<16xi32>
      %swap3A_172 = vector.shape_cast %get3A_167 : vector<16xi32> to vector<1x16xi32>
      tpu.vector_store %arg9[%swap3A_168, %swap3A_169], %swap3A_172 {strides = array<i32>} : memref<4x80xi32, #tpu.memory_space<vmem>>, vector<1x16xi32>,
      %mul3A_173 = arith.constant 80 : i32
      %mul3A_174 = arith.muli %scan3A_129, %mul3A_173 : i32
      %add3A_175 = arith.constant 32 : i32
      %add3A_176 = arith.addi %mul3A_174, %add3A_175 : i32
      %get3A_177 = arith.index_cast %add3A_176 : i32 to index
      %get3A_178 = tpu.vector_load %arg8[%get3A_177] {strides = array<i32>} : memref<3360xi32, #tpu.memory_space<vmem>>, vector<16xi32>,
      %get3A_179 = vector.shape_cast %get3A_178 : vector<16xi32> to vector<16xi32>
      %swap3A_180 = arith.index_cast %rem3A_130 : i32 to index
      %swap3A_181 = arith.constant 32 : index
      %swap3A_182 = tpu.vector_load %arg9[%swap3A_180, %swap3A_181] {strides = array<i32>} : memref<4x80xi32, #tpu.memory_space<vmem>>, vector<1x16xi32>,
      %swap3A_183 = vector.shape_cast %swap3A_182 : vector<1x16xi32> to vector<16xi32>
      %swap3A_184 = vector.shape_cast %get3A_179 : vector<16xi32> to vector<1x16xi32>
      tpu.vector_store %arg9[%swap3A_180, %swap3A_181], %swap3A_184 {strides = array<i32>} : memref<4x80xi32, #tpu.memory_space<vmem>>, vector<1x16xi32>,
      %mul3A_185 = arith.constant 80 : i32
      %mul3A_186 = arith.muli %scan3A_129, %mul3A_185 : i32
      %add3A_187 = arith.constant 48 : i32
      %add3A_188 = arith.addi %mul3A_186, %add3A_187 : i32
      %get3A_189 = arith.index_cast %add3A_188 : i32 to index
      %get3A_190 = tpu.vector_load %arg8[%get3A_189] {strides = array<i32>} : memref<3360xi32, #tpu.memory_space<vmem>>, vector<16xi32>,
      %get3A_191 = vector.shape_cast %get3A_190 : vector<16xi32> to vector<16xi32>
      %swap3A_192 = arith.index_cast %rem3A_130 : i32 to index
      %swap3A_193 = arith.constant 48 : index
      %swap3A_194 = tpu.vector_load %arg9[%swap3A_192, %swap3A_193] {strides = array<i32>} : memref<4x80xi32, #tpu.memory_space<vmem>>, vector<1x16xi32>,
      %swap3A_195 = vector.shape_cast %swap3A_194 : vector<1x16xi32> to vector<16xi32>
      %swap3A_196 = vector.shape_cast %get3A_191 : vector<16xi32> to vector<1x16xi32>
      tpu.vector_store %arg9[%swap3A_192, %swap3A_193], %swap3A_196 {strides = array<i32>} : memref<4x80xi32, #tpu.memory_space<vmem>>, vector<1x16xi32>,
      %mul3A_197 = arith.constant 80 : i32
      %mul3A_198 = arith.muli %scan3A_129, %mul3A_197 : i32
      %add3A_199 = arith.constant 64 : i32
      %add3A_200 = arith.addi %mul3A_198, %add3A_199 : i32
      %get3A_201 = arith.index_cast %add3A_200 : i32 to index
      %get3A_202 = tpu.vector_load %arg8[%get3A_201] {strides = array<i32>} : memref<3360xi32, #tpu.memory_space<vmem>>, vector<16xi32>,
      %get3A_203 = vector.shape_cast %get3A_202 : vector<16xi32> to vector<16xi32>
      %swap3A_204 = arith.index_cast %rem3A_130 : i32 to index
      %swap3A_205 = arith.constant 64 : index
      %swap3A_206 = tpu.vector_load %arg9[%swap3A_204, %swap3A_205] {strides = array<i32>} : memref<4x80xi32, #tpu.memory_space<vmem>>, vector<1x16xi32>,
      %swap3A_207 = vector.shape_cast %swap3A_206 : vector<1x16xi32> to vector<16xi32>
      %swap3A_208 = vector.shape_cast %get3A_203 : vector<16xi32> to vector<1x16xi32>
      tpu.vector_store %arg9[%swap3A_204, %swap3A_205], %swap3A_208 {strides = array<i32>} : memref<4x80xi32, #tpu.memory_space<vmem>>, vector<1x16xi32>,
      "tpu.region"() ({
        %run_scoped3A = tpu.sem_alloc : memref<!tpu.dma_semaphore, #tpu.memory_space<semaphore_mem>>
        %dma_start3A_209 = arith.constant 0 : i32
        %dma_start3A_210 = arith.constant 0 : i32
        %dma_start3A_211 = tpu.memref_slice %arg10[%rem3A_130, %dma_start3A_209, %dma_start3A_210] : memref<4x80x128xf32, #tpu.memory_space<vmem>> -> memref<1x80x128xf32, #tpu.memory_space<vmem>>
        %dma_start3A_212 = tpu.memref_squeeze %dma_start3A_211 : memref<1x80x128xf32, #tpu.memory_space<vmem>> -> memref<80x128xf32, #tpu.memory_space<vmem>>
        %dma_start3A_213 = arith.constant 0 : i32
        %dma_start3A_214 = tpu.memref_slice %arg9[%rem3A_130, %dma_start3A_213] : memref<4x80xi32, #tpu.memory_space<vmem>> -> memref<1x80xi32, #tpu.memory_space<vmem>>
        %dma_start3A_215 = tpu.memref_squeeze %dma_start3A_214 : memref<1x80xi32, #tpu.memory_space<vmem>> -> memref<80xi32, #tpu.memory_space<vmem>>
        %dma_start3A_216 = arith.constant 0 : i32
        %dma_start3A_217 = arith.constant 0 : i32
        %dma_start3A_218 = tpu.memref_slice %arg11[%dma_start3A_216, %dma_start3A_217] : memref<10000x128xf32, #tpu.memory_space<vmem_shared>> -> memref<10000x128xf32, #tpu.memory_space<vmem_shared>>
        tpu.enqueue_indirect_dma source(%dma_start3A_212 : memref<80x128xf32, #tpu.memory_space<vmem>>) target(%dma_start3A_218 : memref<10000x128xf32, #tpu.memory_space<vmem_shared>>) offsets(%dma_start3A_215 : memref<80xi32, #tpu.memory_space<vmem>>) semaphore(%run_scoped3A : memref<!tpu.dma_semaphore, #tpu.memory_space<semaphore_mem>>) {add = true}
        %dma_wait3A_219 = arith.constant 0 : i32
        %dma_wait3A_220 = arith.constant 0 : i32
        %dma_wait3A_221 = tpu.memref_slice %arg10[%rem3A_130, %dma_wait3A_219, %dma_wait3A_220] : memref<4x80x128xf32, #tpu.memory_space<vmem>> -> memref<1x80x128xf32, #tpu.memory_space<vmem>>
        %dma_wait3A_222 = tpu.memref_squeeze %dma_wait3A_221 : memref<1x80x128xf32, #tpu.memory_space<vmem>> -> memref<80x128xf32, #tpu.memory_space<vmem>>
        %dma_wait3A_223 = arith.constant 0 : i32
        %dma_wait3A_224 = tpu.memref_slice %arg9[%rem3A_130, %dma_wait3A_223] : memref<4x80xi32, #tpu.memory_space<vmem>> -> memref<1x80xi32, #tpu.memory_space<vmem>>
        %dma_wait3A_225 = tpu.memref_squeeze %dma_wait3A_224 : memref<1x80xi32, #tpu.memory_space<vmem>> -> memref<80xi32, #tpu.memory_space<vmem>>
        %dma_wait3A_226 = arith.constant 0 : i32
        %dma_wait3A_227 = arith.constant 0 : i32
        %dma_wait3A_228 = tpu.memref_slice %arg11[%dma_wait3A_226, %dma_wait3A_227] : memref<10000x128xf32, #tpu.memory_space<vmem_shared>> -> memref<10000x128xf32, #tpu.memory_space<vmem_shared>>
        tpu.wait_indirect_dma semaphore(%run_scoped3A : memref<!tpu.dma_semaphore, #tpu.memory_space<semaphore_mem>>) src(%dma_wait3A_222 : memref<80x128xf32, #tpu.memory_space<vmem>>) dst(%dma_wait3A_228 : memref<10000x128xf32, #tpu.memory_space<vmem_shared>>)
        tpu.yield
      }) : () -> ()
    }
    %scan3A_122 = arith.constant 41 : i32
    %barrier3A_123 = arith.constant 0 : index
    tpu.barrier barrier_id(%barrier3A_123)
    %lt3A_124 = arith.constant 10 : i32
    %lt3A_125 = arith.cmpi slt, %arg1, %lt3A_124 : i32
    %convert_element_type3A_126 = arith.extui %lt3A_125 : i1 to i32
    %cond3A_127 = arith.constant 0 : i32
    %cond3A_128 = arith.cmpi ne, %convert_element_type3A_126, %cond3A_127 : i32
    scf.if %cond3A_128 {
      %mul3A_129 = arith.constant 1000 : i32
      %mul3A_130 = arith.muli %arg1, %mul3A_129 : i32
      %mul3A_131 = arith.constant 10000 : i32
      %mul3A_132 = arith.muli %arg0, %mul3A_131 : i32
      %mul3A_133 = arith.constant 1000 : i32
      %mul3A_134 = arith.muli %arg1, %mul3A_133 : i32
      %add3A_135 = arith.addi %mul3A_132, %mul3A_134 : i32
      "tpu.region"() ({
        %run_scoped3A = tpu.sem_alloc : memref<!tpu.dma_semaphore, #tpu.memory_space<semaphore_mem>>
        %dma_start3A_136 = arith.constant 0 : i32
        %dma_start3A_137 = tpu.memref_slice %arg6[%add3A_135, %dma_start3A_136] : memref<20000x128xf32, #tpu.memory_space<hbm>> -> memref<1000x128xf32, #tpu.memory_space<hbm>>
        %dma_start3A_138 = arith.constant 0 : i32
        %dma_start3A_139 = tpu.memref_slice %arg11[%mul3A_130, %dma_start3A_138] : memref<10000x128xf32, #tpu.memory_space<vmem_shared>> -> memref<1000x128xf32, #tpu.memory_space<vmem_shared>>
        tpu.enqueue_dma source(%dma_start3A_139 : memref<1000x128xf32, #tpu.memory_space<vmem_shared>>) target(%dma_start3A_137 : memref<1000x128xf32, #tpu.memory_space<hbm>>) target_semaphore(%run_scoped3A : memref<!tpu.dma_semaphore, #tpu.memory_space<semaphore_mem>>)
        %dma_wait3A = arith.constant 0 : i32
        %dma_wait3A_140 = tpu.memref_slice %arg6[%add3A_135, %dma_wait3A] : memref<20000x128xf32, #tpu.memory_space<hbm>> -> memref<1000x128xf32, #tpu.memory_space<hbm>>
        %dma_wait3A_141 = arith.constant 0 : i32
        %dma_wait3A_142 = tpu.memref_slice %arg11[%mul3A_130, %dma_wait3A_141] : memref<10000x128xf32, #tpu.memory_space<vmem_shared>> -> memref<1000x128xf32, #tpu.memory_space<vmem_shared>>
        tpu.wait_dma2 semaphore(%run_scoped3A : memref<!tpu.dma_semaphore, #tpu.memory_space<semaphore_mem>>) src(%dma_wait3A_142 : memref<1000x128xf32, #tpu.memory_space<vmem_shared>>) dst(%dma_wait3A_140 : memref<1000x128xf32, #tpu.memory_space<hbm>>)
        tpu.yield
      }) : () -> ()
    } else {
    }
    return
  }
}

#map = affine_map<(d0, d1) -> (0, 0)>
#map1 = affine_map<(d0, d1) -> (0)>
module attributes {stable_mosaic.version = 14 : i64} {
  func.func @_agg_body(%arg0: i32, %arg1: i32, %arg2: memref<20000x128xf32, #tpu.memory_space<hbm>>, %arg3: memref<320000xi32, #tpu.memory_space<hbm>>, %arg4: memref<320000xi32, #tpu.memory_space<hbm>>, %arg5: memref<1000x128xf32, #tpu.memory_space<hbm>>, %arg6: memref<20000x128xf32, #tpu.memory_space<hbm>>, %arg7: memref<3360xi32, #tpu.memory_space<vmem>>, %arg8: memref<3360xi32, #tpu.memory_space<vmem>>, %arg9: memref<4x80xi32, #tpu.memory_space<vmem>>, %arg10: memref<4x80x128xf32, #tpu.memory_space<vmem>>, %arg11: memref<10000x128xf32, #tpu.memory_space<vmem_shared>>, %arg12: memref<!tpu.dma_semaphore, #tpu.memory_space<semaphore_mem>>) attributes {dimension_semantics = [#tpu.dimension_semantics<core_parallel>, #tpu.dimension_semantics<subcore_parallel>], iteration_bounds = array<i64: 2, 16>, scalar_prefetch = 0 : i64, scratch_operands = 6 : i64, tpu.core_type = #tpu.core_type<sc_vector_subcore>, window_params = [{transform_indices = #map}, {transform_indices = #map1}, {transform_indices = #map1}, {transform_indices = #map}, {transform_indices = #map}]} {
    %lt3A = arith.constant 10 : i32
    %lt3A_0 = arith.cmpi slt, %arg1, %lt3A : i32
    %convert_element_type3A = arith.extui %lt3A_0 : i1 to i32
    %cond3A = arith.constant 0 : i32
    %cond3A_1 = arith.cmpi ne, %convert_element_type3A, %cond3A : i32
    scf.if %cond3A_1 {
      %mul3A_129 = arith.constant 1000 : i32
      %mul3A_130 = arith.muli %arg1, %mul3A_129 : i32
      "tpu.region"() ({
        %run_scoped3A = tpu.sem_alloc : memref<!tpu.dma_semaphore, #tpu.memory_space<semaphore_mem>>
        %dma_start3A_131 = arith.constant 0 : i32
        %dma_start3A_132 = tpu.memref_slice %arg11[%mul3A_130, %dma_start3A_131] : memref<10000x128xf32, #tpu.memory_space<vmem_shared>> -> memref<1000x128xf32, #tpu.memory_space<vmem_shared>>
        tpu.enqueue_dma source(%arg5 : memref<1000x128xf32, #tpu.memory_space<hbm>>) target(%dma_start3A_132 : memref<1000x128xf32, #tpu.memory_space<vmem_shared>>) target_semaphore(%run_scoped3A : memref<!tpu.dma_semaphore, #tpu.memory_space<semaphore_mem>>)
        %dma_wait3A = arith.constant 0 : i32
        %dma_wait3A_133 = tpu.memref_slice %arg11[%mul3A_130, %dma_wait3A] : memref<10000x128xf32, #tpu.memory_space<vmem_shared>> -> memref<1000x128xf32, #tpu.memory_space<vmem_shared>>
        tpu.wait_dma2 semaphore(%run_scoped3A : memref<!tpu.dma_semaphore, #tpu.memory_space<semaphore_mem>>) src(%arg5 : memref<1000x128xf32, #tpu.memory_space<hbm>>) dst(%dma_wait3A_133 : memref<1000x128xf32, #tpu.memory_space<vmem_shared>>)
        tpu.yield
      }) : () -> ()
    } else {
    }
    %mul3A = arith.constant 160000 : i32
    %mul3A_2 = arith.muli %arg0, %mul3A : i32
    %mul3A_3 = arith.constant 10000 : i32
    %mul3A_4 = arith.muli %arg1, %mul3A_3 : i32
    %add3A = arith.addi %mul3A_2, %mul3A_4 : i32
    %barrier3A = arith.constant 0 : index
    tpu.barrier barrier_id(%barrier3A)
    %add3A_5 = arith.constant 0 : i32
    %add3A_6 = arith.addi %add3A, %add3A_5 : i32
    "tpu.region"() ({
      %run_scoped3A = tpu.sem_alloc : memref<!tpu.dma_semaphore, #tpu.memory_space<semaphore_mem>>
      %dma_start3A_129 = arith.constant 0 : i32
      %dma_start3A_130 = tpu.memref_slice %arg7[%dma_start3A_129] : memref<3360xi32, #tpu.memory_space<vmem>> -> memref<3360xi32, #tpu.memory_space<vmem>>
      %dma_start3A_131 = tpu.memref_slice %arg3[%add3A_6] : memref<320000xi32, #tpu.memory_space<hbm>> -> memref<3360xi32, #tpu.memory_space<hbm>>
      %dma_start3A_132 = arith.constant 0 : i32
      %dma_start3A_133 = tpu.memref_slice %arg7[%dma_start3A_132] : memref<3360xi32, #tpu.memory_space<vmem>> -> memref<3360xi32, #tpu.memory_space<vmem>>
      %dma_start3A_134 = tpu.memref_slice %arg3[%add3A_6] : memref<320000xi32, #tpu.memory_space<hbm>> -> memref<3360xi32, #tpu.memory_space<hbm>>
      tpu.enqueue_dma source(%dma_start3A_134 : memref<3360xi32, #tpu.memory_space<hbm>>) target(%dma_start3A_133 : memref<3360xi32, #tpu.memory_space<vmem>>) target_semaphore(%run_scoped3A : memref<!tpu.dma_semaphore, #tpu.memory_space<semaphore_mem>>)
      %dma_wait3A = arith.constant 0 : i32
      %dma_wait3A_135 = tpu.memref_slice %arg7[%dma_wait3A] : memref<3360xi32, #tpu.memory_space<vmem>> -> memref<3360xi32, #tpu.memory_space<vmem>>
      %dma_wait3A_136 = tpu.memref_slice %arg3[%add3A_6] : memref<320000xi32, #tpu.memory_space<hbm>> -> memref<3360xi32, #tpu.memory_space<hbm>>
      %dma_wait3A_137 = arith.constant 0 : i32
      %dma_wait3A_138 = tpu.memref_slice %arg7[%dma_wait3A_137] : memref<3360xi32, #tpu.memory_space<vmem>> -> memref<3360xi32, #tpu.memory_space<vmem>>
      %dma_wait3A_139 = tpu.memref_slice %arg3[%add3A_6] : memref<320000xi32, #tpu.memory_space<hbm>> -> memref<3360xi32, #tpu.memory_space<hbm>>
      tpu.wait_dma2 semaphore(%run_scoped3A : memref<!tpu.dma_semaphore, #tpu.memory_space<semaphore_mem>>) src(%dma_wait3A_139 : memref<3360xi32, #tpu.memory_space<hbm>>) dst(%dma_wait3A_138 : memref<3360xi32, #tpu.memory_space<vmem>>)
      tpu.yield
    }) : () -> ()
    %add3A_7 = arith.constant 0 : i32
    %add3A_8 = arith.addi %add3A, %add3A_7 : i32
    "tpu.region"() ({
      %run_scoped3A = tpu.sem_alloc : memref<!tpu.dma_semaphore, #tpu.memory_space<semaphore_mem>>
      %dma_start3A_129 = arith.constant 0 : i32
      %dma_start3A_130 = tpu.memref_slice %arg8[%dma_start3A_129] : memref<3360xi32, #tpu.memory_space<vmem>> -> memref<3360xi32, #tpu.memory_space<vmem>>
      %dma_start3A_131 = tpu.memref_slice %arg4[%add3A_8] : memref<320000xi32, #tpu.memory_space<hbm>> -> memref<3360xi32, #tpu.memory_space<hbm>>
      %dma_start3A_132 = arith.constant 0 : i32
      %dma_start3A_133 = tpu.memref_slice %arg8[%dma_start3A_132] : memref<3360xi32, #tpu.memory_space<vmem>> -> memref<3360xi32, #tpu.memory_space<vmem>>
      %dma_start3A_134 = tpu.memref_slice %arg4[%add3A_8] : memref<320000xi32, #tpu.memory_space<hbm>> -> memref<3360xi32, #tpu.memory_space<hbm>>
      tpu.enqueue_dma source(%dma_start3A_134 : memref<3360xi32, #tpu.memory_space<hbm>>) target(%dma_start3A_133 : memref<3360xi32, #tpu.memory_space<vmem>>) target_semaphore(%run_scoped3A : memref<!tpu.dma_semaphore, #tpu.memory_space<semaphore_mem>>)
      %dma_wait3A = arith.constant 0 : i32
      %dma_wait3A_135 = tpu.memref_slice %arg8[%dma_wait3A] : memref<3360xi32, #tpu.memory_space<vmem>> -> memref<3360xi32, #tpu.memory_space<vmem>>
      %dma_wait3A_136 = tpu.memref_slice %arg4[%add3A_8] : memref<320000xi32, #tpu.memory_space<hbm>> -> memref<3360xi32, #tpu.memory_space<hbm>>
      %dma_wait3A_137 = arith.constant 0 : i32
      %dma_wait3A_138 = tpu.memref_slice %arg8[%dma_wait3A_137] : memref<3360xi32, #tpu.memory_space<vmem>> -> memref<3360xi32, #tpu.memory_space<vmem>>
      %dma_wait3A_139 = tpu.memref_slice %arg4[%add3A_8] : memref<320000xi32, #tpu.memory_space<hbm>> -> memref<3360xi32, #tpu.memory_space<hbm>>
      tpu.wait_dma2 semaphore(%run_scoped3A : memref<!tpu.dma_semaphore, #tpu.memory_space<semaphore_mem>>) src(%dma_wait3A_139 : memref<3360xi32, #tpu.memory_space<hbm>>) dst(%dma_wait3A_138 : memref<3360xi32, #tpu.memory_space<vmem>>)
      tpu.yield
    }) : () -> ()
    %dma_start3A = arith.constant 0 : i32
    %dma_start3A_9 = arith.constant 0 : i32
    %dma_start3A_10 = arith.constant 0 : i32
    %dma_start3A_11 = tpu.memref_slice %arg10[%dma_start3A, %dma_start3A_9, %dma_start3A_10] : memref<4x80x128xf32, #tpu.memory_space<vmem>> -> memref<1x80x128xf32, #tpu.memory_space<vmem>>
    %dma_start3A_12 = tpu.memref_squeeze %dma_start3A_11 : memref<1x80x128xf32, #tpu.memory_space<vmem>> -> memref<80x128xf32, #tpu.memory_space<vmem>>
    %dma_start3A_13 = arith.constant 0 : i32
    %dma_start3A_14 = tpu.memref_slice %arg7[%dma_start3A_13] : memref<3360xi32, #tpu.memory_space<vmem>> -> memref<80xi32, #tpu.memory_space<vmem>>
    %dma_start3A_15 = arith.constant 0 : i32
    %dma_start3A_16 = arith.constant 0 : i32
    %dma_start3A_17 = tpu.memref_slice %arg2[%dma_start3A_15, %dma_start3A_16] : memref<20000x128xf32, #tpu.memory_space<hbm>> -> memref<20000x128xf32, #tpu.memory_space<hbm>>
    tpu.enqueue_indirect_dma source(%dma_start3A_17 : memref<20000x128xf32, #tpu.memory_space<hbm>>) target(%dma_start3A_12 : memref<80x128xf32, #tpu.memory_space<vmem>>) offsets(%dma_start3A_14 : memref<80xi32, #tpu.memory_space<vmem>>) semaphore(%arg12 : memref<!tpu.dma_semaphore, #tpu.memory_space<semaphore_mem>>)
    %dma_start3A_18 = arith.constant 1 : i32
    %dma_start3A_19 = arith.constant 0 : i32
    %dma_start3A_20 = arith.constant 0 : i32
    %dma_start3A_21 = tpu.memref_slice %arg10[%dma_start3A_18, %dma_start3A_19, %dma_start3A_20] : memref<4x80x128xf32, #tpu.memory_space<vmem>> -> memref<1x80x128xf32, #tpu.memory_space<vmem>>
    %dma_start3A_22 = tpu.memref_squeeze %dma_start3A_21 : memref<1x80x128xf32, #tpu.memory_space<vmem>> -> memref<80x128xf32, #tpu.memory_space<vmem>>
    %dma_start3A_23 = arith.constant 80 : i32
    %dma_start3A_24 = tpu.memref_slice %arg7[%dma_start3A_23] : memref<3360xi32, #tpu.memory_space<vmem>> -> memref<80xi32, #tpu.memory_space<vmem>>
    %dma_start3A_25 = arith.constant 0 : i32
    %dma_start3A_26 = arith.constant 0 : i32
    %dma_start3A_27 = tpu.memref_slice %arg2[%dma_start3A_25, %dma_start3A_26] : memref<20000x128xf32, #tpu.memory_space<hbm>> -> memref<20000x128xf32, #tpu.memory_space<hbm>>
    tpu.enqueue_indirect_dma source(%dma_start3A_27 : memref<20000x128xf32, #tpu.memory_space<hbm>>) target(%dma_start3A_22 : memref<80x128xf32, #tpu.memory_space<vmem>>) offsets(%dma_start3A_24 : memref<80xi32, #tpu.memory_space<vmem>>) semaphore(%arg12 : memref<!tpu.dma_semaphore, #tpu.memory_space<semaphore_mem>>)
    %dma_start3A_28 = arith.constant 2 : i32
    %dma_start3A_29 = arith.constant 0 : i32
    %dma_start3A_30 = arith.constant 0 : i32
    %dma_start3A_31 = tpu.memref_slice %arg10[%dma_start3A_28, %dma_start3A_29, %dma_start3A_30] : memref<4x80x128xf32, #tpu.memory_space<vmem>> -> memref<1x80x128xf32, #tpu.memory_space<vmem>>
    %dma_start3A_32 = tpu.memref_squeeze %dma_start3A_31 : memref<1x80x128xf32, #tpu.memory_space<vmem>> -> memref<80x128xf32, #tpu.memory_space<vmem>>
    %dma_start3A_33 = arith.constant 160 : i32
    %dma_start3A_34 = tpu.memref_slice %arg7[%dma_start3A_33] : memref<3360xi32, #tpu.memory_space<vmem>> -> memref<80xi32, #tpu.memory_space<vmem>>
    %dma_start3A_35 = arith.constant 0 : i32
    %dma_start3A_36 = arith.constant 0 : i32
    %dma_start3A_37 = tpu.memref_slice %arg2[%dma_start3A_35, %dma_start3A_36] : memref<20000x128xf32, #tpu.memory_space<hbm>> -> memref<20000x128xf32, #tpu.memory_space<hbm>>
    tpu.enqueue_indirect_dma source(%dma_start3A_37 : memref<20000x128xf32, #tpu.memory_space<hbm>>) target(%dma_start3A_32 : memref<80x128xf32, #tpu.memory_space<vmem>>) offsets(%dma_start3A_34 : memref<80xi32, #tpu.memory_space<vmem>>) semaphore(%arg12 : memref<!tpu.dma_semaphore, #tpu.memory_space<semaphore_mem>>)
    %scan3A = arith.constant 0 : i32
    %scan3A_38 = arith.constant 0 : i32
    %scan3A_39 = arith.constant 42 : i32
    %scan3A_40 = arith.addi %scan3A_38, %scan3A_39 : i32
    %scan3A_41 = arith.constant 1 : i32
    scf.for %scan3A_129 = %scan3A_38 to %scan3A_40 step %scan3A_41  : i32 {
      %rem3A = arith.constant 4 : i32
      %rem3A_130 = arith.remsi %scan3A_129, %rem3A : i32
      %dma_wait3A = arith.constant 0 : i32
      %dma_wait3A_131 = arith.constant 0 : i32
      %dma_wait3A_132 = tpu.memref_slice %arg10[%rem3A_130, %dma_wait3A, %dma_wait3A_131] : memref<4x80x128xf32, #tpu.memory_space<vmem>> -> memref<1x80x128xf32, #tpu.memory_space<vmem>>
      %dma_wait3A_133 = tpu.memref_squeeze %dma_wait3A_132 : memref<1x80x128xf32, #tpu.memory_space<vmem>> -> memref<80x128xf32, #tpu.memory_space<vmem>>
      %dma_wait3A_134 = arith.constant 0 : i32
      %dma_wait3A_135 = arith.constant 0 : i32
      %dma_wait3A_136 = tpu.memref_slice %arg2[%dma_wait3A_134, %dma_wait3A_135] : memref<20000x128xf32, #tpu.memory_space<hbm>> -> memref<80x128xf32, #tpu.memory_space<hbm>>
      %dma_wait3A_137 = arith.constant 0 : i32
      %dma_wait3A_138 = arith.constant 0 : i32
      %dma_wait3A_139 = tpu.memref_slice %arg10[%rem3A_130, %dma_wait3A_137, %dma_wait3A_138] : memref<4x80x128xf32, #tpu.memory_space<vmem>> -> memref<1x80x128xf32, #tpu.memory_space<vmem>>
      %dma_wait3A_140 = tpu.memref_squeeze %dma_wait3A_139 : memref<1x80x128xf32, #tpu.memory_space<vmem>> -> memref<80x128xf32, #tpu.memory_space<vmem>>
      %dma_wait3A_141 = arith.constant 0 : i32
      %dma_wait3A_142 = arith.constant 0 : i32
      %dma_wait3A_143 = tpu.memref_slice %arg2[%dma_wait3A_141, %dma_wait3A_142] : memref<20000x128xf32, #tpu.memory_space<hbm>> -> memref<80x128xf32, #tpu.memory_space<hbm>>
      tpu.wait_dma2 semaphore(%arg12 : memref<!tpu.dma_semaphore, #tpu.memory_space<semaphore_mem>>) src(%dma_wait3A_143 : memref<80x128xf32, #tpu.memory_space<hbm>>) dst(%dma_wait3A_140 : memref<80x128xf32, #tpu.memory_space<vmem>>)
      %add3A_144 = arith.constant 3 : i32
      %add3A_145 = arith.addi %scan3A_129, %add3A_144 : i32
      %lt3A_146 = arith.constant 42 : i32
      %lt3A_147 = arith.cmpi slt, %add3A_145, %lt3A_146 : i32
      %convert_element_type3A_148 = arith.extui %lt3A_147 : i1 to i32
      %cond3A_149 = arith.constant 0 : i32
      %cond3A_150 = arith.cmpi ne, %convert_element_type3A_148, %cond3A_149 : i32
      scf.if %cond3A_150 {
        %add3A_209 = arith.constant 3 : i32
        %add3A_210 = arith.addi %scan3A_129, %add3A_209 : i32
        %add3A_211 = arith.constant 3 : i32
        %add3A_212 = arith.addi %scan3A_129, %add3A_211 : i32
        %rem3A_213 = arith.constant 4 : i32
        %rem3A_214 = arith.remsi %add3A_212, %rem3A_213 : i32
        %mul3A_215 = arith.constant 80 : i32
        %mul3A_216 = arith.muli %add3A_210, %mul3A_215 : i32
        %dma_start3A_217 = arith.constant 0 : i32
        %dma_start3A_218 = arith.constant 0 : i32
        %dma_start3A_219 = tpu.memref_slice %arg10[%rem3A_214, %dma_start3A_217, %dma_start3A_218] : memref<4x80x128xf32, #tpu.memory_space<vmem>> -> memref<1x80x128xf32, #tpu.memory_space<vmem>>
        %dma_start3A_220 = tpu.memref_squeeze %dma_start3A_219 : memref<1x80x128xf32, #tpu.memory_space<vmem>> -> memref<80x128xf32, #tpu.memory_space<vmem>>
        %dma_start3A_221 = tpu.memref_slice %arg7[%mul3A_216] : memref<3360xi32, #tpu.memory_space<vmem>> -> memref<80xi32, #tpu.memory_space<vmem>>
        %dma_start3A_222 = arith.constant 0 : i32
        %dma_start3A_223 = arith.constant 0 : i32
        %dma_start3A_224 = tpu.memref_slice %arg2[%dma_start3A_222, %dma_start3A_223] : memref<20000x128xf32, #tpu.memory_space<hbm>> -> memref<20000x128xf32, #tpu.memory_space<hbm>>
        tpu.enqueue_indirect_dma source(%dma_start3A_224 : memref<20000x128xf32, #tpu.memory_space<hbm>>) target(%dma_start3A_220 : memref<80x128xf32, #tpu.memory_space<vmem>>) offsets(%dma_start3A_221 : memref<80xi32, #tpu.memory_space<vmem>>) semaphore(%arg12 : memref<!tpu.dma_semaphore, #tpu.memory_space<semaphore_mem>>)
      } else {
      }
      %mul3A_151 = arith.constant 80 : i32
      %mul3A_152 = arith.muli %scan3A_129, %mul3A_151 : i32
      %add3A_153 = arith.constant 0 : i32
      %add3A_154 = arith.addi %mul3A_152, %add3A_153 : i32
      %get3A = arith.index_cast %add3A_154 : i32 to index
      %get3A_155 = tpu.vector_load %arg8[%get3A] {strides = array<i32>} : memref<3360xi32, #tpu.memory_space<vmem>>, vector<16xi32>,
      %get3A_156 = vector.shape_cast %get3A_155 : vector<16xi32> to vector<16xi32>
      %swap3A = arith.index_cast %rem3A_130 : i32 to index
      %swap3A_157 = arith.constant 0 : index
      %swap3A_158 = tpu.vector_load %arg9[%swap3A, %swap3A_157] {strides = array<i32>} : memref<4x80xi32, #tpu.memory_space<vmem>>, vector<1x16xi32>,
      %swap3A_159 = vector.shape_cast %swap3A_158 : vector<1x16xi32> to vector<16xi32>
      %swap3A_160 = vector.shape_cast %get3A_156 : vector<16xi32> to vector<1x16xi32>
      tpu.vector_store %arg9[%swap3A, %swap3A_157], %swap3A_160 {strides = array<i32>} : memref<4x80xi32, #tpu.memory_space<vmem>>, vector<1x16xi32>,
      %mul3A_161 = arith.constant 80 : i32
      %mul3A_162 = arith.muli %scan3A_129, %mul3A_161 : i32
      %add3A_163 = arith.constant 16 : i32
      %add3A_164 = arith.addi %mul3A_162, %add3A_163 : i32
      %get3A_165 = arith.index_cast %add3A_164 : i32 to index
      %get3A_166 = tpu.vector_load %arg8[%get3A_165] {strides = array<i32>} : memref<3360xi32, #tpu.memory_space<vmem>>, vector<16xi32>,
      %get3A_167 = vector.shape_cast %get3A_166 : vector<16xi32> to vector<16xi32>
      %swap3A_168 = arith.index_cast %rem3A_130 : i32 to index
      %swap3A_169 = arith.constant 16 : index
      %swap3A_170 = tpu.vector_load %arg9[%swap3A_168, %swap3A_169] {strides = array<i32>} : memref<4x80xi32, #tpu.memory_space<vmem>>, vector<1x16xi32>,
      %swap3A_171 = vector.shape_cast %swap3A_170 : vector<1x16xi32> to vector<16xi32>
      %swap3A_172 = vector.shape_cast %get3A_167 : vector<16xi32> to vector<1x16xi32>
      tpu.vector_store %arg9[%swap3A_168, %swap3A_169], %swap3A_172 {strides = array<i32>} : memref<4x80xi32, #tpu.memory_space<vmem>>, vector<1x16xi32>,
      %mul3A_173 = arith.constant 80 : i32
      %mul3A_174 = arith.muli %scan3A_129, %mul3A_173 : i32
      %add3A_175 = arith.constant 32 : i32
      %add3A_176 = arith.addi %mul3A_174, %add3A_175 : i32
      %get3A_177 = arith.index_cast %add3A_176 : i32 to index
      %get3A_178 = tpu.vector_load %arg8[%get3A_177] {strides = array<i32>} : memref<3360xi32, #tpu.memory_space<vmem>>, vector<16xi32>,
      %get3A_179 = vector.shape_cast %get3A_178 : vector<16xi32> to vector<16xi32>
      %swap3A_180 = arith.index_cast %rem3A_130 : i32 to index
      %swap3A_181 = arith.constant 32 : index
      %swap3A_182 = tpu.vector_load %arg9[%swap3A_180, %swap3A_181] {strides = array<i32>} : memref<4x80xi32, #tpu.memory_space<vmem>>, vector<1x16xi32>,
      %swap3A_183 = vector.shape_cast %swap3A_182 : vector<1x16xi32> to vector<16xi32>
      %swap3A_184 = vector.shape_cast %get3A_179 : vector<16xi32> to vector<1x16xi32>
      tpu.vector_store %arg9[%swap3A_180, %swap3A_181], %swap3A_184 {strides = array<i32>} : memref<4x80xi32, #tpu.memory_space<vmem>>, vector<1x16xi32>,
      %mul3A_185 = arith.constant 80 : i32
      %mul3A_186 = arith.muli %scan3A_129, %mul3A_185 : i32
      %add3A_187 = arith.constant 48 : i32
      %add3A_188 = arith.addi %mul3A_186, %add3A_187 : i32
      %get3A_189 = arith.index_cast %add3A_188 : i32 to index
      %get3A_190 = tpu.vector_load %arg8[%get3A_189] {strides = array<i32>} : memref<3360xi32, #tpu.memory_space<vmem>>, vector<16xi32>,
      %get3A_191 = vector.shape_cast %get3A_190 : vector<16xi32> to vector<16xi32>
      %swap3A_192 = arith.index_cast %rem3A_130 : i32 to index
      %swap3A_193 = arith.constant 48 : index
      %swap3A_194 = tpu.vector_load %arg9[%swap3A_192, %swap3A_193] {strides = array<i32>} : memref<4x80xi32, #tpu.memory_space<vmem>>, vector<1x16xi32>,
      %swap3A_195 = vector.shape_cast %swap3A_194 : vector<1x16xi32> to vector<16xi32>
      %swap3A_196 = vector.shape_cast %get3A_191 : vector<16xi32> to vector<1x16xi32>
      tpu.vector_store %arg9[%swap3A_192, %swap3A_193], %swap3A_196 {strides = array<i32>} : memref<4x80xi32, #tpu.memory_space<vmem>>, vector<1x16xi32>,
      %mul3A_197 = arith.constant 80 : i32
      %mul3A_198 = arith.muli %scan3A_129, %mul3A_197 : i32
      %add3A_199 = arith.constant 64 : i32
      %add3A_200 = arith.addi %mul3A_198, %add3A_199 : i32
      %get3A_201 = arith.index_cast %add3A_200 : i32 to index
      %get3A_202 = tpu.vector_load %arg8[%get3A_201] {strides = array<i32>} : memref<3360xi32, #tpu.memory_space<vmem>>, vector<16xi32>,
      %get3A_203 = vector.shape_cast %get3A_202 : vector<16xi32> to vector<16xi32>
      %swap3A_204 = arith.index_cast %rem3A_130 : i32 to index
      %swap3A_205 = arith.constant 64 : index
      %swap3A_206 = tpu.vector_load %arg9[%swap3A_204, %swap3A_205] {strides = array<i32>} : memref<4x80xi32, #tpu.memory_space<vmem>>, vector<1x16xi32>,
      %swap3A_207 = vector.shape_cast %swap3A_206 : vector<1x16xi32> to vector<16xi32>
      %swap3A_208 = vector.shape_cast %get3A_203 : vector<16xi32> to vector<1x16xi32>
      tpu.vector_store %arg9[%swap3A_204, %swap3A_205], %swap3A_208 {strides = array<i32>} : memref<4x80xi32, #tpu.memory_space<vmem>>, vector<1x16xi32>,
      "tpu.region"() ({
        %run_scoped3A = tpu.sem_alloc : memref<!tpu.dma_semaphore, #tpu.memory_space<semaphore_mem>>
        %dma_start3A_209 = arith.constant 0 : i32
        %dma_start3A_210 = arith.constant 0 : i32
        %dma_start3A_211 = tpu.memref_slice %arg10[%rem3A_130, %dma_start3A_209, %dma_start3A_210] : memref<4x80x128xf32, #tpu.memory_space<vmem>> -> memref<1x80x128xf32, #tpu.memory_space<vmem>>
        %dma_start3A_212 = tpu.memref_squeeze %dma_start3A_211 : memref<1x80x128xf32, #tpu.memory_space<vmem>> -> memref<80x128xf32, #tpu.memory_space<vmem>>
        %dma_start3A_213 = arith.constant 0 : i32
        %dma_start3A_214 = tpu.memref_slice %arg9[%rem3A_130, %dma_start3A_213] : memref<4x80xi32, #tpu.memory_space<vmem>> -> memref<1x80xi32, #tpu.memory_space<vmem>>
        %dma_start3A_215 = tpu.memref_squeeze %dma_start3A_214 : memref<1x80xi32, #tpu.memory_space<vmem>> -> memref<80xi32, #tpu.memory_space<vmem>>
        %dma_start3A_216 = arith.constant 0 : i32
        %dma_start3A_217 = arith.constant 0 : i32
        %dma_start3A_218 = tpu.memref_slice %arg11[%dma_start3A_216, %dma_start3A_217] : memref<10000x128xf32, #tpu.memory_space<vmem_shared>> -> memref<10000x128xf32, #tpu.memory_space<vmem_shared>>
        tpu.enqueue_indirect_dma source(%dma_start3A_212 : memref<80x128xf32, #tpu.memory_space<vmem>>) target(%dma_start3A_218 : memref<10000x128xf32, #tpu.memory_space<vmem_shared>>) offsets(%dma_start3A_215 : memref<80xi32, #tpu.memory_space<vmem>>) semaphore(%run_scoped3A : memref<!tpu.dma_semaphore, #tpu.memory_space<semaphore_mem>>) {add = true}
        %dma_wait3A_219 = arith.constant 0 : i32
        %dma_wait3A_220 = arith.constant 0 : i32
        %dma_wait3A_221 = tpu.memref_slice %arg10[%rem3A_130, %dma_wait3A_219, %dma_wait3A_220] : memref<4x80x128xf32, #tpu.memory_space<vmem>> -> memref<1x80x128xf32, #tpu.memory_space<vmem>>
        %dma_wait3A_222 = tpu.memref_squeeze %dma_wait3A_221 : memref<1x80x128xf32, #tpu.memory_space<vmem>> -> memref<80x128xf32, #tpu.memory_space<vmem>>
        %dma_wait3A_223 = arith.constant 0 : i32
        %dma_wait3A_224 = tpu.memref_slice %arg9[%rem3A_130, %dma_wait3A_223] : memref<4x80xi32, #tpu.memory_space<vmem>> -> memref<1x80xi32, #tpu.memory_space<vmem>>
        %dma_wait3A_225 = tpu.memref_squeeze %dma_wait3A_224 : memref<1x80xi32, #tpu.memory_space<vmem>> -> memref<80xi32, #tpu.memory_space<vmem>>
        %dma_wait3A_226 = arith.constant 0 : i32
        %dma_wait3A_227 = arith.constant 0 : i32
        %dma_wait3A_228 = tpu.memref_slice %arg11[%dma_wait3A_226, %dma_wait3A_227] : memref<10000x128xf32, #tpu.memory_space<vmem_shared>> -> memref<10000x128xf32, #tpu.memory_space<vmem_shared>>
        tpu.wait_indirect_dma semaphore(%run_scoped3A : memref<!tpu.dma_semaphore, #tpu.memory_space<semaphore_mem>>) src(%dma_wait3A_222 : memref<80x128xf32, #tpu.memory_space<vmem>>) dst(%dma_wait3A_228 : memref<10000x128xf32, #tpu.memory_space<vmem_shared>>)
        tpu.yield
      }) : () -> ()
    }
    %scan3A_42 = arith.constant 42 : i32
    %add3A_43 = arith.constant 3360 : i32
    %add3A_44 = arith.addi %add3A, %add3A_43 : i32
    "tpu.region"() ({
      %run_scoped3A = tpu.sem_alloc : memref<!tpu.dma_semaphore, #tpu.memory_space<semaphore_mem>>
      %dma_start3A_129 = arith.constant 0 : i32
      %dma_start3A_130 = tpu.memref_slice %arg7[%dma_start3A_129] : memref<3360xi32, #tpu.memory_space<vmem>> -> memref<3360xi32, #tpu.memory_space<vmem>>
      %dma_start3A_131 = tpu.memref_slice %arg3[%add3A_44] : memref<320000xi32, #tpu.memory_space<hbm>> -> memref<3360xi32, #tpu.memory_space<hbm>>
      %dma_start3A_132 = arith.constant 0 : i32
      %dma_start3A_133 = tpu.memref_slice %arg7[%dma_start3A_132] : memref<3360xi32, #tpu.memory_space<vmem>> -> memref<3360xi32, #tpu.memory_space<vmem>>
      %dma_start3A_134 = tpu.memref_slice %arg3[%add3A_44] : memref<320000xi32, #tpu.memory_space<hbm>> -> memref<3360xi32, #tpu.memory_space<hbm>>
      tpu.enqueue_dma source(%dma_start3A_134 : memref<3360xi32, #tpu.memory_space<hbm>>) target(%dma_start3A_133 : memref<3360xi32, #tpu.memory_space<vmem>>) target_semaphore(%run_scoped3A : memref<!tpu.dma_semaphore, #tpu.memory_space<semaphore_mem>>)
      %dma_wait3A = arith.constant 0 : i32
      %dma_wait3A_135 = tpu.memref_slice %arg7[%dma_wait3A] : memref<3360xi32, #tpu.memory_space<vmem>> -> memref<3360xi32, #tpu.memory_space<vmem>>
      %dma_wait3A_136 = tpu.memref_slice %arg3[%add3A_44] : memref<320000xi32, #tpu.memory_space<hbm>> -> memref<3360xi32, #tpu.memory_space<hbm>>
      %dma_wait3A_137 = arith.constant 0 : i32
      %dma_wait3A_138 = tpu.memref_slice %arg7[%dma_wait3A_137] : memref<3360xi32, #tpu.memory_space<vmem>> -> memref<3360xi32, #tpu.memory_space<vmem>>
      %dma_wait3A_139 = tpu.memref_slice %arg3[%add3A_44] : memref<320000xi32, #tpu.memory_space<hbm>> -> memref<3360xi32, #tpu.memory_space<hbm>>
      tpu.wait_dma2 semaphore(%run_scoped3A : memref<!tpu.dma_semaphore, #tpu.memory_space<semaphore_mem>>) src(%dma_wait3A_139 : memref<3360xi32, #tpu.memory_space<hbm>>) dst(%dma_wait3A_138 : memref<3360xi32, #tpu.memory_space<vmem>>)
      tpu.yield
    }) : () -> ()
    %add3A_45 = arith.constant 3360 : i32
    %add3A_46 = arith.addi %add3A, %add3A_45 : i32
    "tpu.region"() ({
      %run_scoped3A = tpu.sem_alloc : memref<!tpu.dma_semaphore, #tpu.memory_space<semaphore_mem>>
      %dma_start3A_129 = arith.constant 0 : i32
      %dma_start3A_130 = tpu.memref_slice %arg8[%dma_start3A_129] : memref<3360xi32, #tpu.memory_space<vmem>> -> memref<3360xi32, #tpu.memory_space<vmem>>
      %dma_start3A_131 = tpu.memref_slice %arg4[%add3A_46] : memref<320000xi32, #tpu.memory_space<hbm>> -> memref<3360xi32, #tpu.memory_space<hbm>>
      %dma_start3A_132 = arith.constant 0 : i32
      %dma_start3A_133 = tpu.memref_slice %arg8[%dma_start3A_132] : memref<3360xi32, #tpu.memory_space<vmem>> -> memref<3360xi32, #tpu.memory_space<vmem>>
      %dma_start3A_134 = tpu.memref_slice %arg4[%add3A_46] : memref<320000xi32, #tpu.memory_space<hbm>> -> memref<3360xi32, #tpu.memory_space<hbm>>
      tpu.enqueue_dma source(%dma_start3A_134 : memref<3360xi32, #tpu.memory_space<hbm>>) target(%dma_start3A_133 : memref<3360xi32, #tpu.memory_space<vmem>>) target_semaphore(%run_scoped3A : memref<!tpu.dma_semaphore, #tpu.memory_space<semaphore_mem>>)
      %dma_wait3A = arith.constant 0 : i32
      %dma_wait3A_135 = tpu.memref_slice %arg8[%dma_wait3A] : memref<3360xi32, #tpu.memory_space<vmem>> -> memref<3360xi32, #tpu.memory_space<vmem>>
      %dma_wait3A_136 = tpu.memref_slice %arg4[%add3A_46] : memref<320000xi32, #tpu.memory_space<hbm>> -> memref<3360xi32, #tpu.memory_space<hbm>>
      %dma_wait3A_137 = arith.constant 0 : i32
      %dma_wait3A_138 = tpu.memref_slice %arg8[%dma_wait3A_137] : memref<3360xi32, #tpu.memory_space<vmem>> -> memref<3360xi32, #tpu.memory_space<vmem>>
      %dma_wait3A_139 = tpu.memref_slice %arg4[%add3A_46] : memref<320000xi32, #tpu.memory_space<hbm>> -> memref<3360xi32, #tpu.memory_space<hbm>>
      tpu.wait_dma2 semaphore(%run_scoped3A : memref<!tpu.dma_semaphore, #tpu.memory_space<semaphore_mem>>) src(%dma_wait3A_139 : memref<3360xi32, #tpu.memory_space<hbm>>) dst(%dma_wait3A_138 : memref<3360xi32, #tpu.memory_space<vmem>>)
      tpu.yield
    }) : () -> ()
    %dma_start3A_47 = arith.constant 0 : i32
    %dma_start3A_48 = arith.constant 0 : i32
    %dma_start3A_49 = arith.constant 0 : i32
    %dma_start3A_50 = tpu.memref_slice %arg10[%dma_start3A_47, %dma_start3A_48, %dma_start3A_49] : memref<4x80x128xf32, #tpu.memory_space<vmem>> -> memref<1x80x128xf32, #tpu.memory_space<vmem>>
    %dma_start3A_51 = tpu.memref_squeeze %dma_start3A_50 : memref<1x80x128xf32, #tpu.memory_space<vmem>> -> memref<80x128xf32, #tpu.memory_space<vmem>>
    %dma_start3A_52 = arith.constant 0 : i32
    %dma_start3A_53 = tpu.memref_slice %arg7[%dma_start3A_52] : memref<3360xi32, #tpu.memory_space<vmem>> -> memref<80xi32, #tpu.memory_space<vmem>>
    %dma_start3A_54 = arith.constant 0 : i32
    %dma_start3A_55 = arith.constant 0 : i32
    %dma_start3A_56 = tpu.memref_slice %arg2[%dma_start3A_54, %dma_start3A_55] : memref<20000x128xf32, #tpu.memory_space<hbm>> -> memref<20000x128xf32, #tpu.memory_space<hbm>>
    tpu.enqueue_indirect_dma source(%dma_start3A_56 : memref<20000x128xf32, #tpu.memory_space<hbm>>) target(%dma_start3A_51 : memref<80x128xf32, #tpu.memory_space<vmem>>) offsets(%dma_start3A_53 : memref<80xi32, #tpu.memory_space<vmem>>) semaphore(%arg12 : memref<!tpu.dma_semaphore, #tpu.memory_space<semaphore_mem>>)
    %dma_start3A_57 = arith.constant 1 : i32
    %dma_start3A_58 = arith.constant 0 : i32
    %dma_start3A_59 = arith.constant 0 : i32
    %dma_start3A_60 = tpu.memref_slice %arg10[%dma_start3A_57, %dma_start3A_58, %dma_start3A_59] : memref<4x80x128xf32, #tpu.memory_space<vmem>> -> memref<1x80x128xf32, #tpu.memory_space<vmem>>
    %dma_start3A_61 = tpu.memref_squeeze %dma_start3A_60 : memref<1x80x128xf32, #tpu.memory_space<vmem>> -> memref<80x128xf32, #tpu.memory_space<vmem>>
    %dma_start3A_62 = arith.constant 80 : i32
    %dma_start3A_63 = tpu.memref_slice %arg7[%dma_start3A_62] : memref<3360xi32, #tpu.memory_space<vmem>> -> memref<80xi32, #tpu.memory_space<vmem>>
    %dma_start3A_64 = arith.constant 0 : i32
    %dma_start3A_65 = arith.constant 0 : i32
    %dma_start3A_66 = tpu.memref_slice %arg2[%dma_start3A_64, %dma_start3A_65] : memref<20000x128xf32, #tpu.memory_space<hbm>> -> memref<20000x128xf32, #tpu.memory_space<hbm>>
    tpu.enqueue_indirect_dma source(%dma_start3A_66 : memref<20000x128xf32, #tpu.memory_space<hbm>>) target(%dma_start3A_61 : memref<80x128xf32, #tpu.memory_space<vmem>>) offsets(%dma_start3A_63 : memref<80xi32, #tpu.memory_space<vmem>>) semaphore(%arg12 : memref<!tpu.dma_semaphore, #tpu.memory_space<semaphore_mem>>)
    %dma_start3A_67 = arith.constant 2 : i32
    %dma_start3A_68 = arith.constant 0 : i32
    %dma_start3A_69 = arith.constant 0 : i32
    %dma_start3A_70 = tpu.memref_slice %arg10[%dma_start3A_67, %dma_start3A_68, %dma_start3A_69] : memref<4x80x128xf32, #tpu.memory_space<vmem>> -> memref<1x80x128xf32, #tpu.memory_space<vmem>>
    %dma_start3A_71 = tpu.memref_squeeze %dma_start3A_70 : memref<1x80x128xf32, #tpu.memory_space<vmem>> -> memref<80x128xf32, #tpu.memory_space<vmem>>
    %dma_start3A_72 = arith.constant 160 : i32
    %dma_start3A_73 = tpu.memref_slice %arg7[%dma_start3A_72] : memref<3360xi32, #tpu.memory_space<vmem>> -> memref<80xi32, #tpu.memory_space<vmem>>
    %dma_start3A_74 = arith.constant 0 : i32
    %dma_start3A_75 = arith.constant 0 : i32
    %dma_start3A_76 = tpu.memref_slice %arg2[%dma_start3A_74, %dma_start3A_75] : memref<20000x128xf32, #tpu.memory_space<hbm>> -> memref<20000x128xf32, #tpu.memory_space<hbm>>
    tpu.enqueue_indirect_dma source(%dma_start3A_76 : memref<20000x128xf32, #tpu.memory_space<hbm>>) target(%dma_start3A_71 : memref<80x128xf32, #tpu.memory_space<vmem>>) offsets(%dma_start3A_73 : memref<80xi32, #tpu.memory_space<vmem>>) semaphore(%arg12 : memref<!tpu.dma_semaphore, #tpu.memory_space<semaphore_mem>>)
    %scan3A_77 = arith.constant 0 : i32
    %scan3A_78 = arith.constant 0 : i32
    %scan3A_79 = arith.constant 42 : i32
    %scan3A_80 = arith.addi %scan3A_78, %scan3A_79 : i32
    %scan3A_81 = arith.constant 1 : i32
    scf.for %scan3A_129 = %scan3A_78 to %scan3A_80 step %scan3A_81  : i32 {
      %rem3A = arith.constant 4 : i32
      %rem3A_130 = arith.remsi %scan3A_129, %rem3A : i32
      %dma_wait3A = arith.constant 0 : i32
      %dma_wait3A_131 = arith.constant 0 : i32
      %dma_wait3A_132 = tpu.memref_slice %arg10[%rem3A_130, %dma_wait3A, %dma_wait3A_131] : memref<4x80x128xf32, #tpu.memory_space<vmem>> -> memref<1x80x128xf32, #tpu.memory_space<vmem>>
      %dma_wait3A_133 = tpu.memref_squeeze %dma_wait3A_132 : memref<1x80x128xf32, #tpu.memory_space<vmem>> -> memref<80x128xf32, #tpu.memory_space<vmem>>
      %dma_wait3A_134 = arith.constant 0 : i32
      %dma_wait3A_135 = arith.constant 0 : i32
      %dma_wait3A_136 = tpu.memref_slice %arg2[%dma_wait3A_134, %dma_wait3A_135] : memref<20000x128xf32, #tpu.memory_space<hbm>> -> memref<80x128xf32, #tpu.memory_space<hbm>>
      %dma_wait3A_137 = arith.constant 0 : i32
      %dma_wait3A_138 = arith.constant 0 : i32
      %dma_wait3A_139 = tpu.memref_slice %arg10[%rem3A_130, %dma_wait3A_137, %dma_wait3A_138] : memref<4x80x128xf32, #tpu.memory_space<vmem>> -> memref<1x80x128xf32, #tpu.memory_space<vmem>>
      %dma_wait3A_140 = tpu.memref_squeeze %dma_wait3A_139 : memref<1x80x128xf32, #tpu.memory_space<vmem>> -> memref<80x128xf32, #tpu.memory_space<vmem>>
      %dma_wait3A_141 = arith.constant 0 : i32
      %dma_wait3A_142 = arith.constant 0 : i32
      %dma_wait3A_143 = tpu.memref_slice %arg2[%dma_wait3A_141, %dma_wait3A_142] : memref<20000x128xf32, #tpu.memory_space<hbm>> -> memref<80x128xf32, #tpu.memory_space<hbm>>
      tpu.wait_dma2 semaphore(%arg12 : memref<!tpu.dma_semaphore, #tpu.memory_space<semaphore_mem>>) src(%dma_wait3A_143 : memref<80x128xf32, #tpu.memory_space<hbm>>) dst(%dma_wait3A_140 : memref<80x128xf32, #tpu.memory_space<vmem>>)
      %add3A_144 = arith.constant 3 : i32
      %add3A_145 = arith.addi %scan3A_129, %add3A_144 : i32
      %lt3A_146 = arith.constant 42 : i32
      %lt3A_147 = arith.cmpi slt, %add3A_145, %lt3A_146 : i32
      %convert_element_type3A_148 = arith.extui %lt3A_147 : i1 to i32
      %cond3A_149 = arith.constant 0 : i32
      %cond3A_150 = arith.cmpi ne, %convert_element_type3A_148, %cond3A_149 : i32
      scf.if %cond3A_150 {
        %add3A_209 = arith.constant 3 : i32
        %add3A_210 = arith.addi %scan3A_129, %add3A_209 : i32
        %add3A_211 = arith.constant 3 : i32
        %add3A_212 = arith.addi %scan3A_129, %add3A_211 : i32
        %rem3A_213 = arith.constant 4 : i32
        %rem3A_214 = arith.remsi %add3A_212, %rem3A_213 : i32
        %mul3A_215 = arith.constant 80 : i32
        %mul3A_216 = arith.muli %add3A_210, %mul3A_215 : i32
        %dma_start3A_217 = arith.constant 0 : i32
        %dma_start3A_218 = arith.constant 0 : i32
        %dma_start3A_219 = tpu.memref_slice %arg10[%rem3A_214, %dma_start3A_217, %dma_start3A_218] : memref<4x80x128xf32, #tpu.memory_space<vmem>> -> memref<1x80x128xf32, #tpu.memory_space<vmem>>
        %dma_start3A_220 = tpu.memref_squeeze %dma_start3A_219 : memref<1x80x128xf32, #tpu.memory_space<vmem>> -> memref<80x128xf32, #tpu.memory_space<vmem>>
        %dma_start3A_221 = tpu.memref_slice %arg7[%mul3A_216] : memref<3360xi32, #tpu.memory_space<vmem>> -> memref<80xi32, #tpu.memory_space<vmem>>
        %dma_start3A_222 = arith.constant 0 : i32
        %dma_start3A_223 = arith.constant 0 : i32
        %dma_start3A_224 = tpu.memref_slice %arg2[%dma_start3A_222, %dma_start3A_223] : memref<20000x128xf32, #tpu.memory_space<hbm>> -> memref<20000x128xf32, #tpu.memory_space<hbm>>
        tpu.enqueue_indirect_dma source(%dma_start3A_224 : memref<20000x128xf32, #tpu.memory_space<hbm>>) target(%dma_start3A_220 : memref<80x128xf32, #tpu.memory_space<vmem>>) offsets(%dma_start3A_221 : memref<80xi32, #tpu.memory_space<vmem>>) semaphore(%arg12 : memref<!tpu.dma_semaphore, #tpu.memory_space<semaphore_mem>>)
      } else {
      }
      %mul3A_151 = arith.constant 80 : i32
      %mul3A_152 = arith.muli %scan3A_129, %mul3A_151 : i32
      %add3A_153 = arith.constant 0 : i32
      %add3A_154 = arith.addi %mul3A_152, %add3A_153 : i32
      %get3A = arith.index_cast %add3A_154 : i32 to index
      %get3A_155 = tpu.vector_load %arg8[%get3A] {strides = array<i32>} : memref<3360xi32, #tpu.memory_space<vmem>>, vector<16xi32>,
      %get3A_156 = vector.shape_cast %get3A_155 : vector<16xi32> to vector<16xi32>
      %swap3A = arith.index_cast %rem3A_130 : i32 to index
      %swap3A_157 = arith.constant 0 : index
      %swap3A_158 = tpu.vector_load %arg9[%swap3A, %swap3A_157] {strides = array<i32>} : memref<4x80xi32, #tpu.memory_space<vmem>>, vector<1x16xi32>,
      %swap3A_159 = vector.shape_cast %swap3A_158 : vector<1x16xi32> to vector<16xi32>
      %swap3A_160 = vector.shape_cast %get3A_156 : vector<16xi32> to vector<1x16xi32>
      tpu.vector_store %arg9[%swap3A, %swap3A_157], %swap3A_160 {strides = array<i32>} : memref<4x80xi32, #tpu.memory_space<vmem>>, vector<1x16xi32>,
      %mul3A_161 = arith.constant 80 : i32
      %mul3A_162 = arith.muli %scan3A_129, %mul3A_161 : i32
      %add3A_163 = arith.constant 16 : i32
      %add3A_164 = arith.addi %mul3A_162, %add3A_163 : i32
      %get3A_165 = arith.index_cast %add3A_164 : i32 to index
      %get3A_166 = tpu.vector_load %arg8[%get3A_165] {strides = array<i32>} : memref<3360xi32, #tpu.memory_space<vmem>>, vector<16xi32>,
      %get3A_167 = vector.shape_cast %get3A_166 : vector<16xi32> to vector<16xi32>
      %swap3A_168 = arith.index_cast %rem3A_130 : i32 to index
      %swap3A_169 = arith.constant 16 : index
      %swap3A_170 = tpu.vector_load %arg9[%swap3A_168, %swap3A_169] {strides = array<i32>} : memref<4x80xi32, #tpu.memory_space<vmem>>, vector<1x16xi32>,
      %swap3A_171 = vector.shape_cast %swap3A_170 : vector<1x16xi32> to vector<16xi32>
      %swap3A_172 = vector.shape_cast %get3A_167 : vector<16xi32> to vector<1x16xi32>
      tpu.vector_store %arg9[%swap3A_168, %swap3A_169], %swap3A_172 {strides = array<i32>} : memref<4x80xi32, #tpu.memory_space<vmem>>, vector<1x16xi32>,
      %mul3A_173 = arith.constant 80 : i32
      %mul3A_174 = arith.muli %scan3A_129, %mul3A_173 : i32
      %add3A_175 = arith.constant 32 : i32
      %add3A_176 = arith.addi %mul3A_174, %add3A_175 : i32
      %get3A_177 = arith.index_cast %add3A_176 : i32 to index
      %get3A_178 = tpu.vector_load %arg8[%get3A_177] {strides = array<i32>} : memref<3360xi32, #tpu.memory_space<vmem>>, vector<16xi32>,
      %get3A_179 = vector.shape_cast %get3A_178 : vector<16xi32> to vector<16xi32>
      %swap3A_180 = arith.index_cast %rem3A_130 : i32 to index
      %swap3A_181 = arith.constant 32 : index
      %swap3A_182 = tpu.vector_load %arg9[%swap3A_180, %swap3A_181] {strides = array<i32>} : memref<4x80xi32, #tpu.memory_space<vmem>>, vector<1x16xi32>,
      %swap3A_183 = vector.shape_cast %swap3A_182 : vector<1x16xi32> to vector<16xi32>
      %swap3A_184 = vector.shape_cast %get3A_179 : vector<16xi32> to vector<1x16xi32>
      tpu.vector_store %arg9[%swap3A_180, %swap3A_181], %swap3A_184 {strides = array<i32>} : memref<4x80xi32, #tpu.memory_space<vmem>>, vector<1x16xi32>,
      %mul3A_185 = arith.constant 80 : i32
      %mul3A_186 = arith.muli %scan3A_129, %mul3A_185 : i32
      %add3A_187 = arith.constant 48 : i32
      %add3A_188 = arith.addi %mul3A_186, %add3A_187 : i32
      %get3A_189 = arith.index_cast %add3A_188 : i32 to index
      %get3A_190 = tpu.vector_load %arg8[%get3A_189] {strides = array<i32>} : memref<3360xi32, #tpu.memory_space<vmem>>, vector<16xi32>,
      %get3A_191 = vector.shape_cast %get3A_190 : vector<16xi32> to vector<16xi32>
      %swap3A_192 = arith.index_cast %rem3A_130 : i32 to index
      %swap3A_193 = arith.constant 48 : index
      %swap3A_194 = tpu.vector_load %arg9[%swap3A_192, %swap3A_193] {strides = array<i32>} : memref<4x80xi32, #tpu.memory_space<vmem>>, vector<1x16xi32>,
      %swap3A_195 = vector.shape_cast %swap3A_194 : vector<1x16xi32> to vector<16xi32>
      %swap3A_196 = vector.shape_cast %get3A_191 : vector<16xi32> to vector<1x16xi32>
      tpu.vector_store %arg9[%swap3A_192, %swap3A_193], %swap3A_196 {strides = array<i32>} : memref<4x80xi32, #tpu.memory_space<vmem>>, vector<1x16xi32>,
      %mul3A_197 = arith.constant 80 : i32
      %mul3A_198 = arith.muli %scan3A_129, %mul3A_197 : i32
      %add3A_199 = arith.constant 64 : i32
      %add3A_200 = arith.addi %mul3A_198, %add3A_199 : i32
      %get3A_201 = arith.index_cast %add3A_200 : i32 to index
      %get3A_202 = tpu.vector_load %arg8[%get3A_201] {strides = array<i32>} : memref<3360xi32, #tpu.memory_space<vmem>>, vector<16xi32>,
      %get3A_203 = vector.shape_cast %get3A_202 : vector<16xi32> to vector<16xi32>
      %swap3A_204 = arith.index_cast %rem3A_130 : i32 to index
      %swap3A_205 = arith.constant 64 : index
      %swap3A_206 = tpu.vector_load %arg9[%swap3A_204, %swap3A_205] {strides = array<i32>} : memref<4x80xi32, #tpu.memory_space<vmem>>, vector<1x16xi32>,
      %swap3A_207 = vector.shape_cast %swap3A_206 : vector<1x16xi32> to vector<16xi32>
      %swap3A_208 = vector.shape_cast %get3A_203 : vector<16xi32> to vector<1x16xi32>
      tpu.vector_store %arg9[%swap3A_204, %swap3A_205], %swap3A_208 {strides = array<i32>} : memref<4x80xi32, #tpu.memory_space<vmem>>, vector<1x16xi32>,
      "tpu.region"() ({
        %run_scoped3A = tpu.sem_alloc : memref<!tpu.dma_semaphore, #tpu.memory_space<semaphore_mem>>
        %dma_start3A_209 = arith.constant 0 : i32
        %dma_start3A_210 = arith.constant 0 : i32
        %dma_start3A_211 = tpu.memref_slice %arg10[%rem3A_130, %dma_start3A_209, %dma_start3A_210] : memref<4x80x128xf32, #tpu.memory_space<vmem>> -> memref<1x80x128xf32, #tpu.memory_space<vmem>>
        %dma_start3A_212 = tpu.memref_squeeze %dma_start3A_211 : memref<1x80x128xf32, #tpu.memory_space<vmem>> -> memref<80x128xf32, #tpu.memory_space<vmem>>
        %dma_start3A_213 = arith.constant 0 : i32
        %dma_start3A_214 = tpu.memref_slice %arg9[%rem3A_130, %dma_start3A_213] : memref<4x80xi32, #tpu.memory_space<vmem>> -> memref<1x80xi32, #tpu.memory_space<vmem>>
        %dma_start3A_215 = tpu.memref_squeeze %dma_start3A_214 : memref<1x80xi32, #tpu.memory_space<vmem>> -> memref<80xi32, #tpu.memory_space<vmem>>
        %dma_start3A_216 = arith.constant 0 : i32
        %dma_start3A_217 = arith.constant 0 : i32
        %dma_start3A_218 = tpu.memref_slice %arg11[%dma_start3A_216, %dma_start3A_217] : memref<10000x128xf32, #tpu.memory_space<vmem_shared>> -> memref<10000x128xf32, #tpu.memory_space<vmem_shared>>
        tpu.enqueue_indirect_dma source(%dma_start3A_212 : memref<80x128xf32, #tpu.memory_space<vmem>>) target(%dma_start3A_218 : memref<10000x128xf32, #tpu.memory_space<vmem_shared>>) offsets(%dma_start3A_215 : memref<80xi32, #tpu.memory_space<vmem>>) semaphore(%run_scoped3A : memref<!tpu.dma_semaphore, #tpu.memory_space<semaphore_mem>>) {add = true}
        %dma_wait3A_219 = arith.constant 0 : i32
        %dma_wait3A_220 = arith.constant 0 : i32
        %dma_wait3A_221 = tpu.memref_slice %arg10[%rem3A_130, %dma_wait3A_219, %dma_wait3A_220] : memref<4x80x128xf32, #tpu.memory_space<vmem>> -> memref<1x80x128xf32, #tpu.memory_space<vmem>>
        %dma_wait3A_222 = tpu.memref_squeeze %dma_wait3A_221 : memref<1x80x128xf32, #tpu.memory_space<vmem>> -> memref<80x128xf32, #tpu.memory_space<vmem>>
        %dma_wait3A_223 = arith.constant 0 : i32
        %dma_wait3A_224 = tpu.memref_slice %arg9[%rem3A_130, %dma_wait3A_223] : memref<4x80xi32, #tpu.memory_space<vmem>> -> memref<1x80xi32, #tpu.memory_space<vmem>>
        %dma_wait3A_225 = tpu.memref_squeeze %dma_wait3A_224 : memref<1x80xi32, #tpu.memory_space<vmem>> -> memref<80xi32, #tpu.memory_space<vmem>>
        %dma_wait3A_226 = arith.constant 0 : i32
        %dma_wait3A_227 = arith.constant 0 : i32
        %dma_wait3A_228 = tpu.memref_slice %arg11[%dma_wait3A_226, %dma_wait3A_227] : memref<10000x128xf32, #tpu.memory_space<vmem_shared>> -> memref<10000x128xf32, #tpu.memory_space<vmem_shared>>
        tpu.wait_indirect_dma semaphore(%run_scoped3A : memref<!tpu.dma_semaphore, #tpu.memory_space<semaphore_mem>>) src(%dma_wait3A_222 : memref<80x128xf32, #tpu.memory_space<vmem>>) dst(%dma_wait3A_228 : memref<10000x128xf32, #tpu.memory_space<vmem_shared>>)
        tpu.yield
      }) : () -> ()
    }
    %scan3A_82 = arith.constant 42 : i32
    %add3A_83 = arith.constant 6720 : i32
    %add3A_84 = arith.addi %add3A, %add3A_83 : i32
    "tpu.region"() ({
      %run_scoped3A = tpu.sem_alloc : memref<!tpu.dma_semaphore, #tpu.memory_space<semaphore_mem>>
      %dma_start3A_129 = arith.constant 0 : i32
      %dma_start3A_130 = tpu.memref_slice %arg7[%dma_start3A_129] : memref<3360xi32, #tpu.memory_space<vmem>> -> memref<3280xi32, #tpu.memory_space<vmem>>
      %dma_start3A_131 = tpu.memref_slice %arg3[%add3A_84] : memref<320000xi32, #tpu.memory_space<hbm>> -> memref<3280xi32, #tpu.memory_space<hbm>>
      %dma_start3A_132 = arith.constant 0 : i32
      %dma_start3A_133 = tpu.memref_slice %arg7[%dma_start3A_132] : memref<3360xi32, #tpu.memory_space<vmem>> -> memref<3280xi32, #tpu.memory_space<vmem>>
      %dma_start3A_134 = tpu.memref_slice %arg3[%add3A_84] : memref<320000xi32, #tpu.memory_space<hbm>> -> memref<3280xi32, #tpu.memory_space<hbm>>
      tpu.enqueue_dma source(%dma_start3A_134 : memref<3280xi32, #tpu.memory_space<hbm>>) target(%dma_start3A_133 : memref<3280xi32, #tpu.memory_space<vmem>>) target_semaphore(%run_scoped3A : memref<!tpu.dma_semaphore, #tpu.memory_space<semaphore_mem>>)
      %dma_wait3A = arith.constant 0 : i32
      %dma_wait3A_135 = tpu.memref_slice %arg7[%dma_wait3A] : memref<3360xi32, #tpu.memory_space<vmem>> -> memref<3280xi32, #tpu.memory_space<vmem>>
      %dma_wait3A_136 = tpu.memref_slice %arg3[%add3A_84] : memref<320000xi32, #tpu.memory_space<hbm>> -> memref<3280xi32, #tpu.memory_space<hbm>>
      %dma_wait3A_137 = arith.constant 0 : i32
      %dma_wait3A_138 = tpu.memref_slice %arg7[%dma_wait3A_137] : memref<3360xi32, #tpu.memory_space<vmem>> -> memref<3280xi32, #tpu.memory_space<vmem>>
      %dma_wait3A_139 = tpu.memref_slice %arg3[%add3A_84] : memref<320000xi32, #tpu.memory_space<hbm>> -> memref<3280xi32, #tpu.memory_space<hbm>>
      tpu.wait_dma2 semaphore(%run_scoped3A : memref<!tpu.dma_semaphore, #tpu.memory_space<semaphore_mem>>) src(%dma_wait3A_139 : memref<3280xi32, #tpu.memory_space<hbm>>) dst(%dma_wait3A_138 : memref<3280xi32, #tpu.memory_space<vmem>>)
      tpu.yield
    }) : () -> ()
    %add3A_85 = arith.constant 6720 : i32
    %add3A_86 = arith.addi %add3A, %add3A_85 : i32
    "tpu.region"() ({
      %run_scoped3A = tpu.sem_alloc : memref<!tpu.dma_semaphore, #tpu.memory_space<semaphore_mem>>
      %dma_start3A_129 = arith.constant 0 : i32
      %dma_start3A_130 = tpu.memref_slice %arg8[%dma_start3A_129] : memref<3360xi32, #tpu.memory_space<vmem>> -> memref<3280xi32, #tpu.memory_space<vmem>>
      %dma_start3A_131 = tpu.memref_slice %arg4[%add3A_86] : memref<320000xi32, #tpu.memory_space<hbm>> -> memref<3280xi32, #tpu.memory_space<hbm>>
      %dma_start3A_132 = arith.constant 0 : i32
      %dma_start3A_133 = tpu.memref_slice %arg8[%dma_start3A_132] : memref<3360xi32, #tpu.memory_space<vmem>> -> memref<3280xi32, #tpu.memory_space<vmem>>
      %dma_start3A_134 = tpu.memref_slice %arg4[%add3A_86] : memref<320000xi32, #tpu.memory_space<hbm>> -> memref<3280xi32, #tpu.memory_space<hbm>>
      tpu.enqueue_dma source(%dma_start3A_134 : memref<3280xi32, #tpu.memory_space<hbm>>) target(%dma_start3A_133 : memref<3280xi32, #tpu.memory_space<vmem>>) target_semaphore(%run_scoped3A : memref<!tpu.dma_semaphore, #tpu.memory_space<semaphore_mem>>)
      %dma_wait3A = arith.constant 0 : i32
      %dma_wait3A_135 = tpu.memref_slice %arg8[%dma_wait3A] : memref<3360xi32, #tpu.memory_space<vmem>> -> memref<3280xi32, #tpu.memory_space<vmem>>
      %dma_wait3A_136 = tpu.memref_slice %arg4[%add3A_86] : memref<320000xi32, #tpu.memory_space<hbm>> -> memref<3280xi32, #tpu.memory_space<hbm>>
      %dma_wait3A_137 = arith.constant 0 : i32
      %dma_wait3A_138 = tpu.memref_slice %arg8[%dma_wait3A_137] : memref<3360xi32, #tpu.memory_space<vmem>> -> memref<3280xi32, #tpu.memory_space<vmem>>
      %dma_wait3A_139 = tpu.memref_slice %arg4[%add3A_86] : memref<320000xi32, #tpu.memory_space<hbm>> -> memref<3280xi32, #tpu.memory_space<hbm>>
      tpu.wait_dma2 semaphore(%run_scoped3A : memref<!tpu.dma_semaphore, #tpu.memory_space<semaphore_mem>>) src(%dma_wait3A_139 : memref<3280xi32, #tpu.memory_space<hbm>>) dst(%dma_wait3A_138 : memref<3280xi32, #tpu.memory_space<vmem>>)
      tpu.yield
    }) : () -> ()
    %dma_start3A_87 = arith.constant 0 : i32
    %dma_start3A_88 = arith.constant 0 : i32
    %dma_start3A_89 = arith.constant 0 : i32
    %dma_start3A_90 = tpu.memref_slice %arg10[%dma_start3A_87, %dma_start3A_88, %dma_start3A_89] : memref<4x80x128xf32, #tpu.memory_space<vmem>> -> memref<1x80x128xf32, #tpu.memory_space<vmem>>
    %dma_start3A_91 = tpu.memref_squeeze %dma_start3A_90 : memref<1x80x128xf32, #tpu.memory_space<vmem>> -> memref<80x128xf32, #tpu.memory_space<vmem>>
    %dma_start3A_92 = arith.constant 0 : i32
    %dma_start3A_93 = tpu.memref_slice %arg7[%dma_start3A_92] : memref<3360xi32, #tpu.memory_space<vmem>> -> memref<80xi32, #tpu.memory_space<vmem>>
    %dma_start3A_94 = arith.constant 0 : i32
    %dma_start3A_95 = arith.constant 0 : i32
    %dma_start3A_96 = tpu.memref_slice %arg2[%dma_start3A_94, %dma_start3A_95] : memref<20000x128xf32, #tpu.memory_space<hbm>> -> memref<20000x128xf32, #tpu.memory_space<hbm>>
    tpu.enqueue_indirect_dma source(%dma_start3A_96 : memref<20000x128xf32, #tpu.memory_space<hbm>>) target(%dma_start3A_91 : memref<80x128xf32, #tpu.memory_space<vmem>>) offsets(%dma_start3A_93 : memref<80xi32, #tpu.memory_space<vmem>>) semaphore(%arg12 : memref<!tpu.dma_semaphore, #tpu.memory_space<semaphore_mem>>)
    %dma_start3A_97 = arith.constant 1 : i32
    %dma_start3A_98 = arith.constant 0 : i32
    %dma_start3A_99 = arith.constant 0 : i32
    %dma_start3A_100 = tpu.memref_slice %arg10[%dma_start3A_97, %dma_start3A_98, %dma_start3A_99] : memref<4x80x128xf32, #tpu.memory_space<vmem>> -> memref<1x80x128xf32, #tpu.memory_space<vmem>>
    %dma_start3A_101 = tpu.memref_squeeze %dma_start3A_100 : memref<1x80x128xf32, #tpu.memory_space<vmem>> -> memref<80x128xf32, #tpu.memory_space<vmem>>
    %dma_start3A_102 = arith.constant 80 : i32
    %dma_start3A_103 = tpu.memref_slice %arg7[%dma_start3A_102] : memref<3360xi32, #tpu.memory_space<vmem>> -> memref<80xi32, #tpu.memory_space<vmem>>
    %dma_start3A_104 = arith.constant 0 : i32
    %dma_start3A_105 = arith.constant 0 : i32
    %dma_start3A_106 = tpu.memref_slice %arg2[%dma_start3A_104, %dma_start3A_105] : memref<20000x128xf32, #tpu.memory_space<hbm>> -> memref<20000x128xf32, #tpu.memory_space<hbm>>
    tpu.enqueue_indirect_dma source(%dma_start3A_106 : memref<20000x128xf32, #tpu.memory_space<hbm>>) target(%dma_start3A_101 : memref<80x128xf32, #tpu.memory_space<vmem>>) offsets(%dma_start3A_103 : memref<80xi32, #tpu.memory_space<vmem>>) semaphore(%arg12 : memref<!tpu.dma_semaphore, #tpu.memory_space<semaphore_mem>>)
    %dma_start3A_107 = arith.constant 2 : i32
    %dma_start3A_108 = arith.constant 0 : i32
    %dma_start3A_109 = arith.constant 0 : i32
    %dma_start3A_110 = tpu.memref_slice %arg10[%dma_start3A_107, %dma_start3A_108, %dma_start3A_109] : memref<4x80x128xf32, #tpu.memory_space<vmem>> -> memref<1x80x128xf32, #tpu.memory_space<vmem>>
    %dma_start3A_111 = tpu.memref_squeeze %dma_start3A_110 : memref<1x80x128xf32, #tpu.memory_space<vmem>> -> memref<80x128xf32, #tpu.memory_space<vmem>>
    %dma_start3A_112 = arith.constant 160 : i32
    %dma_start3A_113 = tpu.memref_slice %arg7[%dma_start3A_112] : memref<3360xi32, #tpu.memory_space<vmem>> -> memref<80xi32, #tpu.memory_space<vmem>>
    %dma_start3A_114 = arith.constant 0 : i32
    %dma_start3A_115 = arith.constant 0 : i32
    %dma_start3A_116 = tpu.memref_slice %arg2[%dma_start3A_114, %dma_start3A_115] : memref<20000x128xf32, #tpu.memory_space<hbm>> -> memref<20000x128xf32, #tpu.memory_space<hbm>>
    tpu.enqueue_indirect_dma source(%dma_start3A_116 : memref<20000x128xf32, #tpu.memory_space<hbm>>) target(%dma_start3A_111 : memref<80x128xf32, #tpu.memory_space<vmem>>) offsets(%dma_start3A_113 : memref<80xi32, #tpu.memory_space<vmem>>) semaphore(%arg12 : memref<!tpu.dma_semaphore, #tpu.memory_space<semaphore_mem>>)
    %scan3A_117 = arith.constant 0 : i32
    %scan3A_118 = arith.constant 0 : i32
    %scan3A_119 = arith.constant 41 : i32
    %scan3A_120 = arith.addi %scan3A_118, %scan3A_119 : i32
    %scan3A_121 = arith.constant 1 : i32
    scf.for %scan3A_129 = %scan3A_118 to %scan3A_120 step %scan3A_121  : i32 {
      %rem3A = arith.constant 4 : i32
      %rem3A_130 = arith.remsi %scan3A_129, %rem3A : i32
      %dma_wait3A = arith.constant 0 : i32
      %dma_wait3A_131 = arith.constant 0 : i32
      %dma_wait3A_132 = tpu.memref_slice %arg10[%rem3A_130, %dma_wait3A, %dma_wait3A_131] : memref<4x80x128xf32, #tpu.memory_space<vmem>> -> memref<1x80x128xf32, #tpu.memory_space<vmem>>
      %dma_wait3A_133 = tpu.memref_squeeze %dma_wait3A_132 : memref<1x80x128xf32, #tpu.memory_space<vmem>> -> memref<80x128xf32, #tpu.memory_space<vmem>>
      %dma_wait3A_134 = arith.constant 0 : i32
      %dma_wait3A_135 = arith.constant 0 : i32
      %dma_wait3A_136 = tpu.memref_slice %arg2[%dma_wait3A_134, %dma_wait3A_135] : memref<20000x128xf32, #tpu.memory_space<hbm>> -> memref<80x128xf32, #tpu.memory_space<hbm>>
      %dma_wait3A_137 = arith.constant 0 : i32
      %dma_wait3A_138 = arith.constant 0 : i32
      %dma_wait3A_139 = tpu.memref_slice %arg10[%rem3A_130, %dma_wait3A_137, %dma_wait3A_138] : memref<4x80x128xf32, #tpu.memory_space<vmem>> -> memref<1x80x128xf32, #tpu.memory_space<vmem>>
      %dma_wait3A_140 = tpu.memref_squeeze %dma_wait3A_139 : memref<1x80x128xf32, #tpu.memory_space<vmem>> -> memref<80x128xf32, #tpu.memory_space<vmem>>
      %dma_wait3A_141 = arith.constant 0 : i32
      %dma_wait3A_142 = arith.constant 0 : i32
      %dma_wait3A_143 = tpu.memref_slice %arg2[%dma_wait3A_141, %dma_wait3A_142] : memref<20000x128xf32, #tpu.memory_space<hbm>> -> memref<80x128xf32, #tpu.memory_space<hbm>>
      tpu.wait_dma2 semaphore(%arg12 : memref<!tpu.dma_semaphore, #tpu.memory_space<semaphore_mem>>) src(%dma_wait3A_143 : memref<80x128xf32, #tpu.memory_space<hbm>>) dst(%dma_wait3A_140 : memref<80x128xf32, #tpu.memory_space<vmem>>)
      %add3A_144 = arith.constant 3 : i32
      %add3A_145 = arith.addi %scan3A_129, %add3A_144 : i32
      %lt3A_146 = arith.constant 41 : i32
      %lt3A_147 = arith.cmpi slt, %add3A_145, %lt3A_146 : i32
      %convert_element_type3A_148 = arith.extui %lt3A_147 : i1 to i32
      %cond3A_149 = arith.constant 0 : i32
      %cond3A_150 = arith.cmpi ne, %convert_element_type3A_148, %cond3A_149 : i32
      scf.if %cond3A_150 {
        %add3A_209 = arith.constant 3 : i32
        %add3A_210 = arith.addi %scan3A_129, %add3A_209 : i32
        %add3A_211 = arith.constant 3 : i32
        %add3A_212 = arith.addi %scan3A_129, %add3A_211 : i32
        %rem3A_213 = arith.constant 4 : i32
        %rem3A_214 = arith.remsi %add3A_212, %rem3A_213 : i32
        %mul3A_215 = arith.constant 80 : i32
        %mul3A_216 = arith.muli %add3A_210, %mul3A_215 : i32
        %dma_start3A_217 = arith.constant 0 : i32
        %dma_start3A_218 = arith.constant 0 : i32
        %dma_start3A_219 = tpu.memref_slice %arg10[%rem3A_214, %dma_start3A_217, %dma_start3A_218] : memref<4x80x128xf32, #tpu.memory_space<vmem>> -> memref<1x80x128xf32, #tpu.memory_space<vmem>>
        %dma_start3A_220 = tpu.memref_squeeze %dma_start3A_219 : memref<1x80x128xf32, #tpu.memory_space<vmem>> -> memref<80x128xf32, #tpu.memory_space<vmem>>
        %dma_start3A_221 = tpu.memref_slice %arg7[%mul3A_216] : memref<3360xi32, #tpu.memory_space<vmem>> -> memref<80xi32, #tpu.memory_space<vmem>>
        %dma_start3A_222 = arith.constant 0 : i32
        %dma_start3A_223 = arith.constant 0 : i32
        %dma_start3A_224 = tpu.memref_slice %arg2[%dma_start3A_222, %dma_start3A_223] : memref<20000x128xf32, #tpu.memory_space<hbm>> -> memref<20000x128xf32, #tpu.memory_space<hbm>>
        tpu.enqueue_indirect_dma source(%dma_start3A_224 : memref<20000x128xf32, #tpu.memory_space<hbm>>) target(%dma_start3A_220 : memref<80x128xf32, #tpu.memory_space<vmem>>) offsets(%dma_start3A_221 : memref<80xi32, #tpu.memory_space<vmem>>) semaphore(%arg12 : memref<!tpu.dma_semaphore, #tpu.memory_space<semaphore_mem>>)
      } else {
      }
      %mul3A_151 = arith.constant 80 : i32
      %mul3A_152 = arith.muli %scan3A_129, %mul3A_151 : i32
      %add3A_153 = arith.constant 0 : i32
      %add3A_154 = arith.addi %mul3A_152, %add3A_153 : i32
      %get3A = arith.index_cast %add3A_154 : i32 to index
      %get3A_155 = tpu.vector_load %arg8[%get3A] {strides = array<i32>} : memref<3360xi32, #tpu.memory_space<vmem>>, vector<16xi32>,
      %get3A_156 = vector.shape_cast %get3A_155 : vector<16xi32> to vector<16xi32>
      %swap3A = arith.index_cast %rem3A_130 : i32 to index
      %swap3A_157 = arith.constant 0 : index
      %swap3A_158 = tpu.vector_load %arg9[%swap3A, %swap3A_157] {strides = array<i32>} : memref<4x80xi32, #tpu.memory_space<vmem>>, vector<1x16xi32>,
      %swap3A_159 = vector.shape_cast %swap3A_158 : vector<1x16xi32> to vector<16xi32>
      %swap3A_160 = vector.shape_cast %get3A_156 : vector<16xi32> to vector<1x16xi32>
      tpu.vector_store %arg9[%swap3A, %swap3A_157], %swap3A_160 {strides = array<i32>} : memref<4x80xi32, #tpu.memory_space<vmem>>, vector<1x16xi32>,
      %mul3A_161 = arith.constant 80 : i32
      %mul3A_162 = arith.muli %scan3A_129, %mul3A_161 : i32
      %add3A_163 = arith.constant 16 : i32
      %add3A_164 = arith.addi %mul3A_162, %add3A_163 : i32
      %get3A_165 = arith.index_cast %add3A_164 : i32 to index
      %get3A_166 = tpu.vector_load %arg8[%get3A_165] {strides = array<i32>} : memref<3360xi32, #tpu.memory_space<vmem>>, vector<16xi32>,
      %get3A_167 = vector.shape_cast %get3A_166 : vector<16xi32> to vector<16xi32>
      %swap3A_168 = arith.index_cast %rem3A_130 : i32 to index
      %swap3A_169 = arith.constant 16 : index
      %swap3A_170 = tpu.vector_load %arg9[%swap3A_168, %swap3A_169] {strides = array<i32>} : memref<4x80xi32, #tpu.memory_space<vmem>>, vector<1x16xi32>,
      %swap3A_171 = vector.shape_cast %swap3A_170 : vector<1x16xi32> to vector<16xi32>
      %swap3A_172 = vector.shape_cast %get3A_167 : vector<16xi32> to vector<1x16xi32>
      tpu.vector_store %arg9[%swap3A_168, %swap3A_169], %swap3A_172 {strides = array<i32>} : memref<4x80xi32, #tpu.memory_space<vmem>>, vector<1x16xi32>,
      %mul3A_173 = arith.constant 80 : i32
      %mul3A_174 = arith.muli %scan3A_129, %mul3A_173 : i32
      %add3A_175 = arith.constant 32 : i32
      %add3A_176 = arith.addi %mul3A_174, %add3A_175 : i32
      %get3A_177 = arith.index_cast %add3A_176 : i32 to index
      %get3A_178 = tpu.vector_load %arg8[%get3A_177] {strides = array<i32>} : memref<3360xi32, #tpu.memory_space<vmem>>, vector<16xi32>,
      %get3A_179 = vector.shape_cast %get3A_178 : vector<16xi32> to vector<16xi32>
      %swap3A_180 = arith.index_cast %rem3A_130 : i32 to index
      %swap3A_181 = arith.constant 32 : index
      %swap3A_182 = tpu.vector_load %arg9[%swap3A_180, %swap3A_181] {strides = array<i32>} : memref<4x80xi32, #tpu.memory_space<vmem>>, vector<1x16xi32>,
      %swap3A_183 = vector.shape_cast %swap3A_182 : vector<1x16xi32> to vector<16xi32>
      %swap3A_184 = vector.shape_cast %get3A_179 : vector<16xi32> to vector<1x16xi32>
      tpu.vector_store %arg9[%swap3A_180, %swap3A_181], %swap3A_184 {strides = array<i32>} : memref<4x80xi32, #tpu.memory_space<vmem>>, vector<1x16xi32>,
      %mul3A_185 = arith.constant 80 : i32
      %mul3A_186 = arith.muli %scan3A_129, %mul3A_185 : i32
      %add3A_187 = arith.constant 48 : i32
      %add3A_188 = arith.addi %mul3A_186, %add3A_187 : i32
      %get3A_189 = arith.index_cast %add3A_188 : i32 to index
      %get3A_190 = tpu.vector_load %arg8[%get3A_189] {strides = array<i32>} : memref<3360xi32, #tpu.memory_space<vmem>>, vector<16xi32>,
      %get3A_191 = vector.shape_cast %get3A_190 : vector<16xi32> to vector<16xi32>
      %swap3A_192 = arith.index_cast %rem3A_130 : i32 to index
      %swap3A_193 = arith.constant 48 : index
      %swap3A_194 = tpu.vector_load %arg9[%swap3A_192, %swap3A_193] {strides = array<i32>} : memref<4x80xi32, #tpu.memory_space<vmem>>, vector<1x16xi32>,
      %swap3A_195 = vector.shape_cast %swap3A_194 : vector<1x16xi32> to vector<16xi32>
      %swap3A_196 = vector.shape_cast %get3A_191 : vector<16xi32> to vector<1x16xi32>
      tpu.vector_store %arg9[%swap3A_192, %swap3A_193], %swap3A_196 {strides = array<i32>} : memref<4x80xi32, #tpu.memory_space<vmem>>, vector<1x16xi32>,
      %mul3A_197 = arith.constant 80 : i32
      %mul3A_198 = arith.muli %scan3A_129, %mul3A_197 : i32
      %add3A_199 = arith.constant 64 : i32
      %add3A_200 = arith.addi %mul3A_198, %add3A_199 : i32
      %get3A_201 = arith.index_cast %add3A_200 : i32 to index
      %get3A_202 = tpu.vector_load %arg8[%get3A_201] {strides = array<i32>} : memref<3360xi32, #tpu.memory_space<vmem>>, vector<16xi32>,
      %get3A_203 = vector.shape_cast %get3A_202 : vector<16xi32> to vector<16xi32>
      %swap3A_204 = arith.index_cast %rem3A_130 : i32 to index
      %swap3A_205 = arith.constant 64 : index
      %swap3A_206 = tpu.vector_load %arg9[%swap3A_204, %swap3A_205] {strides = array<i32>} : memref<4x80xi32, #tpu.memory_space<vmem>>, vector<1x16xi32>,
      %swap3A_207 = vector.shape_cast %swap3A_206 : vector<1x16xi32> to vector<16xi32>
      %swap3A_208 = vector.shape_cast %get3A_203 : vector<16xi32> to vector<1x16xi32>
      tpu.vector_store %arg9[%swap3A_204, %swap3A_205], %swap3A_208 {strides = array<i32>} : memref<4x80xi32, #tpu.memory_space<vmem>>, vector<1x16xi32>,
      "tpu.region"() ({
        %run_scoped3A = tpu.sem_alloc : memref<!tpu.dma_semaphore, #tpu.memory_space<semaphore_mem>>
        %dma_start3A_209 = arith.constant 0 : i32
        %dma_start3A_210 = arith.constant 0 : i32
        %dma_start3A_211 = tpu.memref_slice %arg10[%rem3A_130, %dma_start3A_209, %dma_start3A_210] : memref<4x80x128xf32, #tpu.memory_space<vmem>> -> memref<1x80x128xf32, #tpu.memory_space<vmem>>
        %dma_start3A_212 = tpu.memref_squeeze %dma_start3A_211 : memref<1x80x128xf32, #tpu.memory_space<vmem>> -> memref<80x128xf32, #tpu.memory_space<vmem>>
        %dma_start3A_213 = arith.constant 0 : i32
        %dma_start3A_214 = tpu.memref_slice %arg9[%rem3A_130, %dma_start3A_213] : memref<4x80xi32, #tpu.memory_space<vmem>> -> memref<1x80xi32, #tpu.memory_space<vmem>>
        %dma_start3A_215 = tpu.memref_squeeze %dma_start3A_214 : memref<1x80xi32, #tpu.memory_space<vmem>> -> memref<80xi32, #tpu.memory_space<vmem>>
        %dma_start3A_216 = arith.constant 0 : i32
        %dma_start3A_217 = arith.constant 0 : i32
        %dma_start3A_218 = tpu.memref_slice %arg11[%dma_start3A_216, %dma_start3A_217] : memref<10000x128xf32, #tpu.memory_space<vmem_shared>> -> memref<10000x128xf32, #tpu.memory_space<vmem_shared>>
        tpu.enqueue_indirect_dma source(%dma_start3A_212 : memref<80x128xf32, #tpu.memory_space<vmem>>) target(%dma_start3A_218 : memref<10000x128xf32, #tpu.memory_space<vmem_shared>>) offsets(%dma_start3A_215 : memref<80xi32, #tpu.memory_space<vmem>>) semaphore(%run_scoped3A : memref<!tpu.dma_semaphore, #tpu.memory_space<semaphore_mem>>) {add = true}
        %dma_wait3A_219 = arith.constant 0 : i32
        %dma_wait3A_220 = arith.constant 0 : i32
        %dma_wait3A_221 = tpu.memref_slice %arg10[%rem3A_130, %dma_wait3A_219, %dma_wait3A_220] : memref<4x80x128xf32, #tpu.memory_space<vmem>> -> memref<1x80x128xf32, #tpu.memory_space<vmem>>
        %dma_wait3A_222 = tpu.memref_squeeze %dma_wait3A_221 : memref<1x80x128xf32, #tpu.memory_space<vmem>> -> memref<80x128xf32, #tpu.memory_space<vmem>>
        %dma_wait3A_223 = arith.constant 0 : i32
        %dma_wait3A_224 = tpu.memref_slice %arg9[%rem3A_130, %dma_wait3A_223] : memref<4x80xi32, #tpu.memory_space<vmem>> -> memref<1x80xi32, #tpu.memory_space<vmem>>
        %dma_wait3A_225 = tpu.memref_squeeze %dma_wait3A_224 : memref<1x80xi32, #tpu.memory_space<vmem>> -> memref<80xi32, #tpu.memory_space<vmem>>
        %dma_wait3A_226 = arith.constant 0 : i32
        %dma_wait3A_227 = arith.constant 0 : i32
        %dma_wait3A_228 = tpu.memref_slice %arg11[%dma_wait3A_226, %dma_wait3A_227] : memref<10000x128xf32, #tpu.memory_space<vmem_shared>> -> memref<10000x128xf32, #tpu.memory_space<vmem_shared>>
        tpu.wait_indirect_dma semaphore(%run_scoped3A : memref<!tpu.dma_semaphore, #tpu.memory_space<semaphore_mem>>) src(%dma_wait3A_222 : memref<80x128xf32, #tpu.memory_space<vmem>>) dst(%dma_wait3A_228 : memref<10000x128xf32, #tpu.memory_space<vmem_shared>>)
        tpu.yield
      }) : () -> ()
    }
    %scan3A_122 = arith.constant 41 : i32
    %barrier3A_123 = arith.constant 0 : index
    tpu.barrier barrier_id(%barrier3A_123)
    %lt3A_124 = arith.constant 10 : i32
    %lt3A_125 = arith.cmpi slt, %arg1, %lt3A_124 : i32
    %convert_element_type3A_126 = arith.extui %lt3A_125 : i1 to i32
    %cond3A_127 = arith.constant 0 : i32
    %cond3A_128 = arith.cmpi ne, %convert_element_type3A_126, %cond3A_127 : i32
    scf.if %cond3A_128 {
      %mul3A_129 = arith.constant 1000 : i32
      %mul3A_130 = arith.muli %arg1, %mul3A_129 : i32
      %mul3A_131 = arith.constant 10000 : i32
      %mul3A_132 = arith.muli %arg0, %mul3A_131 : i32
      %mul3A_133 = arith.constant 1000 : i32
      %mul3A_134 = arith.muli %arg1, %mul3A_133 : i32
      %add3A_135 = arith.addi %mul3A_132, %mul3A_134 : i32
      "tpu.region"() ({
        %run_scoped3A = tpu.sem_alloc : memref<!tpu.dma_semaphore, #tpu.memory_space<semaphore_mem>>
        %dma_start3A_136 = arith.constant 0 : i32
        %dma_start3A_137 = tpu.memref_slice %arg6[%add3A_135, %dma_start3A_136] : memref<20000x128xf32, #tpu.memory_space<hbm>> -> memref<1000x128xf32, #tpu.memory_space<hbm>>
        %dma_start3A_138 = arith.constant 0 : i32
        %dma_start3A_139 = tpu.memref_slice %arg11[%mul3A_130, %dma_start3A_138] : memref<10000x128xf32, #tpu.memory_space<vmem_shared>> -> memref<1000x128xf32, #tpu.memory_space<vmem_shared>>
        tpu.enqueue_dma source(%dma_start3A_139 : memref<1000x128xf32, #tpu.memory_space<vmem_shared>>) target(%dma_start3A_137 : memref<1000x128xf32, #tpu.memory_space<hbm>>) target_semaphore(%run_scoped3A : memref<!tpu.dma_semaphore, #tpu.memory_space<semaphore_mem>>)
        %dma_wait3A = arith.constant 0 : i32
        %dma_wait3A_140 = tpu.memref_slice %arg6[%add3A_135, %dma_wait3A] : memref<20000x128xf32, #tpu.memory_space<hbm>> -> memref<1000x128xf32, #tpu.memory_space<hbm>>
        %dma_wait3A_141 = arith.constant 0 : i32
        %dma_wait3A_142 = tpu.memref_slice %arg11[%mul3A_130, %dma_wait3A_141] : memref<10000x128xf32, #tpu.memory_space<vmem_shared>> -> memref<1000x128xf32, #tpu.memory_space<vmem_shared>>
        tpu.wait_dma2 semaphore(%run_scoped3A : memref<!tpu.dma_semaphore, #tpu.memory_space<semaphore_mem>>) src(%dma_wait3A_142 : memref<1000x128xf32, #tpu.memory_space<vmem_shared>>) dst(%dma_wait3A_140 : memref<1000x128xf32, #tpu.memory_space<hbm>>)
        tpu.yield
      }) : () -> ()
    } else {
    }
    return
  }
}

module attributes {stable_mosaic.version = 14 : i64} {
  func.func @_pre_body(%arg0: i32, %arg1: i32, %arg2: memref<2000x128xf32, #tpu.memory_space<vmem>>, %arg3: memref<2000x1xf32, #tpu.memory_space<vmem>>, %arg4: memref<1x128x128xf32, #tpu.memory_space<vmem>>, %arg5: memref<2000x128xf32, #tpu.memory_space<vmem>>) attributes {dimension_semantics = [#tpu.dimension_semantics<arbitrary>, #tpu.dimension_semantics<arbitrary>], iteration_bounds = array<i64: 2, 5>, scalar_prefetch = 0 : i64, scratch_operands = 0 : i64, tpu.core_type = #tpu.core_type<tc>, window_params = [{transform_indices = @transform_0, window_bounds = array<i64: 2000, 128>}, {transform_indices = @transform_1, window_bounds = array<i64: 2000, 1>}, {transform_indices = @transform_2, window_bounds = array<i64: 1, 128, 128>}, {transform_indices = @transform_3, window_bounds = array<i64: 2000, 128>}]} {
    %get3A = arith.constant 0 : index
    %get3A_0 = arith.constant 0 : index
    %get3A_1 = vector.load %arg2[%get3A, %get3A_0] : memref<2000x128xf32, #tpu.memory_space<vmem>>, vector<2000x128xf32>
    %get3A_2 = arith.constant 0 : index
    %get3A_3 = arith.constant 0 : index
    %get3A_4 = vector.load %arg3[%get3A_2, %get3A_3] : memref<2000x1xf32, #tpu.memory_space<vmem>>, vector<2000x1xf32>
    %gt3A = arith.constant 0.000000e+00 : f32
    %gt3A_5 = vector.broadcast %gt3A : f32 to vector<2000x1xf32>
    %gt3A_6 = arith.cmpf ogt, %get3A_4, %gt3A_5 : vector<2000x1xf32>
    %max3A = arith.constant 1.000000e+00 : f32
    %max3A_7 = vector.broadcast %max3A : f32 to vector<2000x1xf32>
    %max3A_8 = arith.maximumf %get3A_4, %max3A_7 : vector<2000x1xf32>
    %rsqrt3A = math.rsqrt %max3A_8 : vector<2000x1xf32>
    %jit3A = arith.constant 0.000000e+00 : f32
    %broadcast_in_dim3A = vector.broadcast %jit3A : f32 to vector<2000x1xf32>
    %select_n3A = arith.select %gt3A_6, %rsqrt3A, %broadcast_in_dim3A : vector<2000x1xi1>, vector<2000x1xf32>
    %mul3A = vector.broadcast %select_n3A : vector<2000x1xf32> to vector<2000x128xf32>
    %mul3A_9 = arith.mulf %get3A_1, %mul3A : vector<2000x128xf32>
    %get3A_10 = arith.constant 0 : index
    %get3A_11 = arith.constant 0 : index
    %get3A_12 = arith.constant 0 : index
    %get3A_13 = vector.load %arg4[%get3A_10, %get3A_11, %get3A_12] : memref<1x128x128xf32, #tpu.memory_space<vmem>>, vector<1x128x128xf32>
    %get3A_14 = vector.shape_cast %get3A_13 : vector<1x128x128xf32> to vector<128x128xf32>
    %dot_general3A = arith.constant dense<0.000000e+00> : vector<2000x128xf32>
    %dot_general3A_15 = tpu.matmul %mul3A_9, %get3A_14, %dot_general3A {dimension_numbers = #tpu.dot_dimension_numbers<[1], [0], [0], [1], [0, 0, 1, 1], [], []>, precision = #tpu.contract_precision<fp32>, transpose_lhs_hint = false} : vector<2000x128xf32>, vector<128x128xf32>, vector<2000x128xf32> -> vector<2000x128xf32>
    %swap3A = arith.constant 0 : index
    %swap3A_16 = arith.constant 0 : index
    %swap3A_17 = vector.load %arg5[%swap3A, %swap3A_16] : memref<2000x128xf32, #tpu.memory_space<vmem>>, vector<2000x128xf32>
    tpu.vector_store %arg5[%swap3A, %swap3A_16], %dot_general3A_15 {strides = array<i32>} : memref<2000x128xf32, #tpu.memory_space<vmem>>, vector<2000x128xf32>,
    return
  }
  func.func @transform_0(%arg0: i32, %arg1: i32) -> (i32, i32) {
    %c0_i32 = arith.constant 0 : i32
    %c0_i32_0 = arith.constant 0 : i32
    return %arg1, %c0_i32 : i32, i32
  }
  func.func @transform_1(%arg0: i32, %arg1: i32) -> (i32, i32) {
    %mul3A = arith.constant 5 : i32
    %mul3A_0 = arith.muli %arg0, %mul3A : i32
    %add3A = arith.addi %mul3A_0, %arg1 : i32
    %c0_i32 = arith.constant 0 : i32
    %c0_i32_1 = arith.constant 0 : i32
    return %add3A, %c0_i32 : i32, i32
  }
  func.func @transform_2(%arg0: i32, %arg1: i32) -> (i32, i32, i32) {
    %c0_i32 = arith.constant 0 : i32
    %c0_i32_0 = arith.constant 0 : i32
    %c0_i32_1 = arith.constant 0 : i32
    return %arg0, %c0_i32, %c0_i32_0 : i32, i32, i32
  }
  func.func @transform_3(%arg0: i32, %arg1: i32) -> (i32, i32) {
    %mul3A = arith.constant 5 : i32
    %mul3A_0 = arith.muli %arg0, %mul3A : i32
    %add3A = arith.addi %mul3A_0, %arg1 : i32
    %c0_i32 = arith.constant 0 : i32
    %c0_i32_1 = arith.constant 0 : i32
    return %add3A, %c0_i32 : i32, i32
  }
}

module attributes {stable_mosaic.version = 14 : i64} {
  func.func @_mid_body(%arg0: i32, %arg1: i32, %arg2: memref<2000x128xf32, #tpu.memory_space<vmem>>, %arg3: memref<2000x128xf32, #tpu.memory_space<vmem>>, %arg4: memref<2000x1xf32, #tpu.memory_space<vmem>>, %arg5: memref<2000x1xf32, #tpu.memory_space<vmem>>, %arg6: memref<8x128xf32, #tpu.memory_space<vmem>>, %arg7: memref<2000x1xf32, #tpu.memory_space<vmem>>, %arg8: memref<1x128x128xf32, #tpu.memory_space<vmem>>, %arg9: memref<2000x128xf32, #tpu.memory_space<vmem>>) attributes {dimension_semantics = [#tpu.dimension_semantics<arbitrary>, #tpu.dimension_semantics<arbitrary>], iteration_bounds = array<i64: 2, 5>, scalar_prefetch = 0 : i64, scratch_operands = 0 : i64, tpu.core_type = #tpu.core_type<tc>, window_params = [{transform_indices = @transform_0, window_bounds = array<i64: 2000, 128>}, {transform_indices = @transform_1, window_bounds = array<i64: 2000, 128>}, {transform_indices = @transform_2, window_bounds = array<i64: 2000, 1>}, {transform_indices = @transform_3, window_bounds = array<i64: 2000, 1>}, {pipeline_mode = #tpu.pipeline_mode<synchronous>, transform_indices = @transform_4, window_bounds = array<i64: 8, 128>}, {transform_indices = @transform_5, window_bounds = array<i64: 2000, 1>}, {transform_indices = @transform_6, window_bounds = array<i64: 1, 128, 128>}, {transform_indices = @transform_7, window_bounds = array<i64: 2000, 128>}]} {
    %get3A = arith.constant 0 : index
    %get3A_0 = arith.constant 0 : index
    %get3A_1 = vector.load %arg2[%get3A, %get3A_0] : memref<2000x128xf32, #tpu.memory_space<vmem>>, vector<2000x128xf32>
    %get3A_2 = arith.constant 0 : index
    %get3A_3 = arith.constant 0 : index
    %get3A_4 = vector.load %arg3[%get3A_2, %get3A_3] : memref<2000x128xf32, #tpu.memory_space<vmem>>, vector<2000x128xf32>
    %get3A_5 = arith.constant 0 : index
    %get3A_6 = arith.constant 0 : index
    %get3A_7 = vector.load %arg4[%get3A_5, %get3A_6] : memref<2000x1xf32, #tpu.memory_space<vmem>>, vector<2000x1xf32>
    %get3A_8 = arith.constant 0 : index
    %get3A_9 = arith.constant 0 : index
    %get3A_10 = vector.load %arg5[%get3A_8, %get3A_9] : memref<2000x1xf32, #tpu.memory_space<vmem>>, vector<2000x1xf32>
    %get3A_11 = arith.constant 0 : index
    %get3A_12 = arith.constant 0 : index
    %get3A_13 = vector.load %arg6[%get3A_11, %get3A_12] : memref<8x128xf32, #tpu.memory_space<vmem>>, vector<8x128xf32>
    %gt3A = arith.constant 0.000000e+00 : f32
    %gt3A_14 = vector.broadcast %gt3A : f32 to vector<2000x1xf32>
    %gt3A_15 = arith.cmpf ogt, %get3A_7, %gt3A_14 : vector<2000x1xf32>
    %max3A = arith.constant 1.000000e+00 : f32
    %max3A_16 = vector.broadcast %max3A : f32 to vector<2000x1xf32>
    %max3A_17 = arith.maximumf %get3A_7, %max3A_16 : vector<2000x1xf32>
    %rsqrt3A = math.rsqrt %max3A_17 : vector<2000x1xf32>
    %jit3A = arith.constant 0.000000e+00 : f32
    %broadcast_in_dim3A = vector.broadcast %jit3A : f32 to vector<2000x1xf32>
    %select_n3A = arith.select %gt3A_15, %rsqrt3A, %broadcast_in_dim3A : vector<2000x1xi1>, vector<2000x1xf32>
    %mul3A = vector.broadcast %select_n3A : vector<2000x1xf32> to vector<2000x128xf32>
    %mul3A_18 = arith.mulf %get3A_1, %mul3A : vector<2000x128xf32>
    %gt3A_19 = arith.constant 0.000000e+00 : f32
    %gt3A_20 = vector.broadcast %gt3A_19 : f32 to vector<2000x1xf32>
    %gt3A_21 = arith.cmpf ogt, %get3A_10, %gt3A_20 : vector<2000x1xf32>
    %max3A_22 = arith.constant 1.000000e+00 : f32
    %max3A_23 = vector.broadcast %max3A_22 : f32 to vector<2000x1xf32>
    %max3A_24 = arith.maximumf %get3A_10, %max3A_23 : vector<2000x1xf32>
    %rsqrt3A_25 = math.rsqrt %max3A_24 : vector<2000x1xf32>
    %jit3A_26 = arith.constant 0.000000e+00 : f32
    %broadcast_in_dim3A_27 = vector.broadcast %jit3A_26 : f32 to vector<2000x1xf32>
    %select_n3A_28 = arith.select %gt3A_21, %rsqrt3A_25, %broadcast_in_dim3A_27 : vector<2000x1xi1>, vector<2000x1xf32>
    %mul3A_29 = vector.broadcast %select_n3A_28 : vector<2000x1xf32> to vector<2000x128xf32>
    %mul3A_30 = arith.mulf %get3A_4, %mul3A_29 : vector<2000x128xf32>
    %add3A = arith.addf %mul3A_18, %mul3A_30 : vector<2000x128xf32>
    %slice3A = vector.extract_strided_slice %get3A_13 {offsets = [0, 0], sizes = [1, 128], strides = [1, 1]} : vector<8x128xf32> to vector<1x128xf32>
    %add3A_31 = vector.broadcast %slice3A : vector<1x128xf32> to vector<2000x128xf32>
    %add3A_32 = arith.addf %add3A, %add3A_31 : vector<2000x128xf32>
    %max3A_33 = arith.constant 0.000000e+00 : f32
    %max3A_34 = vector.broadcast %max3A_33 : f32 to vector<2000x128xf32>
    %max3A_35 = arith.maximumf %add3A_32, %max3A_34 : vector<2000x128xf32>
    %mul3A_36 = arith.mulf %max3A_35, %max3A_35 : vector<2000x128xf32>
    %reduce_sum3A = arith.constant dense<0.000000e+00> : vector<2000xf32>
    %reduce_sum3A_37 = vector.multi_reduction <add>, %mul3A_36, %reduce_sum3A [1] : vector<2000x128xf32> to vector<2000xf32>
    %broadcast_in_dim3A_38 = vector.shape_cast %reduce_sum3A_37 : vector<2000xf32> to vector<2000x1xf32>
    %sqrt3A = math.sqrt %broadcast_in_dim3A_38 : vector<2000x1xf32>
    %max3A_39 = arith.constant 9.99999996E-13 : f32
    %max3A_40 = vector.broadcast %max3A_39 : f32 to vector<2000x1xf32>
    %max3A_41 = arith.maximumf %sqrt3A, %max3A_40 : vector<2000x1xf32>
    %div3A = vector.broadcast %max3A_41 : vector<2000x1xf32> to vector<2000x128xf32>
    %div3A_42 = arith.divf %max3A_35, %div3A : vector<2000x128xf32>
    %get3A_43 = arith.constant 0 : index
    %get3A_44 = arith.constant 0 : index
    %get3A_45 = vector.load %arg7[%get3A_43, %get3A_44] : memref<2000x1xf32, #tpu.memory_space<vmem>>, vector<2000x1xf32>
    %gt3A_46 = arith.constant 0.000000e+00 : f32
    %gt3A_47 = vector.broadcast %gt3A_46 : f32 to vector<2000x1xf32>
    %gt3A_48 = arith.cmpf ogt, %get3A_45, %gt3A_47 : vector<2000x1xf32>
    %max3A_49 = arith.constant 1.000000e+00 : f32
    %max3A_50 = vector.broadcast %max3A_49 : f32 to vector<2000x1xf32>
    %max3A_51 = arith.maximumf %get3A_45, %max3A_50 : vector<2000x1xf32>
    %rsqrt3A_52 = math.rsqrt %max3A_51 : vector<2000x1xf32>
    %jit3A_53 = arith.constant 0.000000e+00 : f32
    %broadcast_in_dim3A_54 = vector.broadcast %jit3A_53 : f32 to vector<2000x1xf32>
    %select_n3A_55 = arith.select %gt3A_48, %rsqrt3A_52, %broadcast_in_dim3A_54 : vector<2000x1xi1>, vector<2000x1xf32>
    %mul3A_56 = vector.broadcast %select_n3A_55 : vector<2000x1xf32> to vector<2000x128xf32>
    %mul3A_57 = arith.mulf %div3A_42, %mul3A_56 : vector<2000x128xf32>
    %get3A_58 = arith.constant 0 : index
    %get3A_59 = arith.constant 0 : index
    %get3A_60 = arith.constant 0 : index
    %get3A_61 = vector.load %arg8[%get3A_58, %get3A_59, %get3A_60] : memref<1x128x128xf32, #tpu.memory_space<vmem>>, vector<1x128x128xf32>
    %get3A_62 = vector.shape_cast %get3A_61 : vector<1x128x128xf32> to vector<128x128xf32>
    %dot_general3A = arith.constant dense<0.000000e+00> : vector<2000x128xf32>
    %dot_general3A_63 = tpu.matmul %mul3A_57, %get3A_62, %dot_general3A {dimension_numbers = #tpu.dot_dimension_numbers<[1], [0], [0], [1], [0, 0, 1, 1], [], []>, precision = #tpu.contract_precision<fp32>, transpose_lhs_hint = false} : vector<2000x128xf32>, vector<128x128xf32>, vector<2000x128xf32> -> vector<2000x128xf32>
    %swap3A = arith.constant 0 : index
    %swap3A_64 = arith.constant 0 : index
    %swap3A_65 = vector.load %arg9[%swap3A, %swap3A_64] : memref<2000x128xf32, #tpu.memory_space<vmem>>, vector<2000x128xf32>
    tpu.vector_store %arg9[%swap3A, %swap3A_64], %dot_general3A_63 {strides = array<i32>} : memref<2000x128xf32, #tpu.memory_space<vmem>>, vector<2000x128xf32>,
    return
  }
  func.func @transform_0(%arg0: i32, %arg1: i32) -> (i32, i32) {
    %c0_i32 = arith.constant 0 : i32
    %c0_i32_0 = arith.constant 0 : i32
    return %arg1, %c0_i32 : i32, i32
  }
  func.func @transform_1(%arg0: i32, %arg1: i32) -> (i32, i32) {
    %add3A = arith.constant 5 : i32
    %add3A_0 = arith.addi %add3A, %arg1 : i32
    %c0_i32 = arith.constant 0 : i32
    %c0_i32_1 = arith.constant 0 : i32
    return %add3A_0, %c0_i32 : i32, i32
  }
  func.func @transform_2(%arg0: i32, %arg1: i32) -> (i32, i32) {
    %c0_i32 = arith.constant 0 : i32
    %c0_i32_0 = arith.constant 0 : i32
    return %arg1, %c0_i32 : i32, i32
  }
  func.func @transform_3(%arg0: i32, %arg1: i32) -> (i32, i32) {
    %add3A = arith.constant 5 : i32
    %add3A_0 = arith.addi %add3A, %arg1 : i32
    %c0_i32 = arith.constant 0 : i32
    %c0_i32_1 = arith.constant 0 : i32
    return %add3A_0, %c0_i32 : i32, i32
  }
  func.func @transform_4(%arg0: i32, %arg1: i32) -> (i32, i32) {
    %c0_i32 = arith.constant 0 : i32
    %c0_i32_0 = arith.constant 0 : i32
    %c0_i32_1 = arith.constant 0 : i32
    return %c0_i32, %c0_i32_0 : i32, i32
  }
  func.func @transform_5(%arg0: i32, %arg1: i32) -> (i32, i32) {
    %mul3A = arith.constant 5 : i32
    %mul3A_0 = arith.muli %arg0, %mul3A : i32
    %add3A = arith.addi %mul3A_0, %arg1 : i32
    %c0_i32 = arith.constant 0 : i32
    %c0_i32_1 = arith.constant 0 : i32
    return %add3A, %c0_i32 : i32, i32
  }
  func.func @transform_6(%arg0: i32, %arg1: i32) -> (i32, i32, i32) {
    %c0_i32 = arith.constant 0 : i32
    %c0_i32_0 = arith.constant 0 : i32
    %c0_i32_1 = arith.constant 0 : i32
    return %arg0, %c0_i32, %c0_i32_0 : i32, i32, i32
  }
  func.func @transform_7(%arg0: i32, %arg1: i32) -> (i32, i32) {
    %mul3A = arith.constant 5 : i32
    %mul3A_0 = arith.muli %arg0, %mul3A : i32
    %add3A = arith.addi %mul3A_0, %arg1 : i32
    %c0_i32 = arith.constant 0 : i32
    %c0_i32_1 = arith.constant 0 : i32
    return %add3A, %c0_i32 : i32, i32
  }
}

module attributes {stable_mosaic.version = 14 : i64} {
  func.func @_post_body(%arg0: i32, %arg1: memref<2000x128xf32, #tpu.memory_space<vmem>>, %arg2: memref<2000x128xf32, #tpu.memory_space<vmem>>, %arg3: memref<2000x1xf32, #tpu.memory_space<vmem>>, %arg4: memref<2000x1xf32, #tpu.memory_space<vmem>>, %arg5: memref<8x128xf32, #tpu.memory_space<vmem>>, %arg6: memref<2000x128xf32, #tpu.memory_space<vmem>>) attributes {dimension_semantics = [#tpu.dimension_semantics<arbitrary>], iteration_bounds = array<i64: 5>, scalar_prefetch = 0 : i64, scratch_operands = 0 : i64, tpu.core_type = #tpu.core_type<tc>, window_params = [{transform_indices = @transform_0, window_bounds = array<i64: 2000, 128>}, {transform_indices = @transform_1, window_bounds = array<i64: 2000, 128>}, {transform_indices = @transform_2, window_bounds = array<i64: 2000, 1>}, {transform_indices = @transform_3, window_bounds = array<i64: 2000, 1>}, {pipeline_mode = #tpu.pipeline_mode<synchronous>, transform_indices = @transform_4, window_bounds = array<i64: 8, 128>}, {transform_indices = @transform_5, window_bounds = array<i64: 2000, 128>}]} {
    %get3A = arith.constant 0 : index
    %get3A_0 = arith.constant 0 : index
    %get3A_1 = vector.load %arg1[%get3A, %get3A_0] : memref<2000x128xf32, #tpu.memory_space<vmem>>, vector<2000x128xf32>
    %get3A_2 = arith.constant 0 : index
    %get3A_3 = arith.constant 0 : index
    %get3A_4 = vector.load %arg2[%get3A_2, %get3A_3] : memref<2000x128xf32, #tpu.memory_space<vmem>>, vector<2000x128xf32>
    %get3A_5 = arith.constant 0 : index
    %get3A_6 = arith.constant 0 : index
    %get3A_7 = vector.load %arg3[%get3A_5, %get3A_6] : memref<2000x1xf32, #tpu.memory_space<vmem>>, vector<2000x1xf32>
    %get3A_8 = arith.constant 0 : index
    %get3A_9 = arith.constant 0 : index
    %get3A_10 = vector.load %arg4[%get3A_8, %get3A_9] : memref<2000x1xf32, #tpu.memory_space<vmem>>, vector<2000x1xf32>
    %get3A_11 = arith.constant 0 : index
    %get3A_12 = arith.constant 0 : index
    %get3A_13 = vector.load %arg5[%get3A_11, %get3A_12] : memref<8x128xf32, #tpu.memory_space<vmem>>, vector<8x128xf32>
    %gt3A = arith.constant 0.000000e+00 : f32
    %gt3A_14 = vector.broadcast %gt3A : f32 to vector<2000x1xf32>
    %gt3A_15 = arith.cmpf ogt, %get3A_7, %gt3A_14 : vector<2000x1xf32>
    %max3A = arith.constant 1.000000e+00 : f32
    %max3A_16 = vector.broadcast %max3A : f32 to vector<2000x1xf32>
    %max3A_17 = arith.maximumf %get3A_7, %max3A_16 : vector<2000x1xf32>
    %rsqrt3A = math.rsqrt %max3A_17 : vector<2000x1xf32>
    %jit3A = arith.constant 0.000000e+00 : f32
    %broadcast_in_dim3A = vector.broadcast %jit3A : f32 to vector<2000x1xf32>
    %select_n3A = arith.select %gt3A_15, %rsqrt3A, %broadcast_in_dim3A : vector<2000x1xi1>, vector<2000x1xf32>
    %mul3A = vector.broadcast %select_n3A : vector<2000x1xf32> to vector<2000x128xf32>
    %mul3A_18 = arith.mulf %get3A_1, %mul3A : vector<2000x128xf32>
    %gt3A_19 = arith.constant 0.000000e+00 : f32
    %gt3A_20 = vector.broadcast %gt3A_19 : f32 to vector<2000x1xf32>
    %gt3A_21 = arith.cmpf ogt, %get3A_10, %gt3A_20 : vector<2000x1xf32>
    %max3A_22 = arith.constant 1.000000e+00 : f32
    %max3A_23 = vector.broadcast %max3A_22 : f32 to vector<2000x1xf32>
    %max3A_24 = arith.maximumf %get3A_10, %max3A_23 : vector<2000x1xf32>
    %rsqrt3A_25 = math.rsqrt %max3A_24 : vector<2000x1xf32>
    %jit3A_26 = arith.constant 0.000000e+00 : f32
    %broadcast_in_dim3A_27 = vector.broadcast %jit3A_26 : f32 to vector<2000x1xf32>
    %select_n3A_28 = arith.select %gt3A_21, %rsqrt3A_25, %broadcast_in_dim3A_27 : vector<2000x1xi1>, vector<2000x1xf32>
    %mul3A_29 = vector.broadcast %select_n3A_28 : vector<2000x1xf32> to vector<2000x128xf32>
    %mul3A_30 = arith.mulf %get3A_4, %mul3A_29 : vector<2000x128xf32>
    %add3A = arith.addf %mul3A_18, %mul3A_30 : vector<2000x128xf32>
    %slice3A = vector.extract_strided_slice %get3A_13 {offsets = [0, 0], sizes = [1, 128], strides = [1, 1]} : vector<8x128xf32> to vector<1x128xf32>
    %add3A_31 = vector.broadcast %slice3A : vector<1x128xf32> to vector<2000x128xf32>
    %add3A_32 = arith.addf %add3A, %add3A_31 : vector<2000x128xf32>
    %max3A_33 = arith.constant 0.000000e+00 : f32
    %max3A_34 = vector.broadcast %max3A_33 : f32 to vector<2000x128xf32>
    %max3A_35 = arith.maximumf %add3A_32, %max3A_34 : vector<2000x128xf32>
    %mul3A_36 = arith.mulf %max3A_35, %max3A_35 : vector<2000x128xf32>
    %reduce_sum3A = arith.constant dense<0.000000e+00> : vector<2000xf32>
    %reduce_sum3A_37 = vector.multi_reduction <add>, %mul3A_36, %reduce_sum3A [1] : vector<2000x128xf32> to vector<2000xf32>
    %broadcast_in_dim3A_38 = vector.shape_cast %reduce_sum3A_37 : vector<2000xf32> to vector<2000x1xf32>
    %sqrt3A = math.sqrt %broadcast_in_dim3A_38 : vector<2000x1xf32>
    %max3A_39 = arith.constant 9.99999996E-13 : f32
    %max3A_40 = vector.broadcast %max3A_39 : f32 to vector<2000x1xf32>
    %max3A_41 = arith.maximumf %sqrt3A, %max3A_40 : vector<2000x1xf32>
    %div3A = vector.broadcast %max3A_41 : vector<2000x1xf32> to vector<2000x128xf32>
    %div3A_42 = arith.divf %max3A_35, %div3A : vector<2000x128xf32>
    %mul3A_43 = arith.mulf %div3A_42, %div3A_42 : vector<2000x128xf32>
    %reduce_sum3A_44 = arith.constant dense<0.000000e+00> : vector<2000xf32>
    %reduce_sum3A_45 = vector.multi_reduction <add>, %mul3A_43, %reduce_sum3A_44 [1] : vector<2000x128xf32> to vector<2000xf32>
    %broadcast_in_dim3A_46 = vector.shape_cast %reduce_sum3A_45 : vector<2000xf32> to vector<2000x1xf32>
    %sqrt3A_47 = math.sqrt %broadcast_in_dim3A_46 : vector<2000x1xf32>
    %max3A_48 = arith.constant 9.99999996E-13 : f32
    %max3A_49 = vector.broadcast %max3A_48 : f32 to vector<2000x1xf32>
    %max3A_50 = arith.maximumf %sqrt3A_47, %max3A_49 : vector<2000x1xf32>
    %div3A_51 = vector.broadcast %max3A_50 : vector<2000x1xf32> to vector<2000x128xf32>
    %div3A_52 = arith.divf %div3A_42, %div3A_51 : vector<2000x128xf32>
    %swap3A = arith.constant 0 : index
    %swap3A_53 = arith.constant 0 : index
    %swap3A_54 = vector.load %arg6[%swap3A, %swap3A_53] : memref<2000x128xf32, #tpu.memory_space<vmem>>, vector<2000x128xf32>
    tpu.vector_store %arg6[%swap3A, %swap3A_53], %div3A_52 {strides = array<i32>} : memref<2000x128xf32, #tpu.memory_space<vmem>>, vector<2000x128xf32>,
    return
  }
  func.func @transform_0(%arg0: i32) -> (i32, i32) {
    %c0_i32 = arith.constant 0 : i32
    %c0_i32_0 = arith.constant 0 : i32
    return %arg0, %c0_i32 : i32, i32
  }
  func.func @transform_1(%arg0: i32) -> (i32, i32) {
    %add3A = arith.constant 5 : i32
    %add3A_0 = arith.addi %add3A, %arg0 : i32
    %c0_i32 = arith.constant 0 : i32
    %c0_i32_1 = arith.constant 0 : i32
    return %add3A_0, %c0_i32 : i32, i32
  }
  func.func @transform_2(%arg0: i32) -> (i32, i32) {
    %c0_i32 = arith.constant 0 : i32
    %c0_i32_0 = arith.constant 0 : i32
    return %arg0, %c0_i32 : i32, i32
  }
  func.func @transform_3(%arg0: i32) -> (i32, i32) {
    %add3A = arith.constant 5 : i32
    %add3A_0 = arith.addi %add3A, %arg0 : i32
    %c0_i32 = arith.constant 0 : i32
    %c0_i32_1 = arith.constant 0 : i32
    return %add3A_0, %c0_i32 : i32, i32
  }
  func.func @transform_4(%arg0: i32) -> (i32, i32) {
    %c0_i32 = arith.constant 0 : i32
    %c0_i32_0 = arith.constant 0 : i32
    %c0_i32_1 = arith.constant 0 : i32
    return %c0_i32, %c0_i32_0 : i32, i32
  }
  func.func @transform_5(%arg0: i32) -> (i32, i32) {
    %c0_i32 = arith.constant 0 : i32
    %c0_i32_0 = arith.constant 0 : i32
    return %arg0, %c0_i32 : i32, i32
  }
}

</mosaic_0001>

<sc_bundles>
// kernel: kernel.11.cloned.1.call-start
scs
__scs_entry_jumppad:
0x0: {  	(pc) =	sbr.rel $0x88, $3  }
0x1: {  	(tag) =	ssettag $0x0;
	lr =	simm.s32 $0x1  }
0x2: {  	[smem:$0x3F98] =	sst lr;
	_ =	strace $0xD0000000  }
0x3: {  	_ = 	snop  }
0x4: {  	_ = 	snop  }
0x5: {  	_ = 	snop  }
0x6: {  	_ = 	snop  }
0x7: {  	_ = 	snop  }
__scs_overlays_trampoline_lowered:
0x8: {  	[smem:$0x3FA7] =	sst s0  }
0x9: {  	[smem:$0x3FA8] =	sst s1  }
0xa: {  	[smem:$0x3FA9] =	sst s2  }
0xb: {  	[smem:$0x3FAA] =	sst s3  }
0xc: {  	[smem:$0x3FAB] =	sst s4  }
0xd: {  	[smem:$0x3FAC] =	sst s5  }
0xe: {  	[smem:$0x3FAD] =	sst s6  }
0xf: {  	[smem:$0x3FAE] =	sst s7  }
0x10: {  	[smem:$0x3FAF] =	sst s8  }
0x11: {  	[smem:$0x3FB0] =	sst s9;
	s0 =	simm.s32 @!p0 $0x0  }
0x12: {  	s1 =	sld [smem:$0x3F96];
	s0 =	simm.s32 @p0 $0x1  }
0x13: {  	[smem:$0x3FB1] =	sst s0;
	s0 =	simm.s32 @!p1 $0x0  }
0x14: {  	s2 =	sld [smem:$0x3F95];
	s0 =	simm.s32 @p1 $0x1  }
0x15: {  	[smem:$0x3FB2] =	sst s0;
	s0 =	simm.s32 @!p2 $0x0  }
0x16: {  	s3 =	sld [smem:$0x3FDB];
	s0 =	simm.s32 @p2 $0x1  }
0x17: {  	s4 =	simm.s32 $0x1BF5;
	[smem:$0x3FB4] =	sst s0  }
0x18: {  	s0 =	sld [smem:$0x3F97];
	_ =	swait.ge [sflag:s4], $0x0  }
0x19: {  	s7 =	sld [smem:$0x3F98]  }
0x1a: {  	s8 =	sadd.s32 $0xFFFFE003, lr  }
0x1b: {  	s9 =	sadd.s32 $0xFFFFFEF7, lr;
	s5 =	simm.s32 $0xFFFFFFFF;
	p2 =	slt.u32 s8, $0xFFFFF086  }
0x1c: {  	p1 =	slt.u32 s9, $0xF7A;
	s5 =	simm.s32 @!p2 $0x0  }
0x1d: {  	s5 =	simm.s32 @p1 $0x1;
	p0 =	seq.s32 s7, s2  }
0x1e: {  	s7 =	smul.u32 @!p0 $0xF7A, s2;
	p2 =	seq.s32 @!p0 s5, $0x0  }
0x1f: {  	s9 =	smul.u32 $0xF7A, s1;
	s8 =	simm.s32 @!p0 $0x1BF5;
	p2 =	por !p2, p0  }
0x20: {  	[sflag:s8] =	ssyncset.s32 @!p0 $0xFFFFF086;
	s6 =	sadd.s32 @!p0 s3, s7;
	s7 =	simm.s32 @!p0 $0x108  }
0x21: {  	s3 =	sadd.s32 s3, s9;
	s6 =	sadd.s32 @!p0 $0x88, s6;
	s7 =	simm.s32 @p2 $0x1082  }
0x22: {  	[simem:s7], [sflag:s8] =	dma.local @!p0 [hbm:s6], $0xF7A  }
0x23: {  	s9 =	sor.u32 $0xD0000000, s2;
	s6 =	simm.s32 $0x108;
	_ =	swait.ge @!p0 [sflag:s8], $0x0  }
0x24: {  	s3 =	sadd.s32 $0x88, s3;
	s6 =	simm.s32 @!p1 $0x1082;
	[sflag:s4] =	ssyncset.s32 $0xFFFFF086  }
0x25: {  	[simem:s6], [sflag:s4] =	dma.local [hbm:s3], $0xF7A  }
0x26: {  	[smem:$0x3F98] =	sst s1;
	(tag) =	ssettag s2;
	_ =	strace s9  }
0x27: {  	s1 =	sld [smem:$0x3FA8]  }
0x28: {  	s2 =	sld [smem:$0x3FA9]  }
0x29: {  	s4 =	sld [smem:$0x3FAB]  }
0x2a: {  	p0 =	seq.s32 s5, $0x0;
	s5 =	sld [smem:$0x3FAC]  }
0x2b: {  	s6 =	sld [smem:$0x3FAD]  }
0x2c: {  	s7 =	sld [smem:$0x3FAE]  }
0x2d: {  	s3 =	simm.s32 $0x108;
	s8 =	sld [smem:$0x3FAF]  }
0x2e: {  	s3 =	simm.s32 @!p0 $0x1082;
	s9 =	sld [smem:$0x3FB0]  }
0x2f: {  	lr =	sadd.s32 s0, s3;
	s0 =	sld [smem:$0x3FA7]  }
0x30: {  	s3 =	sld [smem:$0x3FAA]  }
0x31: {  	[smem:$0x3FB3] =	sst s10  }
0x32: {  	s10 =	sld [smem:$0x3FB1];
	_ =	sdelay $0x3  }
0x33: {  	p0 =	seq.s32 s10, $0x1;
	s10 =	sld [smem:$0x3FB3];
	_ =	sdelay $0x3  }
0x34: {  	[smem:$0x3FB3] =	sst s10  }
0x35: {  	s10 =	sld [smem:$0x3FB2];
	_ =	sdelay $0x3  }
0x36: {  	p1 =	seq.s32 s10, $0x1;
	s10 =	sld [smem:$0x3FB3];
	_ =	sdelay $0x3  }
0x37: {  	[smem:$0x3FB3] =	sst s10  }
0x38: {  	s10 =	sld [smem:$0x3FB4]  }
0x39: {  	_ = 	snop;
	(pc) =	sbr.ind lr, $3  }
0x3a: {  	_ = 	snop  }
0x3b: {  	_ = 	snop  }
0x3c: {  	p2 =	seq.s32 s10, $0x1;
	s10 =	sld [smem:$0x3FB3]  }
0x3d: {  	_ =	shalt  }
0x3e: {  	_ =	shalt  }
0x3f: {  	_ =	shalt  }
0x40: {  	_ =	shalt  }
0x41: {  	_ =	shalt  }
0x42: {  	_ =	shalt  }
0x43: {  	_ =	shalt  }
0x44: {  	_ =	shalt  }
0x45: {  	_ =	shalt  }
0x46: {  	_ =	shalt  }
0x47: {  	_ =	shalt  }
0x48: {  	_ =	shalt  }
0x49: {  	_ =	shalt  }
0x4a: {  	_ =	shalt  }
0x4b: {  	_ =	shalt  }
0x4c: {  	_ =	shalt  }
0x4d: {  	_ =	shalt  }
0x4e: {  	_ =	shalt  }
0x4f: {  	_ =	shalt  }
0x50: {  	_ =	shalt  }
0x51: {  	_ =	shalt  }
0x52: {  	_ =	shalt  }
0x53: {  	_ =	shalt  }
0x54: {  	_ =	shalt  }
0x55: {  	_ =	shalt  }
0x56: {  	_ =	shalt  }
0x57: {  	_ =	shalt  }
0x58: {  	_ =	shalt  }
0x59: {  	_ =	shalt  }
0x5a: {  	_ =	shalt  }
0x5b: {  	_ =	shalt  }
0x5c: {  	_ =	shalt  }
0x5d: {  	_ =	shalt  }
0x5e: {  	_ =	shalt  }
0x5f: {  	_ =	shalt  }
0x60: {  	_ =	shalt  }
0x61: {  	_ =	shalt  }
0x62: {  	_ =	shalt  }
0x63: {  	_ =	shalt  }
0x64: {  	_ =	shalt  }
0x65: {  	_ =	shalt  }
0x66: {  	_ =	shalt  }
0x67: {  	_ =	shalt  }
0x68: {  	_ =	shalt  }
0x69: {  	_ =	shalt  }
0x6a: {  	_ =	shalt  }
0x6b: {  	_ =	shalt  }
0x6c: {  	_ =	shalt  }
0x6d: {  	_ =	shalt  }
0x6e: {  	_ =	shalt  }
0x6f: {  	_ =	shalt  }
0x70: {  	_ =	shalt  }
0x71: {  	_ =	shalt  }
0x72: {  	_ =	shalt  }
0x73: {  	_ =	shalt  }
0x74: {  	_ =	shalt  }
0x75: {  	_ =	shalt  }
0x76: {  	_ =	shalt  }
0x77: {  	_ =	shalt  }
0x78: {  	_ =	shalt  }
0x79: {  	_ =	shalt  }
0x7a: {  	_ =	shalt  }
0x7b: {  	_ =	shalt  }
0x7c: {  	_ =	shalt  }
0x7d: {  	_ =	shalt  }
0x7e: {  	_ =	shalt  }
0x7f: {  	_ =	shalt  }
0x80: {  	_ =	shalt  }
0x81: {  	_ =	shalt  }
0x82: {  	_ =	shalt  }
0x83: {  	_ =	shalt  }
0x84: {  	_ =	shalt  }
0x85: {  	_ =	shalt  }
0x86: {  	_ =	shalt  }
0x87: {  	_ =	shalt  }
.Lfunc_end0:
.L_simem_size_0:
called_computation.1_lowered:
.L_overlay_start_0:
0x88: {  	s2 =	sld [smem:$0x3FD9]  }
0x89: {  	s3 =	sld [smem:$0x3FFE];
	_ =	sdelay $0x1  }
0x8a: {  	s1 =	srdreg.scid  }
0x8b: {  	s0 =	sand.u32 $0x1, s1  }
0x8c: {  	s17 =	sshll.u32 s0, $0xA;
	s2 =	sadd.s32 s3, s2  }
0x8d: {  	s2 =	sadd.s32 s2, s17  }
0x8e: {  	[smem:$0x3FBF] =	sst s2  }
0x8f: {  	_ = 	snop  }
0x90: {  	s2 =	sld [smem:$0x3FD0];
	(tm) =	ssettm $0x1  }
0x91: {  	s18 =	sld [smem:$0x3FFB];
	_ =	sdelay $0x3  }
0x92: {  	_ =	strace s18  }
0x93: {  	s3 =	sld [smem:$0x3FFC];
	_ =	sdelay $0x3  }
0x94: {  	_ =	strace s3  }
0x95: {  	s3 =	sld [smem:$0x3FFD];
	_ =	sdelay $0x3  }
0x96: {  	_ =	strace s3  }
0x97: {  	_ =	strace $0x8FFFFFFF  }
0x98: {  	s19 =	sld [smem:$0x3FDB];
	_ =	sdelay $0x1  }
0x99: {  	s4 =	simm.s32 $_scs_section_size  }
0x9a: {  	s5 =	simm.s32 $_size__tile_overlayer_lowered;
	s6 =	simm.s32 $_tile_overlayer_lowered  }
0x9b: {  	s22 =	simm.s32 $0x1BFF;
	s21 =	sshll.u32 s6, $0x1;
	s3 =	sadd.s32 s4, s19  }
0x9c: {  	s7 =	simm.s32 $0x0;
	s20 =	sshll.u32 s5, $0x1;
	s5 =	sadd.s32 s21, s3  }
0x9d: {  	[timem:s7], [sflag:s22] =	dma.local [hbm:s5], s20  }
0x9e: {  	_ =	swait.ge [sflag:s22], s20  }
0x9f: {  	s4 =	ssub.s32 $0x0, s20;
	[sflag:s22] =	ssyncset.done $0x0  }
0xa0: {  	[sflag:s22] =	ssyncadd.s32 s4;
	_ =	sdelay $0x1  }
0xa1: {  	s23 =	simm.s32 $0x1B8B  }
0xa2: {  	_ =	swait.ge [sflag:s23], $0x1  }
0xa3: {  	[sflag:s23] =	ssyncset.done $0x0  }
0xa4: {  	s25 =	simm.s32 $0x1B8E;
	s24 =	sld [smem:$0x3FFE];
	[sflag:s23] =	ssyncadd.s32 $0xFFFFFFFF  }
0xa5: {  	s26 =	simm.s32 $execute0_lowered;
	[smem:$0x3FD2] =	sst s25  }
0xa6: {  	s5 =	sshll.u32 s26, $0x1;
	_ =	strace $0x80000049;
	[dreg:$0x1] =	wrdreg $0xFFFFFFFF  }
0xa7: {  	s28 =	simm.s32 $_size_execute0_lowered;
	s3 =	sadd.s32 s3, s5;
	[dreg:$0x0] =	wrdreg $0x0  }
0xa8: {  	s5 =	sshll.u32 s28, $0x1;
	[dreg:$0x2] =	wrdreg s3  }
0xa9: {  	[dreg:$0x3] =	wrdreg s5  }
0xaa: {  	[dreg:$0x4] =	wrdreg $0xC0  }
0xab: {  	_ =	task [dreg:s7], $0x5FFFF  }
0xac: {  	[dreg:$0x1] =	wrdreg $0xFFFFFFFF  }
0xad: {  	[dreg:$0x0] =	wrdreg $0x60  }
0xae: {  	[dreg:$0x2] =	wrdreg s24  }
0xaf: {  	[dreg:$0x3] =	wrdreg s2  }
0xb0: {  	[dreg:$0x4] =	wrdreg $0xBD000  }
0xb1: {  	[dreg:$0x5] =	wrdreg $0x9  }
0xb2: {  	_ =	task.clear_ibuf [dreg:s7], $0x6FFFF;
	_ =	strace $0x90000049  }
0xb3: {  	s29 =	simm.s32 $0x9;
	_ =	strace $0x8000004B  }
0xb4: {  	_ =	swait.ge [sflag:s29], $0x1  }
0xb5: {  	[sflag:s29] =	ssyncadd.s32 $0xFFFFFFFF  }
0xb6: {  	_ =	strace $0x9000004B  }
0xb7: {  	_ =	sfence  }
0xb8: {  	s30 =	sld [smem:$0x0];
	_ =	sdelay $0x2  }
0xb9: {  	s31 =	sshll.u32 s1, $0xD;
	s1 =	sshrl.u32 s1, $0x2  }
0xba: {  	s3 =	sand.u32 $0x4000, s31;
	s1 =	sadd.s32 s1, s30  }
0xbb: {  	s0 =	sor.u32 s3, s0;
	s1 =	sshll.u32 s1, $0x11  }
0xbc: {  	s0 =	sor.u32 s1, s0  }
0xbd: {  	s0 =	sadd.s32 $0x8F2B, s0  }
0xbe: {  	[sflag:s0] =	ssyncadd.remote.s32 $0x1  }
0xbf: {  	_ =	sfence.sel $0xFFFF  }
0xc0: {  	[dreg:$0x0] =	wrdreg $0xFFFFFFFF;
	(pc) =	sbr.abs _section_cstart, $3  }
0xc1: {  	[dreg:$0x1] =	wrdreg $0xFFFFFFFF  }
0xc2: {  	_ =	task.clear_ibuf [dreg:s7], $0x2FFFF;
	_ =	strace $0x9FFFFFFF  }
0xc3: {  	(tm) =	ssettm $0x7FFFFFFF  }
tec
execute0_lowered:
.L_overlay_start_1:
0x0: {  	(tag) =	ssettag $0x1  }
0x1: {  	s6 =	rddreg [dreg:$0x0]  }
0x2: {  	s10 =	rddreg [dreg:$0x1]  }
0x3: {  	s1 =	rddreg [dreg:$0x2]  }
0x4: {  	s3 =	simm.s32 $0x0;
	s2 =	srdreg.scid;
	s0 =	stileid.u32  }
0x5: {  	s17 =	simm.s32 $0xD80;
	s18 =	simm.s32 $0x50;
	s19 =	simm.s32 $0x1D00  }
0x6: {  	s20 =	simm.s32 $0x4500;
	s21 =	simm.s32 $0xA0;
	s22 =	simm.s32 $0x6D00  }
0x7: {  	s23 =	simm.s32 $0x1;
	s24 =	simm.s32 $0x0;
	s9 =	smul.u32 $0x3E80, s0  }
0x8: {  	[smem:$0x7FF] =	sst s3;
	s7 =	sand.u32 $0x1, s2;
	s12 =	smul.u32 $0x2710, s0  }
0x9: {  	s4 =	sadd.s32 $0x68400, s6;
	s11 =	sadd.s32 $0xC400, s6;
	s13 =	smul.u32 $0x7D000, s0  }
0xa: {  	s5 =	sadd.s32 $0x16200, s6;
	s8 =	smul.u32 $0x27100, s7;
	s7 =	ssub.s32 $0x2, s7  }
0xb: {  	p0 =	sgt.u32 s0, $0x9;
	_ =	strace $0x8000004A;
	s26 =	sshrl.u32 s7, $0x1  }
0xc: {  	s28 =	sshrl.u32 s13, $0x2;
	s9 =	sadd.s32 s9, s8;
	s8 =	sadd.s32 s12, s8  }
0xd: {  	s15 =	ssub.s32 s7, s26;
	s16 =	sadd.s32 s28, s1;
	s14 =	sadd.s32 s9, s6  }
0xe: {  	s29 =	sshrl.u32 s8, $0x3;
	s13 =	smax.u32 s15, $0x1;
	s15 =	sshrl.u32 @!p0 s16, $0x3  }
0xf: {  	s16 =	simm.s32 $0x2;
	s6 =	sadd.s32 s10, s29;
	s30 =	sadd.s32 $0x1A4, s29  }
0x10: {  	s7 =	sadd.s32 s11, s29;
	s31 =	sadd.s32 $0x348, s29;
	s12 =	sadd.s32 $0xB6600, s14  }
0x11: {  	s14 =	sshll.u32 @!p0 s0, $0x6;
	s8 =	sadd.s32 s10, s30;
	s9 =	sadd.s32 s11, s30  }
0x12: {  	s10 =	sadd.s32 s10, s31;
	s11 =	sadd.s32 s11, s31;
	s14 =	sor.u32 @!p0 $0x1C02, s14  }
.LBB2_1:
0x13: {  	[spmem:s15], [sflag:s14] =	dma.local @!p0 [hbm:s5], $0x3E80  }
0x14: {  	s25 =	simm.s32 @!p0 $0x2  }
0x15: {  	_ =	swait.ge @!p0 [sflag:s25], $0x3E80  }
0x16: {  	[sflag:s25] =	ssyncset.done @!p0 $0x0  }
0x17: {  	[sflag:s25] =	ssyncadd.s32 @!p0 $0xFFFFC180  }
0x18: {  	[bflag:$0x0] =	sbarrier.arrive $0xFFFF  }
0x19: {  	[tilespmem:s3], [sflag:$0x2] =	stream.linear.gather [hbm4b:s6+s3], $0xD20, $0x38;
	[tilespmem:$0x1F580] =	vst v63  }
0x1a: {  	_ =	swait.ge [sflag:s16], $0xD20  }
0x1b: {  	[sflag:s16] =	ssyncset.done $0x0  }
0x1c: {  	[sflag:s16] =	ssyncadd.s32 $0xFFFFF2E0  }
0x1d: {  	[tilespmem:s17], [sflag:$0x2] =	stream.linear.gather [hbm4b:s7+s3], $0xD20, $0x38;
	[tilespmem:$0x1F580] =	vst v63  }
0x1e: {  	_ =	swait.ge [sflag:s16], $0xD20  }
0x1f: {  	[sflag:s16] =	ssyncset.done $0x0  }
0x20: {  	p1 =	por $0x0, $0x0;
	s25 =	simm.s32 $0x3;
	[sflag:s16] =	ssyncadd.s32 $0xFFFFF2E0  }
0x21: {  	[tilespmem:s19], [sflag:$0x1] =	stream.indirect.gather [hbm4b:s4+s18], $0x80, s3, s18, $0xb8;
	[tilespmem:$0x1F580] =	vst v63  }
0x22: {  	s25 =	sand.u32 @!p1 $0x3, s25  }
0x23: {  	[tilespmem:s20], [sflag:$0x1] =	stream.indirect.gather [hbm4b:s4+s18], $0x80, s18, s18, $0xb8;
	[tilespmem:$0x1F580] =	vst v63  }
0x24: {  	s25 =	smul.u32 @!p1 $0xA000, s25  }
0x25: {  	[tilespmem:s22], [sflag:$0x1] =	stream.indirect.gather [hbm4b:s4+s18], $0x80, s21, s18, $0xb8;
	[tilespmem:$0x1F580] =	vst v63  }
0x26: {  	s26 =	simm.s32 $0xF0;
	_ =	swait.ge [sflag:s23], $0x2800  }
0x27: {  	s28 =	simm.s32 $0xDA0;
	s25 =	sshrl.u32 @!p1 s25, $0x2;
	[sflag:s23] =	ssyncset.done $0x0  }
0x28: {  	s29 =	simm.s32 @!p1 $0x50;
	s25 =	sadd.s32 @!p1 $0x1D00, s25;
	[sflag:s23] =	ssyncadd.s32 $0xFFFFD800  }
0x29: {  	[tilespmem:s25], [sflag:$0x1] =	stream.indirect.gather @!p1 [hbm4b:s4+s29], $0x80, s26, s29, $0xb8;
	[tilespmem:$0x1F580] =	vst v63  }
0x2a: {  	v0 =	vld [tilespmem:s28+$0xFFFFFFE0];
	_ =	sdelay $0x1  }
0x2b: {  	s26 =	simm.s32 $0x0  }
0x2c: {  	s25 =	sand.u32 $0x3, s26  }
0x2d: {  	s29 =	sshll.u32 s25, $0x7  }
0x2e: {  	[tilespmem:s29+$0x1B00] =	vst v0  }
0x2f: {  	v0 =	vld [tilespmem:s28+$0xFFFFFFF0];
	_ =	sdelay $0x4  }
0x30: {  	[tilespmem:s29+$0x1B10] =	vst v0  }
0x31: {  	v0 =	vld [tilespmem:s28+$0x0];
	_ =	sdelay $0x4  }
0x32: {  	[tilespmem:s29+$0x1B20] =	vst v0  }
0x33: {  	v0 =	vld [tilespmem:s28+$0x10];
	_ =	sdelay $0x4  }
0x34: {  	[tilespmem:s29+$0x1B30] =	vst v0  }
0x35: {  	v0 =	vld [tilespmem:s28+$0x20];
	_ =	sdelay $0x1  }
0x36: {  	s25 =	smul.u32 $0xA000, s25  }
0x37: {  	s0 =	simm.s32 $0x4;
	s31 =	simm.s32 $0x1  }
0x38: {  	p2 =	por $0x0, $0x0;
	s26 =	simm.s32 $0x140;
	s30 =	sshrl.u32 s25, $0x2  }
0x39: {  	s2 =	sadd.s32 $0x1B00, s29;
	s25 =	simm.s32 $0xDF0;
	s30 =	sadd.s32 $0x1D00, s30;
	[tilespmem:s29+$0x1B40] =	vst v0  }
0x3a: {  	[spmem:s1] =	stream.indirect.scatter.add.f32 [tilespmem:s30], [sflag:$0x2], $0x80, s2, s18, $0xb8;
	[tilespmem:$0x1F580] =	vst v63  }
0x3b: {  	s28 =	simm.s32 $0x5;
	s30 =	sand.u32 $0x3, s31;
	_ =	swait.ge [sflag:s16], $0x2800  }
0x3c: {  	s29 =	sand.u32 @!p2 $0x3, s0;
	s31 =	smul.u32 $0xA000, s30;
	[sflag:s16] =	ssyncset.done $0x0  }
.LBB2_2:
0x3d: {  	s0 =	smul.u32 @!p2 $0xA000, s29  }
0x3e: {  	[sflag:s16] =	ssyncadd.s32 $0xFFFFD800;
	s29 =	smov.u32 s28;
	s28 =	sadd.s32 $0x1, s28  }
0x3f: {  	p1 =	sne.s32 s28, $0x2D;
	s2 =	sshrl.u32 s31, $0x2;
	_ =	swait.ge [sflag:s23], $0x2800  }
0x40: {  	[sflag:s23] =	ssyncset.done $0x0;
	s0 =	sshrl.u32 @!p2 s0, $0x2  }
0x41: {  	s31 =	simm.s32 @!p2 $0x50;
	[sflag:s23] =	ssyncadd.s32 $0xFFFFD800;
	s0 =	sadd.s32 @!p2 $0x1D00, s0  }
0x42: {  	[tilespmem:s0], [sflag:$0x1] =	stream.indirect.gather @!p2 [hbm4b:s4+s31], $0x80, s26, s31, $0xb8;
	[tilespmem:$0x1F580] =	vst v63  }
0x43: {  	v0 =	vld [tilespmem:s25+$0xFFFFFFE0];
	_ =	sdelay $0x3  }
0x44: {  	s0 =	sshll.u32 s30, $0x7  }
0x45: {  	[tilespmem:s0+$0x1B00] =	vst v0  }
0x46: {  	v0 =	vld [tilespmem:s25+$0xFFFFFFF0];
	_ =	sdelay $0x4  }
0x47: {  	[tilespmem:s0+$0x1B10] =	vst v0  }
0x48: {  	v0 =	vld [tilespmem:s25+$0x0];
	_ =	sdelay $0x4  }
0x49: {  	[tilespmem:s0+$0x1B20] =	vst v0  }
0x4a: {  	v0 =	vld [tilespmem:s25+$0x10];
	_ =	sdelay $0x4  }
0x4b: {  	[tilespmem:s0+$0x1B30] =	vst v0  }
0x4c: {  	v0 =	vld [tilespmem:s25+$0x20];
	_ =	sdelay $0x3  }
.Ltmp0:
0x4d: {  	s26 =	sadd.s32 $0x50, s26;
	s25 =	sadd.s32 $0x50, s25;
	(pc) =	sbr.rel @p1 .LBB2_2-.Ltmp0, $4  }
0x4e: {  	s2 =	sadd.s32 $0x1D00, s2;
	s31 =	sadd.s32 $0xFFFFFFFD, s29;
	s30 =	sadd.s32 $0x1B00, s0;
	[tilespmem:s0+$0x1B40] =	vst v0  }
0x4f: {  	[spmem:s1] =	stream.indirect.scatter.add.f32 [tilespmem:s2], [sflag:$0x2], $0x80, s30, s18, $0xb8;
	[tilespmem:$0x1F580] =	vst v63  }
0x50: {  	p2 =	sgt.u32 s31, $0x26;
	s30 =	sand.u32 $0x3, s31;
	_ =	swait.ge [sflag:s16], $0x2800  }
0x51: {  	s29 =	sand.u32 @!p2 $0x3, s29;
	s31 =	smul.u32 $0xA000, s30;
	[sflag:s16] =	ssyncset.done $0x0  }
0x52: {  	s0 =	smul.u32 @!p2 $0xA000, s29;
	[sflag:s16] =	ssyncadd.s32 $0xFFFFD800  }
0x53: {  	_ =	swait.ge [sflag:s23], $0x2800  }
0x54: {  	[sflag:s23] =	ssyncset.done $0x0;
	s0 =	sshrl.u32 @!p2 s0, $0x2  }
0x55: {  	s2 =	simm.s32 @!p2 $0x50;
	[sflag:s23] =	ssyncadd.s32 $0xFFFFD800;
	s0 =	sadd.s32 @!p2 $0x1D00, s0  }
0x56: {  	[tilespmem:s0], [sflag:$0x1] =	stream.indirect.gather @!p2 [hbm4b:s4+s2], $0x80, s26, s2, $0xb8;
	[tilespmem:$0x1F580] =	vst v63  }
0x57: {  	v0 =	vld [tilespmem:s25+$0xFFFFFFE0];
	_ =	sdelay $0x3  }
0x58: {  	s0 =	sshll.u32 s30, $0x7  }
0x59: {  	[tilespmem:s0+$0x1B00] =	vst v0  }
0x5a: {  	v0 =	vld [tilespmem:s25+$0xFFFFFFF0];
	_ =	sdelay $0x4  }
0x5b: {  	[tilespmem:s0+$0x1B10] =	vst v0  }
0x5c: {  	v0 =	vld [tilespmem:s25+$0x0];
	_ =	sdelay $0x4  }
0x5d: {  	[tilespmem:s0+$0x1B20] =	vst v0  }
0x5e: {  	v0 =	vld [tilespmem:s25+$0x10];
	_ =	sdelay $0x4  }
0x5f: {  	[tilespmem:s0+$0x1B30] =	vst v0  }
0x60: {  	v0 =	vld [tilespmem:s25+$0x20];
	_ =	sdelay $0x3  }
0x61: {  	s25 =	sshrl.u32 s31, $0x2  }
0x62: {  	s26 =	sadd.s32 $0x1B00, s0;
	s2 =	sadd.s32 $0x1D00, s25;
	[tilespmem:s0+$0x1B40] =	vst v0  }
0x63: {  	[spmem:s1] =	stream.indirect.scatter.add.f32 [tilespmem:s2], [sflag:$0x2], $0x80, s26, s18, $0xb8;
	[tilespmem:$0x1F580] =	vst v63  }
0x64: {  	_ =	swait.ge [sflag:s16], $0x2800  }
0x65: {  	[sflag:s16] =	ssyncset.done $0x0  }
0x66: {  	[sflag:s16] =	ssyncadd.s32 $0xFFFFD800  }
0x67: {  	[tilespmem:s3], [sflag:$0x2] =	stream.linear.gather [hbm4b:s8+s3], $0xD20, $0x38;
	[tilespmem:$0x1F580] =	vst v63  }
0x68: {  	_ =	swait.ge [sflag:s16], $0xD20  }
0x69: {  	[sflag:s16] =	ssyncset.done $0x0  }
0x6a: {  	[sflag:s16] =	ssyncadd.s32 $0xFFFFF2E0  }
0x6b: {  	[tilespmem:s17], [sflag:$0x2] =	stream.linear.gather [hbm4b:s9+s3], $0xD20, $0x38;
	[tilespmem:$0x1F580] =	vst v63  }
0x6c: {  	_ =	swait.ge [sflag:s16], $0xD20  }
0x6d: {  	[sflag:s16] =	ssyncset.done $0x0  }
0x6e: {  	p1 =	por $0x0, $0x0;
	s0 =	simm.s32 $0x3;
	[sflag:s16] =	ssyncadd.s32 $0xFFFFF2E0  }
0x6f: {  	[tilespmem:s19], [sflag:$0x1] =	stream.indirect.gather [hbm4b:s4+s18], $0x80, s3, s18, $0xb8;
	[tilespmem:$0x1F580] =	vst v63  }
0x70: {  	s0 =	sand.u32 @!p1 $0x3, s0  }
0x71: {  	[tilespmem:s20], [sflag:$0x1] =	stream.indirect.gather [hbm4b:s4+s18], $0x80, s18, s18, $0xb8;
	[tilespmem:$0x1F580] =	vst v63  }
0x72: {  	s0 =	smul.u32 @!p1 $0xA000, s0  }
0x73: {  	[tilespmem:s22], [sflag:$0x1] =	stream.indirect.gather [hbm4b:s4+s18], $0x80, s21, s18, $0xb8;
	[tilespmem:$0x1F580] =	vst v63  }
0x74: {  	s25 =	simm.s32 $0xDA0;
	_ =	swait.ge [sflag:s23], $0x2800  }
0x75: {  	s2 =	simm.s32 $0xF0;
	s0 =	sshrl.u32 @!p1 s0, $0x2;
	[sflag:s23] =	ssyncset.done $0x0  }
0x76: {  	s26 =	simm.s32 @!p1 $0x50;
	s0 =	sadd.s32 @!p1 $0x1D00, s0;
	[sflag:s23] =	ssyncadd.s32 $0xFFFFD800  }
0x77: {  	[tilespmem:s0], [sflag:$0x1] =	stream.indirect.gather @!p1 [hbm4b:s4+s26], $0x80, s2, s26, $0xb8;
	[tilespmem:$0x1F580] =	vst v63  }
0x78: {  	v63 =	vld [tilespmem:s25+$0xFFFFFFE0];
	_ =	sdelay $0x1  }
0x79: {  	s26 =	simm.s32 $0x0  }
0x7a: {  	s0 =	sand.u32 $0x3, s26  }
0x7b: {  	s2 =	sshll.u32 s0, $0x7  }
0x7c: {  	[tilespmem:s2+$0x1B00] =	vst v63  }
0x7d: {  	v0 =	vld [tilespmem:s25+$0xFFFFFFF0];
	_ =	sdelay $0x4  }
0x7e: {  	[tilespmem:s2+$0x1B10] =	vst v0  }
0x7f: {  	v0 =	vld [tilespmem:s25+$0x0];
	_ =	sdelay $0x4  }
0x80: {  	[tilespmem:s2+$0x1B20] =	vst v0  }
0x81: {  	v0 =	vld [tilespmem:s25+$0x10];
	_ =	sdelay $0x4  }
0x82: {  	[tilespmem:s2+$0x1B30] =	vst v0  }
0x83: {  	v0 =	vld [tilespmem:s25+$0x20];
	_ =	sdelay $0x1  }
0x84: {  	s0 =	smul.u32 $0xA000, s0  }
0x85: {  	s29 =	simm.s32 $0x4;
	s28 =	simm.s32 $0x5  }
0x86: {  	s30 =	simm.s32 $0x1;
	p2 =	por $0x0, $0x0;
	s0 =	sshrl.u32 s0, $0x2  }
0x87: {  	s30 =	sand.u32 $0x3, s30;
	s31 =	sadd.s32 $0x1B00, s2;
	s0 =	sadd.s32 $0x1D00, s0;
	[tilespmem:s2+$0x1B40] =	vst v0  }
0x88: {  	[spmem:s1] =	stream.indirect.scatter.add.f32 [tilespmem:s0], [sflag:$0x2], $0x80, s31, s18, $0xb8;
	[tilespmem:$0x1F580] =	vst v63  }
0x89: {  	s29 =	sand.u32 @!p2 $0x3, s29;
	s26 =	simm.s32 $0x140;
	_ =	swait.ge [sflag:s16], $0x2800  }
0x8a: {  	s25 =	simm.s32 $0xDF0;
	s31 =	smul.u32 $0xA000, s30;
	[sflag:s16] =	ssyncset.done $0x0  }
.LBB2_4:
0x8b: {  	s0 =	smul.u32 @!p2 $0xA000, s29  }
0x8c: {  	[sflag:s16] =	ssyncadd.s32 $0xFFFFD800;
	s29 =	smov.u32 s28;
	s28 =	sadd.s32 $0x1, s28  }
0x8d: {  	p1 =	sne.s32 s28, $0x2D;
	s2 =	sshrl.u32 s31, $0x2;
	_ =	swait.ge [sflag:s23], $0x2800  }
0x8e: {  	[sflag:s23] =	ssyncset.done $0x0;
	s0 =	sshrl.u32 @!p2 s0, $0x2  }
0x8f: {  	s31 =	simm.s32 @!p2 $0x50;
	[sflag:s23] =	ssyncadd.s32 $0xFFFFD800;
	s0 =	sadd.s32 @!p2 $0x1D00, s0  }
0x90: {  	[tilespmem:s0], [sflag:$0x1] =	stream.indirect.gather @!p2 [hbm4b:s4+s31], $0x80, s26, s31, $0xb8;
	[tilespmem:$0x1F580] =	vst v63  }
0x91: {  	v0 =	vld [tilespmem:s25+$0xFFFFFFE0];
	_ =	sdelay $0x3  }
0x92: {  	s0 =	sshll.u32 s30, $0x7  }
0x93: {  	[tilespmem:s0+$0x1B00] =	vst v0  }
0x94: {  	v0 =	vld [tilespmem:s25+$0xFFFFFFF0];
	_ =	sdelay $0x4  }
0x95: {  	[tilespmem:s0+$0x1B10] =	vst v0  }
0x96: {  	v0 =	vld [tilespmem:s25+$0x0];
	_ =	sdelay $0x4  }
0x97: {  	[tilespmem:s0+$0x1B20] =	vst v0  }
0x98: {  	v0 =	vld [tilespmem:s25+$0x10];
	_ =	sdelay $0x4  }
0x99: {  	[tilespmem:s0+$0x1B30] =	vst v0  }
0x9a: {  	v0 =	vld [tilespmem:s25+$0x20];
	_ =	sdelay $0x3  }
.Ltmp1:
0x9b: {  	s26 =	sadd.s32 $0x50, s26;
	s25 =	sadd.s32 $0x50, s25;
	(pc) =	sbr.rel @p1 .LBB2_4-.Ltmp1, $4  }
0x9c: {  	s2 =	sadd.s32 $0x1D00, s2;
	s31 =	sadd.s32 $0xFFFFFFFD, s29;
	s30 =	sadd.s32 $0x1B00, s0;
	[tilespmem:s0+$0x1B40] =	vst v0  }
0x9d: {  	[spmem:s1] =	stream.indirect.scatter.add.f32 [tilespmem:s2], [sflag:$0x2], $0x80, s30, s18, $0xb8;
	[tilespmem:$0x1F580] =	vst v63  }
0x9e: {  	p2 =	sgt.u32 s31, $0x26;
	s30 =	sand.u32 $0x3, s31;
	_ =	swait.ge [sflag:s16], $0x2800  }
0x9f: {  	s29 =	sand.u32 @!p2 $0x3, s29;
	s31 =	smul.u32 $0xA000, s30;
	[sflag:s16] =	ssyncset.done $0x0  }
0xa0: {  	s0 =	smul.u32 @!p2 $0xA000, s29;
	[sflag:s16] =	ssyncadd.s32 $0xFFFFD800  }
0xa1: {  	_ =	swait.ge [sflag:s23], $0x2800  }
0xa2: {  	[sflag:s23] =	ssyncset.done $0x0;
	s0 =	sshrl.u32 @!p2 s0, $0x2  }
0xa3: {  	s2 =	simm.s32 @!p2 $0x50;
	[sflag:s23] =	ssyncadd.s32 $0xFFFFD800;
	s0 =	sadd.s32 @!p2 $0x1D00, s0  }
0xa4: {  	[tilespmem:s0], [sflag:$0x1] =	stream.indirect.gather @!p2 [hbm4b:s4+s2], $0x80, s26, s2, $0xb8;
	[tilespmem:$0x1F580] =	vst v63  }
0xa5: {  	v0 =	vld [tilespmem:s25+$0xFFFFFFE0];
	_ =	sdelay $0x3  }
0xa6: {  	s0 =	sshll.u32 s30, $0x7  }
0xa7: {  	[tilespmem:s0+$0x1B00] =	vst v0  }
0xa8: {  	v0 =	vld [tilespmem:s25+$0xFFFFFFF0];
	_ =	sdelay $0x4  }
0xa9: {  	[tilespmem:s0+$0x1B10] =	vst v0  }
0xaa: {  	v0 =	vld [tilespmem:s25+$0x0];
	_ =	sdelay $0x4  }
0xab: {  	[tilespmem:s0+$0x1B20] =	vst v0  }
0xac: {  	v0 =	vld [tilespmem:s25+$0x10];
	_ =	sdelay $0x4  }
0xad: {  	[tilespmem:s0+$0x1B30] =	vst v0  }
0xae: {  	v0 =	vld [tilespmem:s25+$0x20];
	_ =	sdelay $0x3  }
0xaf: {  	s25 =	sshrl.u32 s31, $0x2  }
0xb0: {  	s26 =	sadd.s32 $0x1B00, s0;
	s2 =	sadd.s32 $0x1D00, s25;
	[tilespmem:s0+$0x1B40] =	vst v0  }
0xb1: {  	[spmem:s1] =	stream.indirect.scatter.add.f32 [tilespmem:s2], [sflag:$0x2], $0x80, s26, s18, $0xb8;
	[tilespmem:$0x1F580] =	vst v63  }
0xb2: {  	_ =	swait.ge [sflag:s16], $0x2800  }
0xb3: {  	[sflag:s16] =	ssyncset.done $0x0  }
0xb4: {  	[sflag:s16] =	ssyncadd.s32 $0xFFFFD800  }
0xb5: {  	[tilespmem:s3], [sflag:$0x2] =	stream.linear.gather [hbm4b:s10+s3], $0xCD0, $0x38;
	[tilespmem:$0x1F580] =	vst v63  }
0xb6: {  	_ =	swait.ge [sflag:s16], $0xCD0  }
0xb7: {  	[sflag:s16] =	ssyncset.done $0x0  }
0xb8: {  	[sflag:s16] =	ssyncadd.s32 $0xFFFFF330  }
0xb9: {  	[tilespmem:s17], [sflag:$0x2] =	stream.linear.gather [hbm4b:s11+s3], $0xCD0, $0x38;
	[tilespmem:$0x1F580] =	vst v63  }
0xba: {  	_ =	swait.ge [sflag:s16], $0xCD0  }
0xbb: {  	[sflag:s16] =	ssyncset.done $0x0  }
0xbc: {  	p1 =	por $0x0, $0x0;
	s0 =	simm.s32 $0x3;
	[sflag:s16] =	ssyncadd.s32 $0xFFFFF330  }
0xbd: {  	[tilespmem:s19], [sflag:$0x1] =	stream.indirect.gather [hbm4b:s4+s18], $0x80, s3, s18, $0xb8;
	[tilespmem:$0x1F580] =	vst v63  }
0xbe: {  	s0 =	sand.u32 @!p1 $0x3, s0  }
0xbf: {  	[tilespmem:s20], [sflag:$0x1] =	stream.indirect.gather [hbm4b:s4+s18], $0x80, s18, s18, $0xb8;
	[tilespmem:$0x1F580] =	vst v63  }
0xc0: {  	s0 =	smul.u32 @!p1 $0xA000, s0  }
0xc1: {  	[tilespmem:s22], [sflag:$0x1] =	stream.indirect.gather [hbm4b:s4+s18], $0x80, s21, s18, $0xb8;
	[tilespmem:$0x1F580] =	vst v63  }
0xc2: {  	s25 =	simm.s32 $0xDA0;
	_ =	swait.ge [sflag:s23], $0x2800  }
0xc3: {  	s2 =	simm.s32 $0xF0;
	s0 =	sshrl.u32 @!p1 s0, $0x2;
	[sflag:s23] =	ssyncset.done $0x0  }
0xc4: {  	s26 =	simm.s32 @!p1 $0x50;
	s0 =	sadd.s32 @!p1 $0x1D00, s0;
	[sflag:s23] =	ssyncadd.s32 $0xFFFFD800  }
0xc5: {  	[tilespmem:s0], [sflag:$0x1] =	stream.indirect.gather @!p1 [hbm4b:s4+s26], $0x80, s2, s26, $0xb8;
	[tilespmem:$0x1F580] =	vst v63  }
0xc6: {  	v63 =	vld [tilespmem:s25+$0xFFFFFFE0];
	_ =	sdelay $0x1  }
0xc7: {  	s26 =	simm.s32 $0x0  }
0xc8: {  	s0 =	sand.u32 $0x3, s26  }
0xc9: {  	s2 =	sshll.u32 s0, $0x7  }
0xca: {  	[tilespmem:s2+$0x1B00] =	vst v63  }
0xcb: {  	v0 =	vld [tilespmem:s25+$0xFFFFFFF0];
	_ =	sdelay $0x4  }
0xcc: {  	[tilespmem:s2+$0x1B10] =	vst v0  }
0xcd: {  	v0 =	vld [tilespmem:s25+$0x0];
	_ =	sdelay $0x4  }
0xce: {  	[tilespmem:s2+$0x1B20] =	vst v0  }
0xcf: {  	v0 =	vld [tilespmem:s25+$0x10];
	_ =	sdelay $0x4  }
0xd0: {  	[tilespmem:s2+$0x1B30] =	vst v0  }
0xd1: {  	v0 =	vld [tilespmem:s25+$0x20];
	_ =	sdelay $0x1  }
0xd2: {  	s0 =	smul.u32 $0xA000, s0  }
0xd3: {  	s29 =	simm.s32 $0x4;
	s28 =	simm.s32 $0x5  }
0xd4: {  	s30 =	simm.s32 $0x1;
	p2 =	por $0x0, $0x0;
	s0 =	sshrl.u32 s0, $0x2  }
0xd5: {  	s30 =	sand.u32 $0x3, s30;
	s31 =	sadd.s32 $0x1B00, s2;
	s0 =	sadd.s32 $0x1D00, s0;
	[tilespmem:s2+$0x1B40] =	vst v0  }
0xd6: {  	[spmem:s1] =	stream.indirect.scatter.add.f32 [tilespmem:s0], [sflag:$0x2], $0x80, s31, s18, $0xb8;
	[tilespmem:$0x1F580] =	vst v63  }
0xd7: {  	s29 =	sand.u32 @!p2 $0x3, s29;
	s26 =	simm.s32 $0x140;
	_ =	swait.ge [sflag:s16], $0x2800  }
0xd8: {  	s25 =	simm.s32 $0xDF0;
	s31 =	smul.u32 $0xA000, s30;
	[sflag:s16] =	ssyncset.done $0x0  }
.LBB2_6:
0xd9: {  	s0 =	smul.u32 @!p2 $0xA000, s29  }
0xda: {  	[sflag:s16] =	ssyncadd.s32 $0xFFFFD800;
	s29 =	smov.u32 s28;
	s28 =	sadd.s32 $0x1, s28  }
0xdb: {  	p1 =	sne.s32 s28, $0x2C;
	s2 =	sshrl.u32 s31, $0x2;
	_ =	swait.ge [sflag:s23], $0x2800  }
0xdc: {  	[sflag:s23] =	ssyncset.done $0x0;
	s0 =	sshrl.u32 @!p2 s0, $0x2  }
0xdd: {  	s31 =	simm.s32 @!p2 $0x50;
	[sflag:s23] =	ssyncadd.s32 $0xFFFFD800;
	s0 =	sadd.s32 @!p2 $0x1D00, s0  }
0xde: {  	[tilespmem:s0], [sflag:$0x1] =	stream.indirect.gather @!p2 [hbm4b:s4+s31], $0x80, s26, s31, $0xb8;
	[tilespmem:$0x1F580] =	vst v63  }
0xdf: {  	v0 =	vld [tilespmem:s25+$0xFFFFFFE0];
	_ =	sdelay $0x3  }
0xe0: {  	s0 =	sshll.u32 s30, $0x7  }
0xe1: {  	[tilespmem:s0+$0x1B00] =	vst v0  }
0xe2: {  	v0 =	vld [tilespmem:s25+$0xFFFFFFF0];
	_ =	sdelay $0x4  }
0xe3: {  	[tilespmem:s0+$0x1B10] =	vst v0  }
0xe4: {  	v0 =	vld [tilespmem:s25+$0x0];
	_ =	sdelay $0x4  }
0xe5: {  	[tilespmem:s0+$0x1B20] =	vst v0  }
0xe6: {  	v0 =	vld [tilespmem:s25+$0x10];
	_ =	sdelay $0x4  }
0xe7: {  	[tilespmem:s0+$0x1B30] =	vst v0  }
0xe8: {  	v0 =	vld [tilespmem:s25+$0x20];
	_ =	sdelay $0x3  }
.Ltmp2:
0xe9: {  	s26 =	sadd.s32 $0x50, s26;
	s25 =	sadd.s32 $0x50, s25;
	(pc) =	sbr.rel @p1 .LBB2_6-.Ltmp2, $4  }
0xea: {  	s2 =	sadd.s32 $0x1D00, s2;
	s31 =	sadd.s32 $0xFFFFFFFD, s29;
	s30 =	sadd.s32 $0x1B00, s0;
	[tilespmem:s0+$0x1B40] =	vst v0  }
0xeb: {  	[spmem:s1] =	stream.indirect.scatter.add.f32 [tilespmem:s2], [sflag:$0x2], $0x80, s30, s18, $0xb8;
	[tilespmem:$0x1F580] =	vst v63  }
0xec: {  	p2 =	sgt.u32 s31, $0x25;
	s30 =	sand.u32 $0x3, s31;
	_ =	swait.ge [sflag:s16], $0x2800  }
0xed: {  	s29 =	sand.u32 @!p2 $0x3, s29;
	s31 =	smul.u32 $0xA000, s30;
	[sflag:s16] =	ssyncset.done $0x0  }
0xee: {  	s0 =	smul.u32 @!p2 $0xA000, s29;
	[sflag:s16] =	ssyncadd.s32 $0xFFFFD800  }
0xef: {  	_ =	swait.ge [sflag:s23], $0x2800  }
0xf0: {  	[sflag:s23] =	ssyncset.done $0x0;
	s0 =	sshrl.u32 @!p2 s0, $0x2  }
0xf1: {  	s2 =	simm.s32 @!p2 $0x50;
	[sflag:s23] =	ssyncadd.s32 $0xFFFFD800;
	s0 =	sadd.s32 @!p2 $0x1D00, s0  }
0xf2: {  	[tilespmem:s0], [sflag:$0x1] =	stream.indirect.gather @!p2 [hbm4b:s4+s2], $0x80, s26, s2, $0xb8;
	[tilespmem:$0x1F580] =	vst v63  }
0xf3: {  	v0 =	vld [tilespmem:s25+$0xFFFFFFE0];
	_ =	sdelay $0x3  }
0xf4: {  	s29 =	sshll.u32 s30, $0x7  }
0xf5: {  	[tilespmem:s29+$0x1B00] =	vst v0  }
0xf6: {  	v0 =	vld [tilespmem:s25+$0xFFFFFFF0];
	_ =	sdelay $0x4  }
0xf7: {  	[tilespmem:s29+$0x1B10] =	vst v0  }
0xf8: {  	v0 =	vld [tilespmem:s25+$0x0];
	_ =	sdelay $0x4  }
0xf9: {  	[tilespmem:s29+$0x1B20] =	vst v0  }
0xfa: {  	v0 =	vld [tilespmem:s25+$0x10];
	_ =	sdelay $0x4  }
0xfb: {  	[tilespmem:s29+$0x1B30] =	vst v0  }
0xfc: {  	v0 =	vld [tilespmem:s25+$0x20];
	_ =	sdelay $0x3  }
0xfd: {  	s30 =	sshrl.u32 s31, $0x2  }
0xfe: {  	s31 =	sadd.s32 $0x1B00, s29;
	s2 =	sadd.s32 $0x1D00, s30;
	[tilespmem:s29+$0x1B40] =	vst v0  }
0xff: {  	[spmem:s1] =	stream.indirect.scatter.add.f32 [tilespmem:s2], [sflag:$0x2], $0x80, s31, s18, $0xb8;
	[tilespmem:$0x1F580] =	vst v63  }
0x100: {  	_ =	swait.ge [sflag:s16], $0x2800  }
0x101: {  	s24 =	sadd.s32 $0x1, s24;
	[sflag:s16] =	ssyncset.done $0x0  }
0x102: {  	p1 =	sne.s32 s24, s13;
	[sflag:s16] =	ssyncadd.s32 $0xFFFFD800  }
.Ltmp3:
0x103: {  	s0 =	simm.s32 @!p0 $0x2;
	[bflag:$0x0] =	sbarrier.arrive $0xFFFF;
	(pc) =	sbr.rel @p1 .LBB2_1-.Ltmp3, $4  }
0x104: {  	[hbm:s12], [sflag:s14] =	dma.local @!p0 [spmem:s15], $0x3E80  }
0x105: {  	_ =	swait.ge @!p0 [sflag:s0], $0x3E80  }
0x106: {  	[sflag:s0] =	ssyncset.done @!p0 $0x0  }
0x107: {  	[sflag:s0] =	ssyncadd.s32 @!p0 $0xFFFFC180  }
0x108: {  	_ =	sfence.sel $0x180000  }
0x109: {  	[bflag:$0x0] =	sbarrier.arrive $0xFFFF  }
0x10a: {  	_ =	strace $0x9000004A  }
0x10b: {  	s0 =	stileid.u32;
	[bflag:$0x2] =	sbarrier.arrive $0xFFFF  }
0x10c: {  	p0 =	sne.s32 s0, $0x0;
	s0 =	rddreg [dreg:$0x3]  }
0x10d: {  	s0 =	sadd.s32 @!p0 $0x100000, s0  }
0x10e: {  	[sflag:s0] =	ssyncadd.tile.s32 @!p0 $0x1;
	_ =	shalt  }
.Lfunc_end2:
_tile_overlayer_lowered:
.L_overlay_start_2:
0x10f: {  	(tag) =	ssettag $0x2  }
0x110: {  	s0 =	rddreg [dreg:$0x0];
	s2 =	stileid.u32  }
0x111: {  	s1 =	rddreg [dreg:$0x1];
	p0 =	sne.s32 s2, $0x0  }
0x112: {  	s3 =	rddreg [dreg:$0x2];
	[bflag:$0x3] =	sbarrier.arrive $0xFFFF;
	s2 =	simm.s32 @!p0 $0x1C02  }
0x113: {  	[timem:s3], [sflag:s2] =	dma.local @!p0 [hbm:s0], s1  }
0x114: {  	s0 =	simm.s32 @!p0 $0x2  }
0x115: {  	_ =	swait.ge @!p0 [sflag:s0], s1  }
0x116: {  	s1 =	ssub.s32 @!p0 $0x0, s1;
	[sflag:s0] =	ssyncset.done @!p0 $0x0  }
0x117: {  	[sflag:s0] =	ssyncadd.s32 @!p0 s1  }
0x118: {  	[bflag:$0x3] =	sbarrier.arrive $0xFFFF  }
0x119: {  	_ =	shalt  }

// kernel: kernel.14.cloned.1.call-start
scs
__scs_entry_jumppad:
0x0: {  	(pc) =	sbr.rel $0x88, $3  }
0x1: {  	(tag) =	ssettag $0x0;
	lr =	simm.s32 $0x1  }
0x2: {  	[smem:$0x3F98] =	sst lr;
	_ =	strace $0xD0000000  }
0x3: {  	_ = 	snop  }
0x4: {  	_ = 	snop  }
0x5: {  	_ = 	snop  }
0x6: {  	_ = 	snop  }
0x7: {  	_ = 	snop  }
__scs_overlays_trampoline_lowered:
0x8: {  	[smem:$0x3FA7] =	sst s0  }
0x9: {  	[smem:$0x3FA8] =	sst s1  }
0xa: {  	[smem:$0x3FA9] =	sst s2  }
0xb: {  	[smem:$0x3FAA] =	sst s3  }
0xc: {  	[smem:$0x3FAB] =	sst s4  }
0xd: {  	[smem:$0x3FAC] =	sst s5  }
0xe: {  	[smem:$0x3FAD] =	sst s6  }
0xf: {  	[smem:$0x3FAE] =	sst s7  }
0x10: {  	[smem:$0x3FAF] =	sst s8  }
0x11: {  	[smem:$0x3FB0] =	sst s9;
	s0 =	simm.s32 @!p0 $0x0  }
0x12: {  	s1 =	sld [smem:$0x3F96];
	s0 =	simm.s32 @p0 $0x1  }
0x13: {  	[smem:$0x3FB1] =	sst s0;
	s0 =	simm.s32 @!p1 $0x0  }
0x14: {  	s2 =	sld [smem:$0x3F95];
	s0 =	simm.s32 @p1 $0x1  }
0x15: {  	[smem:$0x3FB2] =	sst s0;
	s0 =	simm.s32 @!p2 $0x0  }
0x16: {  	s3 =	sld [smem:$0x3FDB];
	s0 =	simm.s32 @p2 $0x1  }
0x17: {  	s4 =	simm.s32 $0x1BF5;
	[smem:$0x3FB4] =	sst s0  }
0x18: {  	s0 =	sld [smem:$0x3F97];
	_ =	swait.ge [sflag:s4], $0x0  }
0x19: {  	s7 =	sld [smem:$0x3F98]  }
0x1a: {  	s8 =	sadd.s32 $0xFFFFE003, lr  }
0x1b: {  	s9 =	sadd.s32 $0xFFFFFEF7, lr;
	s5 =	simm.s32 $0xFFFFFFFF;
	p2 =	slt.u32 s8, $0xFFFFF086  }
0x1c: {  	p1 =	slt.u32 s9, $0xF7A;
	s5 =	simm.s32 @!p2 $0x0  }
0x1d: {  	s5 =	simm.s32 @p1 $0x1;
	p0 =	seq.s32 s7, s2  }
0x1e: {  	s7 =	smul.u32 @!p0 $0xF7A, s2;
	p2 =	seq.s32 @!p0 s5, $0x0  }
0x1f: {  	s9 =	smul.u32 $0xF7A, s1;
	s8 =	simm.s32 @!p0 $0x1BF5;
	p2 =	por !p2, p0  }
0x20: {  	[sflag:s8] =	ssyncset.s32 @!p0 $0xFFFFF086;
	s6 =	sadd.s32 @!p0 s3, s7;
	s7 =	simm.s32 @!p0 $0x108  }
0x21: {  	s3 =	sadd.s32 s3, s9;
	s6 =	sadd.s32 @!p0 $0x88, s6;
	s7 =	simm.s32 @p2 $0x1082  }
0x22: {  	[simem:s7], [sflag:s8] =	dma.local @!p0 [hbm:s6], $0xF7A  }
0x23: {  	s9 =	sor.u32 $0xD0000000, s2;
	s6 =	simm.s32 $0x108;
	_ =	swait.ge @!p0 [sflag:s8], $0x0  }
0x24: {  	s3 =	sadd.s32 $0x88, s3;
	s6 =	simm.s32 @!p1 $0x1082;
	[sflag:s4] =	ssyncset.s32 $0xFFFFF086  }
0x25: {  	[simem:s6], [sflag:s4] =	dma.local [hbm:s3], $0xF7A  }
0x26: {  	[smem:$0x3F98] =	sst s1;
	(tag) =	ssettag s2;
	_ =	strace s9  }
0x27: {  	s1 =	sld [smem:$0x3FA8]  }
0x28: {  	s2 =	sld [smem:$0x3FA9]  }
0x29: {  	s4 =	sld [smem:$0x3FAB]  }
0x2a: {  	p0 =	seq.s32 s5, $0x0;
	s5 =	sld [smem:$0x3FAC]  }
0x2b: {  	s6 =	sld [smem:$0x3FAD]  }
0x2c: {  	s7 =	sld [smem:$0x3FAE]  }
0x2d: {  	s3 =	simm.s32 $0x108;
	s8 =	sld [smem:$0x3FAF]  }
0x2e: {  	s3 =	simm.s32 @!p0 $0x1082;
	s9 =	sld [smem:$0x3FB0]  }
0x2f: {  	lr =	sadd.s32 s0, s3;
	s0 =	sld [smem:$0x3FA7]  }
0x30: {  	s3 =	sld [smem:$0x3FAA]  }
0x31: {  	[smem:$0x3FB3] =	sst s10  }
0x32: {  	s10 =	sld [smem:$0x3FB1];
	_ =	sdelay $0x3  }
0x33: {  	p0 =	seq.s32 s10, $0x1;
	s10 =	sld [smem:$0x3FB3];
	_ =	sdelay $0x3  }
0x34: {  	[smem:$0x3FB3] =	sst s10  }
0x35: {  	s10 =	sld [smem:$0x3FB2];
	_ =	sdelay $0x3  }
0x36: {  	p1 =	seq.s32 s10, $0x1;
	s10 =	sld [smem:$0x3FB3];
	_ =	sdelay $0x3  }
0x37: {  	[smem:$0x3FB3] =	sst s10  }
0x38: {  	s10 =	sld [smem:$0x3FB4]  }
0x39: {  	_ = 	snop;
	(pc) =	sbr.ind lr, $3  }
0x3a: {  	_ = 	snop  }
0x3b: {  	_ = 	snop  }
0x3c: {  	p2 =	seq.s32 s10, $0x1;
	s10 =	sld [smem:$0x3FB3]  }
0x3d: {  	_ =	shalt  }
0x3e: {  	_ =	shalt  }
0x3f: {  	_ =	shalt  }
0x40: {  	_ =	shalt  }
0x41: {  	_ =	shalt  }
0x42: {  	_ =	shalt  }
0x43: {  	_ =	shalt  }
0x44: {  	_ =	shalt  }
0x45: {  	_ =	shalt  }
0x46: {  	_ =	shalt  }
0x47: {  	_ =	shalt  }
0x48: {  	_ =	shalt  }
0x49: {  	_ =	shalt  }
0x4a: {  	_ =	shalt  }
0x4b: {  	_ =	shalt  }
0x4c: {  	_ =	shalt  }
0x4d: {  	_ =	shalt  }
0x4e: {  	_ =	shalt  }
0x4f: {  	_ =	shalt  }
0x50: {  	_ =	shalt  }
0x51: {  	_ =	shalt  }
0x52: {  	_ =	shalt  }
0x53: {  	_ =	shalt  }
0x54: {  	_ =	shalt  }
0x55: {  	_ =	shalt  }
0x56: {  	_ =	shalt  }
0x57: {  	_ =	shalt  }
0x58: {  	_ =	shalt  }
0x59: {  	_ =	shalt  }
0x5a: {  	_ =	shalt  }
0x5b: {  	_ =	shalt  }
0x5c: {  	_ =	shalt  }
0x5d: {  	_ =	shalt  }
0x5e: {  	_ =	shalt  }
0x5f: {  	_ =	shalt  }
0x60: {  	_ =	shalt  }
0x61: {  	_ =	shalt  }
0x62: {  	_ =	shalt  }
0x63: {  	_ =	shalt  }
0x64: {  	_ =	shalt  }
0x65: {  	_ =	shalt  }
0x66: {  	_ =	shalt  }
0x67: {  	_ =	shalt  }
0x68: {  	_ =	shalt  }
0x69: {  	_ =	shalt  }
0x6a: {  	_ =	shalt  }
0x6b: {  	_ =	shalt  }
0x6c: {  	_ =	shalt  }
0x6d: {  	_ =	shalt  }
0x6e: {  	_ =	shalt  }
0x6f: {  	_ =	shalt  }
0x70: {  	_ =	shalt  }
0x71: {  	_ =	shalt  }
0x72: {  	_ =	shalt  }
0x73: {  	_ =	shalt  }
0x74: {  	_ =	shalt  }
0x75: {  	_ =	shalt  }
0x76: {  	_ =	shalt  }
0x77: {  	_ =	shalt  }
0x78: {  	_ =	shalt  }
0x79: {  	_ =	shalt  }
0x7a: {  	_ =	shalt  }
0x7b: {  	_ =	shalt  }
0x7c: {  	_ =	shalt  }
0x7d: {  	_ =	shalt  }
0x7e: {  	_ =	shalt  }
0x7f: {  	_ =	shalt  }
0x80: {  	_ =	shalt  }
0x81: {  	_ =	shalt  }
0x82: {  	_ =	shalt  }
0x83: {  	_ =	shalt  }
0x84: {  	_ =	shalt  }
0x85: {  	_ =	shalt  }
0x86: {  	_ =	shalt  }
0x87: {  	_ =	shalt  }
.Lfunc_end0:
.L_simem_size_0:
called_computation.2_lowered:
.L_overlay_start_0:
0x88: {  	s2 =	sld [smem:$0x3FD9]  }
0x89: {  	s3 =	sld [smem:$0x3FFE];
	_ =	sdelay $0x1  }
0x8a: {  	s1 =	srdreg.scid  }
0x8b: {  	s0 =	sand.u32 $0x1, s1  }
0x8c: {  	s17 =	sshll.u32 s0, $0xA;
	s2 =	sadd.s32 s3, s2  }
0x8d: {  	s2 =	sadd.s32 s2, s17  }
0x8e: {  	[smem:$0x3FBF] =	sst s2  }
0x8f: {  	_ = 	snop  }
0x90: {  	s2 =	sld [smem:$0x3FD0];
	(tm) =	ssettm $0x1  }
0x91: {  	s18 =	sld [smem:$0x3FFB];
	_ =	sdelay $0x3  }
0x92: {  	_ =	strace s18  }
0x93: {  	s3 =	sld [smem:$0x3FFC];
	_ =	sdelay $0x3  }
0x94: {  	_ =	strace s3  }
0x95: {  	s3 =	sld [smem:$0x3FFD];
	_ =	sdelay $0x3  }
0x96: {  	_ =	strace s3  }
0x97: {  	_ =	strace $0x8FFFFFFF  }
0x98: {  	s19 =	sld [smem:$0x3FDB];
	_ =	sdelay $0x1  }
0x99: {  	s4 =	simm.s32 $_scs_section_size  }
0x9a: {  	s5 =	simm.s32 $_size__tile_overlayer_lowered;
	s6 =	simm.s32 $_tile_overlayer_lowered  }
0x9b: {  	s22 =	simm.s32 $0x1BFF;
	s21 =	sshll.u32 s6, $0x1;
	s3 =	sadd.s32 s4, s19  }
0x9c: {  	s7 =	simm.s32 $0x0;
	s20 =	sshll.u32 s5, $0x1;
	s5 =	sadd.s32 s21, s3  }
0x9d: {  	[timem:s7], [sflag:s22] =	dma.local [hbm:s5], s20  }
0x9e: {  	_ =	swait.ge [sflag:s22], s20  }
0x9f: {  	s4 =	ssub.s32 $0x0, s20;
	[sflag:s22] =	ssyncset.done $0x0  }
0xa0: {  	[sflag:s22] =	ssyncadd.s32 s4;
	_ =	sdelay $0x1  }
0xa1: {  	s23 =	simm.s32 $0x1B8B  }
0xa2: {  	_ =	swait.ge [sflag:s23], $0x1  }
0xa3: {  	[sflag:s23] =	ssyncset.done $0x0  }
0xa4: {  	s25 =	simm.s32 $0x1B8E;
	s24 =	sld [smem:$0x3FFE];
	[sflag:s23] =	ssyncadd.s32 $0xFFFFFFFF  }
0xa5: {  	s26 =	simm.s32 $execute0_lowered;
	[smem:$0x3FD2] =	sst s25  }
0xa6: {  	s5 =	sshll.u32 s26, $0x1;
	_ =	strace $0x8000004C;
	[dreg:$0x1] =	wrdreg $0xFFFFFFFF  }
0xa7: {  	s28 =	simm.s32 $_size_execute0_lowered;
	s3 =	sadd.s32 s3, s5;
	[dreg:$0x0] =	wrdreg $0x0  }
0xa8: {  	s5 =	sshll.u32 s28, $0x1;
	[dreg:$0x2] =	wrdreg s3  }
0xa9: {  	[dreg:$0x3] =	wrdreg s5  }
0xaa: {  	[dreg:$0x4] =	wrdreg $0xC0  }
0xab: {  	_ =	task [dreg:s7], $0x5FFFF  }
0xac: {  	[dreg:$0x1] =	wrdreg $0xFFFFFFFF  }
0xad: {  	[dreg:$0x0] =	wrdreg $0x60  }
0xae: {  	[dreg:$0x2] =	wrdreg s24  }
0xaf: {  	[dreg:$0x3] =	wrdreg s2  }
0xb0: {  	[dreg:$0x4] =	wrdreg $0xBD000  }
0xb1: {  	[dreg:$0x5] =	wrdreg $0x9  }
0xb2: {  	_ =	task.clear_ibuf [dreg:s7], $0x6FFFF;
	_ =	strace $0x9000004C  }
0xb3: {  	s29 =	simm.s32 $0x9;
	_ =	strace $0x8000004E  }
0xb4: {  	_ =	swait.ge [sflag:s29], $0x1  }
0xb5: {  	[sflag:s29] =	ssyncadd.s32 $0xFFFFFFFF  }
0xb6: {  	_ =	strace $0x9000004E  }
0xb7: {  	_ =	sfence  }
0xb8: {  	s30 =	sld [smem:$0x0];
	_ =	sdelay $0x2  }
0xb9: {  	s31 =	sshll.u32 s1, $0xD;
	s1 =	sshrl.u32 s1, $0x2  }
0xba: {  	s3 =	sand.u32 $0x4000, s31;
	s1 =	sadd.s32 s1, s30  }
0xbb: {  	s0 =	sor.u32 s3, s0;
	s1 =	sshll.u32 s1, $0x11  }
0xbc: {  	s0 =	sor.u32 s1, s0  }
0xbd: {  	s0 =	sadd.s32 $0x8F2B, s0  }
0xbe: {  	[sflag:s0] =	ssyncadd.remote.s32 $0x1  }
0xbf: {  	_ =	sfence.sel $0xFFFF  }
0xc0: {  	[dreg:$0x0] =	wrdreg $0xFFFFFFFF;
	(pc) =	sbr.abs _section_cstart, $3  }
0xc1: {  	[dreg:$0x1] =	wrdreg $0xFFFFFFFF  }
0xc2: {  	_ =	task.clear_ibuf [dreg:s7], $0x2FFFF;
	_ =	strace $0x9FFFFFFF  }
0xc3: {  	(tm) =	ssettm $0x7FFFFFFF  }
tec
execute0_lowered:
.L_overlay_start_1:
0x0: {  	(tag) =	ssettag $0x1  }
0x1: {  	s6 =	rddreg [dreg:$0x0]  }
0x2: {  	s10 =	rddreg [dreg:$0x1]  }
0x3: {  	s1 =	rddreg [dreg:$0x2]  }
0x4: {  	s3 =	simm.s32 $0x0;
	s2 =	srdreg.scid;
	s0 =	stileid.u32  }
0x5: {  	s17 =	simm.s32 $0xD80;
	s18 =	simm.s32 $0x50;
	s19 =	simm.s32 $0x1D00  }
0x6: {  	s20 =	simm.s32 $0x4500;
	s21 =	simm.s32 $0xA0;
	s22 =	simm.s32 $0x6D00  }
0x7: {  	s23 =	simm.s32 $0x1;
	s24 =	simm.s32 $0x0;
	s9 =	smul.u32 $0x3E80, s0  }
0x8: {  	[smem:$0x7FF] =	sst s3;
	s7 =	sand.u32 $0x1, s2;
	s12 =	smul.u32 $0x2710, s0  }
0x9: {  	s4 =	sadd.s32 $0x1A200, s6;
	s11 =	sadd.s32 $0xC400, s6;
	s13 =	smul.u32 $0x7D000, s0  }
0xa: {  	s5 =	sadd.s32 $0x16200, s6;
	s8 =	smul.u32 $0x27100, s7;
	s7 =	ssub.s32 $0x2, s7  }
0xb: {  	p0 =	sgt.u32 s0, $0x9;
	_ =	strace $0x8000004D;
	s26 =	sshrl.u32 s7, $0x1  }
0xc: {  	s28 =	sshrl.u32 s13, $0x2;
	s9 =	sadd.s32 s9, s8;
	s8 =	sadd.s32 s12, s8  }
0xd: {  	s15 =	ssub.s32 s7, s26;
	s16 =	sadd.s32 s28, s1;
	s14 =	sadd.s32 s9, s6  }
0xe: {  	s29 =	sshrl.u32 s8, $0x3;
	s13 =	smax.u32 s15, $0x1;
	s15 =	sshrl.u32 @!p0 s16, $0x3  }
0xf: {  	s16 =	simm.s32 $0x2;
	s6 =	sadd.s32 s10, s29;
	s30 =	sadd.s32 $0x1A4, s29  }
0x10: {  	s7 =	sadd.s32 s11, s29;
	s31 =	sadd.s32 $0x348, s29;
	s12 =	sadd.s32 $0x68400, s14  }
0x11: {  	s14 =	sshll.u32 @!p0 s0, $0x6;
	s8 =	sadd.s32 s10, s30;
	s9 =	sadd.s32 s11, s30  }
0x12: {  	s10 =	sadd.s32 s10, s31;
	s11 =	sadd.s32 s11, s31;
	s14 =	sor.u32 @!p0 $0x1C02, s14  }
.LBB2_1:
0x13: {  	[spmem:s15], [sflag:s14] =	dma.local @!p0 [hbm:s5], $0x3E80  }
0x14: {  	s25 =	simm.s32 @!p0 $0x2  }
0x15: {  	_ =	swait.ge @!p0 [sflag:s25], $0x3E80  }
0x16: {  	[sflag:s25] =	ssyncset.done @!p0 $0x0  }
0x17: {  	[sflag:s25] =	ssyncadd.s32 @!p0 $0xFFFFC180  }
0x18: {  	[bflag:$0x0] =	sbarrier.arrive $0xFFFF  }
0x19: {  	[tilespmem:s3], [sflag:$0x2] =	stream.linear.gather [hbm4b:s6+s3], $0xD20, $0x38;
	[tilespmem:$0x1F580] =	vst v63  }
0x1a: {  	_ =	swait.ge [sflag:s16], $0xD20  }
0x1b: {  	[sflag:s16] =	ssyncset.done $0x0  }
0x1c: {  	[sflag:s16] =	ssyncadd.s32 $0xFFFFF2E0  }
0x1d: {  	[tilespmem:s17], [sflag:$0x2] =	stream.linear.gather [hbm4b:s7+s3], $0xD20, $0x38;
	[tilespmem:$0x1F580] =	vst v63  }
0x1e: {  	_ =	swait.ge [sflag:s16], $0xD20  }
0x1f: {  	[sflag:s16] =	ssyncset.done $0x0  }
0x20: {  	p1 =	por $0x0, $0x0;
	s25 =	simm.s32 $0x3;
	[sflag:s16] =	ssyncadd.s32 $0xFFFFF2E0  }
0x21: {  	[tilespmem:s19], [sflag:$0x1] =	stream.indirect.gather [hbm4b:s4+s18], $0x80, s3, s18, $0xb8;
	[tilespmem:$0x1F580] =	vst v63  }
0x22: {  	s25 =	sand.u32 @!p1 $0x3, s25  }
0x23: {  	[tilespmem:s20], [sflag:$0x1] =	stream.indirect.gather [hbm4b:s4+s18], $0x80, s18, s18, $0xb8;
	[tilespmem:$0x1F580] =	vst v63  }
0x24: {  	s25 =	smul.u32 @!p1 $0xA000, s25  }
0x25: {  	[tilespmem:s22], [sflag:$0x1] =	stream.indirect.gather [hbm4b:s4+s18], $0x80, s21, s18, $0xb8;
	[tilespmem:$0x1F580] =	vst v63  }
0x26: {  	s26 =	simm.s32 $0xF0;
	_ =	swait.ge [sflag:s23], $0x2800  }
0x27: {  	s28 =	simm.s32 $0xDA0;
	s25 =	sshrl.u32 @!p1 s25, $0x2;
	[sflag:s23] =	ssyncset.done $0x0  }
0x28: {  	s29 =	simm.s32 @!p1 $0x50;
	s25 =	sadd.s32 @!p1 $0x1D00, s25;
	[sflag:s23] =	ssyncadd.s32 $0xFFFFD800  }
0x29: {  	[tilespmem:s25], [sflag:$0x1] =	stream.indirect.gather @!p1 [hbm4b:s4+s29], $0x80, s26, s29, $0xb8;
	[tilespmem:$0x1F580] =	vst v63  }
0x2a: {  	v0 =	vld [tilespmem:s28+$0xFFFFFFE0];
	_ =	sdelay $0x1  }
0x2b: {  	s26 =	simm.s32 $0x0  }
0x2c: {  	s25 =	sand.u32 $0x3, s26  }
0x2d: {  	s29 =	sshll.u32 s25, $0x7  }
0x2e: {  	[tilespmem:s29+$0x1B00] =	vst v0  }
0x2f: {  	v0 =	vld [tilespmem:s28+$0xFFFFFFF0];
	_ =	sdelay $0x4  }
0x30: {  	[tilespmem:s29+$0x1B10] =	vst v0  }
0x31: {  	v0 =	vld [tilespmem:s28+$0x0];
	_ =	sdelay $0x4  }
0x32: {  	[tilespmem:s29+$0x1B20] =	vst v0  }
0x33: {  	v0 =	vld [tilespmem:s28+$0x10];
	_ =	sdelay $0x4  }
0x34: {  	[tilespmem:s29+$0x1B30] =	vst v0  }
0x35: {  	v0 =	vld [tilespmem:s28+$0x20];
	_ =	sdelay $0x1  }
0x36: {  	s25 =	smul.u32 $0xA000, s25  }
0x37: {  	s0 =	simm.s32 $0x4;
	s31 =	simm.s32 $0x1  }
0x38: {  	p2 =	por $0x0, $0x0;
	s26 =	simm.s32 $0x140;
	s30 =	sshrl.u32 s25, $0x2  }
0x39: {  	s2 =	sadd.s32 $0x1B00, s29;
	s25 =	simm.s32 $0xDF0;
	s30 =	sadd.s32 $0x1D00, s30;
	[tilespmem:s29+$0x1B40] =	vst v0  }
0x3a: {  	[spmem:s1] =	stream.indirect.scatter.add.f32 [tilespmem:s30], [sflag:$0x2], $0x80, s2, s18, $0xb8;
	[tilespmem:$0x1F580] =	vst v63  }
0x3b: {  	s28 =	simm.s32 $0x5;
	s30 =	sand.u32 $0x3, s31;
	_ =	swait.ge [sflag:s16], $0x2800  }
0x3c: {  	s29 =	sand.u32 @!p2 $0x3, s0;
	s31 =	smul.u32 $0xA000, s30;
	[sflag:s16] =	ssyncset.done $0x0  }
.LBB2_2:
0x3d: {  	s0 =	smul.u32 @!p2 $0xA000, s29  }
0x3e: {  	[sflag:s16] =	ssyncadd.s32 $0xFFFFD800;
	s29 =	smov.u32 s28;
	s28 =	sadd.s32 $0x1, s28  }
0x3f: {  	p1 =	sne.s32 s28, $0x2D;
	s2 =	sshrl.u32 s31, $0x2;
	_ =	swait.ge [sflag:s23], $0x2800  }
0x40: {  	[sflag:s23] =	ssyncset.done $0x0;
	s0 =	sshrl.u32 @!p2 s0, $0x2  }
0x41: {  	s31 =	simm.s32 @!p2 $0x50;
	[sflag:s23] =	ssyncadd.s32 $0xFFFFD800;
	s0 =	sadd.s32 @!p2 $0x1D00, s0  }
0x42: {  	[tilespmem:s0], [sflag:$0x1] =	stream.indirect.gather @!p2 [hbm4b:s4+s31], $0x80, s26, s31, $0xb8;
	[tilespmem:$0x1F580] =	vst v63  }
0x43: {  	v0 =	vld [tilespmem:s25+$0xFFFFFFE0];
	_ =	sdelay $0x3  }
0x44: {  	s0 =	sshll.u32 s30, $0x7  }
0x45: {  	[tilespmem:s0+$0x1B00] =	vst v0  }
0x46: {  	v0 =	vld [tilespmem:s25+$0xFFFFFFF0];
	_ =	sdelay $0x4  }
0x47: {  	[tilespmem:s0+$0x1B10] =	vst v0  }
0x48: {  	v0 =	vld [tilespmem:s25+$0x0];
	_ =	sdelay $0x4  }
0x49: {  	[tilespmem:s0+$0x1B20] =	vst v0  }
0x4a: {  	v0 =	vld [tilespmem:s25+$0x10];
	_ =	sdelay $0x4  }
0x4b: {  	[tilespmem:s0+$0x1B30] =	vst v0  }
0x4c: {  	v0 =	vld [tilespmem:s25+$0x20];
	_ =	sdelay $0x3  }
.Ltmp0:
0x4d: {  	s26 =	sadd.s32 $0x50, s26;
	s25 =	sadd.s32 $0x50, s25;
	(pc) =	sbr.rel @p1 .LBB2_2-.Ltmp0, $4  }
0x4e: {  	s2 =	sadd.s32 $0x1D00, s2;
	s31 =	sadd.s32 $0xFFFFFFFD, s29;
	s30 =	sadd.s32 $0x1B00, s0;
	[tilespmem:s0+$0x1B40] =	vst v0  }
0x4f: {  	[spmem:s1] =	stream.indirect.scatter.add.f32 [tilespmem:s2], [sflag:$0x2], $0x80, s30, s18, $0xb8;
	[tilespmem:$0x1F580] =	vst v63  }
0x50: {  	p2 =	sgt.u32 s31, $0x26;
	s30 =	sand.u32 $0x3, s31;
	_ =	swait.ge [sflag:s16], $0x2800  }
0x51: {  	s29 =	sand.u32 @!p2 $0x3, s29;
	s31 =	smul.u32 $0xA000, s30;
	[sflag:s16] =	ssyncset.done $0x0  }
0x52: {  	s0 =	smul.u32 @!p2 $0xA000, s29;
	[sflag:s16] =	ssyncadd.s32 $0xFFFFD800  }
0x53: {  	_ =	swait.ge [sflag:s23], $0x2800  }
0x54: {  	[sflag:s23] =	ssyncset.done $0x0;
	s0 =	sshrl.u32 @!p2 s0, $0x2  }
0x55: {  	s2 =	simm.s32 @!p2 $0x50;
	[sflag:s23] =	ssyncadd.s32 $0xFFFFD800;
	s0 =	sadd.s32 @!p2 $0x1D00, s0  }
0x56: {  	[tilespmem:s0], [sflag:$0x1] =	stream.indirect.gather @!p2 [hbm4b:s4+s2], $0x80, s26, s2, $0xb8;
	[tilespmem:$0x1F580] =	vst v63  }
0x57: {  	v0 =	vld [tilespmem:s25+$0xFFFFFFE0];
	_ =	sdelay $0x3  }
0x58: {  	s0 =	sshll.u32 s30, $0x7  }
0x59: {  	[tilespmem:s0+$0x1B00] =	vst v0  }
0x5a: {  	v0 =	vld [tilespmem:s25+$0xFFFFFFF0];
	_ =	sdelay $0x4  }
0x5b: {  	[tilespmem:s0+$0x1B10] =	vst v0  }
0x5c: {  	v0 =	vld [tilespmem:s25+$0x0];
	_ =	sdelay $0x4  }
0x5d: {  	[tilespmem:s0+$0x1B20] =	vst v0  }
0x5e: {  	v0 =	vld [tilespmem:s25+$0x10];
	_ =	sdelay $0x4  }
0x5f: {  	[tilespmem:s0+$0x1B30] =	vst v0  }
0x60: {  	v0 =	vld [tilespmem:s25+$0x20];
	_ =	sdelay $0x3  }
0x61: {  	s25 =	sshrl.u32 s31, $0x2  }
0x62: {  	s26 =	sadd.s32 $0x1B00, s0;
	s2 =	sadd.s32 $0x1D00, s25;
	[tilespmem:s0+$0x1B40] =	vst v0  }
0x63: {  	[spmem:s1] =	stream.indirect.scatter.add.f32 [tilespmem:s2], [sflag:$0x2], $0x80, s26, s18, $0xb8;
	[tilespmem:$0x1F580] =	vst v63  }
0x64: {  	_ =	swait.ge [sflag:s16], $0x2800  }
0x65: {  	[sflag:s16] =	ssyncset.done $0x0  }
0x66: {  	[sflag:s16] =	ssyncadd.s32 $0xFFFFD800  }
0x67: {  	[tilespmem:s3], [sflag:$0x2] =	stream.linear.gather [hbm4b:s8+s3], $0xD20, $0x38;
	[tilespmem:$0x1F580] =	vst v63  }
0x68: {  	_ =	swait.ge [sflag:s16], $0xD20  }
0x69: {  	[sflag:s16] =	ssyncset.done $0x0  }
0x6a: {  	[sflag:s16] =	ssyncadd.s32 $0xFFFFF2E0  }
0x6b: {  	[tilespmem:s17], [sflag:$0x2] =	stream.linear.gather [hbm4b:s9+s3], $0xD20, $0x38;
	[tilespmem:$0x1F580] =	vst v63  }
0x6c: {  	_ =	swait.ge [sflag:s16], $0xD20  }
0x6d: {  	[sflag:s16] =	ssyncset.done $0x0  }
0x6e: {  	p1 =	por $0x0, $0x0;
	s0 =	simm.s32 $0x3;
	[sflag:s16] =	ssyncadd.s32 $0xFFFFF2E0  }
0x6f: {  	[tilespmem:s19], [sflag:$0x1] =	stream.indirect.gather [hbm4b:s4+s18], $0x80, s3, s18, $0xb8;
	[tilespmem:$0x1F580] =	vst v63  }
0x70: {  	s0 =	sand.u32 @!p1 $0x3, s0  }
0x71: {  	[tilespmem:s20], [sflag:$0x1] =	stream.indirect.gather [hbm4b:s4+s18], $0x80, s18, s18, $0xb8;
	[tilespmem:$0x1F580] =	vst v63  }
0x72: {  	s0 =	smul.u32 @!p1 $0xA000, s0  }
0x73: {  	[tilespmem:s22], [sflag:$0x1] =	stream.indirect.gather [hbm4b:s4+s18], $0x80, s21, s18, $0xb8;
	[tilespmem:$0x1F580] =	vst v63  }
0x74: {  	s25 =	simm.s32 $0xDA0;
	_ =	swait.ge [sflag:s23], $0x2800  }
0x75: {  	s2 =	simm.s32 $0xF0;
	s0 =	sshrl.u32 @!p1 s0, $0x2;
	[sflag:s23] =	ssyncset.done $0x0  }
0x76: {  	s26 =	simm.s32 @!p1 $0x50;
	s0 =	sadd.s32 @!p1 $0x1D00, s0;
	[sflag:s23] =	ssyncadd.s32 $0xFFFFD800  }
0x77: {  	[tilespmem:s0], [sflag:$0x1] =	stream.indirect.gather @!p1 [hbm4b:s4+s26], $0x80, s2, s26, $0xb8;
	[tilespmem:$0x1F580] =	vst v63  }
0x78: {  	v63 =	vld [tilespmem:s25+$0xFFFFFFE0];
	_ =	sdelay $0x1  }
0x79: {  	s26 =	simm.s32 $0x0  }
0x7a: {  	s0 =	sand.u32 $0x3, s26  }
0x7b: {  	s2 =	sshll.u32 s0, $0x7  }
0x7c: {  	[tilespmem:s2+$0x1B00] =	vst v63  }
0x7d: {  	v0 =	vld [tilespmem:s25+$0xFFFFFFF0];
	_ =	sdelay $0x4  }
0x7e: {  	[tilespmem:s2+$0x1B10] =	vst v0  }
0x7f: {  	v0 =	vld [tilespmem:s25+$0x0];
	_ =	sdelay $0x4  }
0x80: {  	[tilespmem:s2+$0x1B20] =	vst v0  }
0x81: {  	v0 =	vld [tilespmem:s25+$0x10];
	_ =	sdelay $0x4  }
0x82: {  	[tilespmem:s2+$0x1B30] =	vst v0  }
0x83: {  	v0 =	vld [tilespmem:s25+$0x20];
	_ =	sdelay $0x1  }
0x84: {  	s0 =	smul.u32 $0xA000, s0  }
0x85: {  	s29 =	simm.s32 $0x4;
	s28 =	simm.s32 $0x5  }
0x86: {  	s30 =	simm.s32 $0x1;
	p2 =	por $0x0, $0x0;
	s0 =	sshrl.u32 s0, $0x2  }
0x87: {  	s30 =	sand.u32 $0x3, s30;
	s31 =	sadd.s32 $0x1B00, s2;
	s0 =	sadd.s32 $0x1D00, s0;
	[tilespmem:s2+$0x1B40] =	vst v0  }
0x88: {  	[spmem:s1] =	stream.indirect.scatter.add.f32 [tilespmem:s0], [sflag:$0x2], $0x80, s31, s18, $0xb8;
	[tilespmem:$0x1F580] =	vst v63  }
0x89: {  	s29 =	sand.u32 @!p2 $0x3, s29;
	s26 =	simm.s32 $0x140;
	_ =	swait.ge [sflag:s16], $0x2800  }
0x8a: {  	s25 =	simm.s32 $0xDF0;
	s31 =	smul.u32 $0xA000, s30;
	[sflag:s16] =	ssyncset.done $0x0  }
.LBB2_4:
0x8b: {  	s0 =	smul.u32 @!p2 $0xA000, s29  }
0x8c: {  	[sflag:s16] =	ssyncadd.s32 $0xFFFFD800;
	s29 =	smov.u32 s28;
	s28 =	sadd.s32 $0x1, s28  }
0x8d: {  	p1 =	sne.s32 s28, $0x2D;
	s2 =	sshrl.u32 s31, $0x2;
	_ =	swait.ge [sflag:s23], $0x2800  }
0x8e: {  	[sflag:s23] =	ssyncset.done $0x0;
	s0 =	sshrl.u32 @!p2 s0, $0x2  }
0x8f: {  	s31 =	simm.s32 @!p2 $0x50;
	[sflag:s23] =	ssyncadd.s32 $0xFFFFD800;
	s0 =	sadd.s32 @!p2 $0x1D00, s0  }
0x90: {  	[tilespmem:s0], [sflag:$0x1] =	stream.indirect.gather @!p2 [hbm4b:s4+s31], $0x80, s26, s31, $0xb8;
	[tilespmem:$0x1F580] =	vst v63  }
0x91: {  	v0 =	vld [tilespmem:s25+$0xFFFFFFE0];
	_ =	sdelay $0x3  }
0x92: {  	s0 =	sshll.u32 s30, $0x7  }
0x93: {  	[tilespmem:s0+$0x1B00] =	vst v0  }
0x94: {  	v0 =	vld [tilespmem:s25+$0xFFFFFFF0];
	_ =	sdelay $0x4  }
0x95: {  	[tilespmem:s0+$0x1B10] =	vst v0  }
0x96: {  	v0 =	vld [tilespmem:s25+$0x0];
	_ =	sdelay $0x4  }
0x97: {  	[tilespmem:s0+$0x1B20] =	vst v0  }
0x98: {  	v0 =	vld [tilespmem:s25+$0x10];
	_ =	sdelay $0x4  }
0x99: {  	[tilespmem:s0+$0x1B30] =	vst v0  }
0x9a: {  	v0 =	vld [tilespmem:s25+$0x20];
	_ =	sdelay $0x3  }
.Ltmp1:
0x9b: {  	s26 =	sadd.s32 $0x50, s26;
	s25 =	sadd.s32 $0x50, s25;
	(pc) =	sbr.rel @p1 .LBB2_4-.Ltmp1, $4  }
0x9c: {  	s2 =	sadd.s32 $0x1D00, s2;
	s31 =	sadd.s32 $0xFFFFFFFD, s29;
	s30 =	sadd.s32 $0x1B00, s0;
	[tilespmem:s0+$0x1B40] =	vst v0  }
0x9d: {  	[spmem:s1] =	stream.indirect.scatter.add.f32 [tilespmem:s2], [sflag:$0x2], $0x80, s30, s18, $0xb8;
	[tilespmem:$0x1F580] =	vst v63  }
0x9e: {  	p2 =	sgt.u32 s31, $0x26;
	s30 =	sand.u32 $0x3, s31;
	_ =	swait.ge [sflag:s16], $0x2800  }
0x9f: {  	s29 =	sand.u32 @!p2 $0x3, s29;
	s31 =	smul.u32 $0xA000, s30;
	[sflag:s16] =	ssyncset.done $0x0  }
0xa0: {  	s0 =	smul.u32 @!p2 $0xA000, s29;
	[sflag:s16] =	ssyncadd.s32 $0xFFFFD800  }
0xa1: {  	_ =	swait.ge [sflag:s23], $0x2800  }
0xa2: {  	[sflag:s23] =	ssyncset.done $0x0;
	s0 =	sshrl.u32 @!p2 s0, $0x2  }
0xa3: {  	s2 =	simm.s32 @!p2 $0x50;
	[sflag:s23] =	ssyncadd.s32 $0xFFFFD800;
	s0 =	sadd.s32 @!p2 $0x1D00, s0  }
0xa4: {  	[tilespmem:s0], [sflag:$0x1] =	stream.indirect.gather @!p2 [hbm4b:s4+s2], $0x80, s26, s2, $0xb8;
	[tilespmem:$0x1F580] =	vst v63  }
0xa5: {  	v0 =	vld [tilespmem:s25+$0xFFFFFFE0];
	_ =	sdelay $0x3  }
0xa6: {  	s0 =	sshll.u32 s30, $0x7  }
0xa7: {  	[tilespmem:s0+$0x1B00] =	vst v0  }
0xa8: {  	v0 =	vld [tilespmem:s25+$0xFFFFFFF0];
	_ =	sdelay $0x4  }
0xa9: {  	[tilespmem:s0+$0x1B10] =	vst v0  }
0xaa: {  	v0 =	vld [tilespmem:s25+$0x0];
	_ =	sdelay $0x4  }
0xab: {  	[tilespmem:s0+$0x1B20] =	vst v0  }
0xac: {  	v0 =	vld [tilespmem:s25+$0x10];
	_ =	sdelay $0x4  }
0xad: {  	[tilespmem:s0+$0x1B30] =	vst v0  }
0xae: {  	v0 =	vld [tilespmem:s25+$0x20];
	_ =	sdelay $0x3  }
0xaf: {  	s25 =	sshrl.u32 s31, $0x2  }
0xb0: {  	s26 =	sadd.s32 $0x1B00, s0;
	s2 =	sadd.s32 $0x1D00, s25;
	[tilespmem:s0+$0x1B40] =	vst v0  }
0xb1: {  	[spmem:s1] =	stream.indirect.scatter.add.f32 [tilespmem:s2], [sflag:$0x2], $0x80, s26, s18, $0xb8;
	[tilespmem:$0x1F580] =	vst v63  }
0xb2: {  	_ =	swait.ge [sflag:s16], $0x2800  }
0xb3: {  	[sflag:s16] =	ssyncset.done $0x0  }
0xb4: {  	[sflag:s16] =	ssyncadd.s32 $0xFFFFD800  }
0xb5: {  	[tilespmem:s3], [sflag:$0x2] =	stream.linear.gather [hbm4b:s10+s3], $0xCD0, $0x38;
	[tilespmem:$0x1F580] =	vst v63  }
0xb6: {  	_ =	swait.ge [sflag:s16], $0xCD0  }
0xb7: {  	[sflag:s16] =	ssyncset.done $0x0  }
0xb8: {  	[sflag:s16] =	ssyncadd.s32 $0xFFFFF330  }
0xb9: {  	[tilespmem:s17], [sflag:$0x2] =	stream.linear.gather [hbm4b:s11+s3], $0xCD0, $0x38;
	[tilespmem:$0x1F580] =	vst v63  }
0xba: {  	_ =	swait.ge [sflag:s16], $0xCD0  }
0xbb: {  	[sflag:s16] =	ssyncset.done $0x0  }
0xbc: {  	p1 =	por $0x0, $0x0;
	s0 =	simm.s32 $0x3;
	[sflag:s16] =	ssyncadd.s32 $0xFFFFF330  }
0xbd: {  	[tilespmem:s19], [sflag:$0x1] =	stream.indirect.gather [hbm4b:s4+s18], $0x80, s3, s18, $0xb8;
	[tilespmem:$0x1F580] =	vst v63  }
0xbe: {  	s0 =	sand.u32 @!p1 $0x3, s0  }
0xbf: {  	[tilespmem:s20], [sflag:$0x1] =	stream.indirect.gather [hbm4b:s4+s18], $0x80, s18, s18, $0xb8;
	[tilespmem:$0x1F580] =	vst v63  }
0xc0: {  	s0 =	smul.u32 @!p1 $0xA000, s0  }
0xc1: {  	[tilespmem:s22], [sflag:$0x1] =	stream.indirect.gather [hbm4b:s4+s18], $0x80, s21, s18, $0xb8;
	[tilespmem:$0x1F580] =	vst v63  }
0xc2: {  	s25 =	simm.s32 $0xDA0;
	_ =	swait.ge [sflag:s23], $0x2800  }
0xc3: {  	s2 =	simm.s32 $0xF0;
	s0 =	sshrl.u32 @!p1 s0, $0x2;
	[sflag:s23] =	ssyncset.done $0x0  }
0xc4: {  	s26 =	simm.s32 @!p1 $0x50;
	s0 =	sadd.s32 @!p1 $0x1D00, s0;
	[sflag:s23] =	ssyncadd.s32 $0xFFFFD800  }
0xc5: {  	[tilespmem:s0], [sflag:$0x1] =	stream.indirect.gather @!p1 [hbm4b:s4+s26], $0x80, s2, s26, $0xb8;
	[tilespmem:$0x1F580] =	vst v63  }
0xc6: {  	v63 =	vld [tilespmem:s25+$0xFFFFFFE0];
	_ =	sdelay $0x1  }
0xc7: {  	s26 =	simm.s32 $0x0  }
0xc8: {  	s0 =	sand.u32 $0x3, s26  }
0xc9: {  	s2 =	sshll.u32 s0, $0x7  }
0xca: {  	[tilespmem:s2+$0x1B00] =	vst v63  }
0xcb: {  	v0 =	vld [tilespmem:s25+$0xFFFFFFF0];
	_ =	sdelay $0x4  }
0xcc: {  	[tilespmem:s2+$0x1B10] =	vst v0  }
0xcd: {  	v0 =	vld [tilespmem:s25+$0x0];
	_ =	sdelay $0x4  }
0xce: {  	[tilespmem:s2+$0x1B20] =	vst v0  }
0xcf: {  	v0 =	vld [tilespmem:s25+$0x10];
	_ =	sdelay $0x4  }
0xd0: {  	[tilespmem:s2+$0x1B30] =	vst v0  }
0xd1: {  	v0 =	vld [tilespmem:s25+$0x20];
	_ =	sdelay $0x1  }
0xd2: {  	s0 =	smul.u32 $0xA000, s0  }
0xd3: {  	s29 =	simm.s32 $0x4;
	s28 =	simm.s32 $0x5  }
0xd4: {  	s30 =	simm.s32 $0x1;
	p2 =	por $0x0, $0x0;
	s0 =	sshrl.u32 s0, $0x2  }
0xd5: {  	s30 =	sand.u32 $0x3, s30;
	s31 =	sadd.s32 $0x1B00, s2;
	s0 =	sadd.s32 $0x1D00, s0;
	[tilespmem:s2+$0x1B40] =	vst v0  }
0xd6: {  	[spmem:s1] =	stream.indirect.scatter.add.f32 [tilespmem:s0], [sflag:$0x2], $0x80, s31, s18, $0xb8;
	[tilespmem:$0x1F580] =	vst v63  }
0xd7: {  	s29 =	sand.u32 @!p2 $0x3, s29;
	s26 =	simm.s32 $0x140;
	_ =	swait.ge [sflag:s16], $0x2800  }
0xd8: {  	s25 =	simm.s32 $0xDF0;
	s31 =	smul.u32 $0xA000, s30;
	[sflag:s16] =	ssyncset.done $0x0  }
.LBB2_6:
0xd9: {  	s0 =	smul.u32 @!p2 $0xA000, s29  }
0xda: {  	[sflag:s16] =	ssyncadd.s32 $0xFFFFD800;
	s29 =	smov.u32 s28;
	s28 =	sadd.s32 $0x1, s28  }
0xdb: {  	p1 =	sne.s32 s28, $0x2C;
	s2 =	sshrl.u32 s31, $0x2;
	_ =	swait.ge [sflag:s23], $0x2800  }
0xdc: {  	[sflag:s23] =	ssyncset.done $0x0;
	s0 =	sshrl.u32 @!p2 s0, $0x2  }
0xdd: {  	s31 =	simm.s32 @!p2 $0x50;
	[sflag:s23] =	ssyncadd.s32 $0xFFFFD800;
	s0 =	sadd.s32 @!p2 $0x1D00, s0  }
0xde: {  	[tilespmem:s0], [sflag:$0x1] =	stream.indirect.gather @!p2 [hbm4b:s4+s31], $0x80, s26, s31, $0xb8;
	[tilespmem:$0x1F580] =	vst v63  }
0xdf: {  	v0 =	vld [tilespmem:s25+$0xFFFFFFE0];
	_ =	sdelay $0x3  }
0xe0: {  	s0 =	sshll.u32 s30, $0x7  }
0xe1: {  	[tilespmem:s0+$0x1B00] =	vst v0  }
0xe2: {  	v0 =	vld [tilespmem:s25+$0xFFFFFFF0];
	_ =	sdelay $0x4  }
0xe3: {  	[tilespmem:s0+$0x1B10] =	vst v0  }
0xe4: {  	v0 =	vld [tilespmem:s25+$0x0];
	_ =	sdelay $0x4  }
0xe5: {  	[tilespmem:s0+$0x1B20] =	vst v0  }
0xe6: {  	v0 =	vld [tilespmem:s25+$0x10];
	_ =	sdelay $0x4  }
0xe7: {  	[tilespmem:s0+$0x1B30] =	vst v0  }
0xe8: {  	v0 =	vld [tilespmem:s25+$0x20];
	_ =	sdelay $0x3  }
.Ltmp2:
0xe9: {  	s26 =	sadd.s32 $0x50, s26;
	s25 =	sadd.s32 $0x50, s25;
	(pc) =	sbr.rel @p1 .LBB2_6-.Ltmp2, $4  }
0xea: {  	s2 =	sadd.s32 $0x1D00, s2;
	s31 =	sadd.s32 $0xFFFFFFFD, s29;
	s30 =	sadd.s32 $0x1B00, s0;
	[tilespmem:s0+$0x1B40] =	vst v0  }
0xeb: {  	[spmem:s1] =	stream.indirect.scatter.add.f32 [tilespmem:s2], [sflag:$0x2], $0x80, s30, s18, $0xb8;
	[tilespmem:$0x1F580] =	vst v63  }
0xec: {  	p2 =	sgt.u32 s31, $0x25;
	s30 =	sand.u32 $0x3, s31;
	_ =	swait.ge [sflag:s16], $0x2800  }
0xed: {  	s29 =	sand.u32 @!p2 $0x3, s29;
	s31 =	smul.u32 $0xA000, s30;
	[sflag:s16] =	ssyncset.done $0x0  }
0xee: {  	s0 =	smul.u32 @!p2 $0xA000, s29;
	[sflag:s16] =	ssyncadd.s32 $0xFFFFD800  }
0xef: {  	_ =	swait.ge [sflag:s23], $0x2800  }
0xf0: {  	[sflag:s23] =	ssyncset.done $0x0;
	s0 =	sshrl.u32 @!p2 s0, $0x2  }
0xf1: {  	s2 =	simm.s32 @!p2 $0x50;
	[sflag:s23] =	ssyncadd.s32 $0xFFFFD800;
	s0 =	sadd.s32 @!p2 $0x1D00, s0  }
0xf2: {  	[tilespmem:s0], [sflag:$0x1] =	stream.indirect.gather @!p2 [hbm4b:s4+s2], $0x80, s26, s2, $0xb8;
	[tilespmem:$0x1F580] =	vst v63  }
0xf3: {  	v0 =	vld [tilespmem:s25+$0xFFFFFFE0];
	_ =	sdelay $0x3  }
0xf4: {  	s29 =	sshll.u32 s30, $0x7  }
0xf5: {  	[tilespmem:s29+$0x1B00] =	vst v0  }
0xf6: {  	v0 =	vld [tilespmem:s25+$0xFFFFFFF0];
	_ =	sdelay $0x4  }
0xf7: {  	[tilespmem:s29+$0x1B10] =	vst v0  }
0xf8: {  	v0 =	vld [tilespmem:s25+$0x0];
	_ =	sdelay $0x4  }
0xf9: {  	[tilespmem:s29+$0x1B20] =	vst v0  }
0xfa: {  	v0 =	vld [tilespmem:s25+$0x10];
	_ =	sdelay $0x4  }
0xfb: {  	[tilespmem:s29+$0x1B30] =	vst v0  }
0xfc: {  	v0 =	vld [tilespmem:s25+$0x20];
	_ =	sdelay $0x3  }
0xfd: {  	s30 =	sshrl.u32 s31, $0x2  }
0xfe: {  	s31 =	sadd.s32 $0x1B00, s29;
	s2 =	sadd.s32 $0x1D00, s30;
	[tilespmem:s29+$0x1B40] =	vst v0  }
0xff: {  	[spmem:s1] =	stream.indirect.scatter.add.f32 [tilespmem:s2], [sflag:$0x2], $0x80, s31, s18, $0xb8;
	[tilespmem:$0x1F580] =	vst v63  }
0x100: {  	_ =	swait.ge [sflag:s16], $0x2800  }
0x101: {  	s24 =	sadd.s32 $0x1, s24;
	[sflag:s16] =	ssyncset.done $0x0  }
0x102: {  	p1 =	sne.s32 s24, s13;
	[sflag:s16] =	ssyncadd.s32 $0xFFFFD800  }
.Ltmp3:
0x103: {  	s0 =	simm.s32 @!p0 $0x2;
	[bflag:$0x0] =	sbarrier.arrive $0xFFFF;
	(pc) =	sbr.rel @p1 .LBB2_1-.Ltmp3, $4  }
0x104: {  	[hbm:s12], [sflag:s14] =	dma.local @!p0 [spmem:s15], $0x3E80  }
0x105: {  	_ =	swait.ge @!p0 [sflag:s0], $0x3E80  }
0x106: {  	[sflag:s0] =	ssyncset.done @!p0 $0x0  }
0x107: {  	[sflag:s0] =	ssyncadd.s32 @!p0 $0xFFFFC180  }
0x108: {  	_ =	sfence.sel $0x180000  }
0x109: {  	[bflag:$0x0] =	sbarrier.arrive $0xFFFF  }
0x10a: {  	_ =	strace $0x9000004D  }
0x10b: {  	s0 =	stileid.u32;
	[bflag:$0x2] =	sbarrier.arrive $0xFFFF  }
0x10c: {  	p0 =	sne.s32 s0, $0x0;
	s0 =	rddreg [dreg:$0x3]  }
0x10d: {  	s0 =	sadd.s32 @!p0 $0x100000, s0  }
0x10e: {  	[sflag:s0] =	ssyncadd.tile.s32 @!p0 $0x1;
	_ =	shalt  }
.Lfunc_end2:
_tile_overlayer_lowered:
.L_overlay_start_2:
0x10f: {  	(tag) =	ssettag $0x2  }
0x110: {  	s0 =	rddreg [dreg:$0x0];
	s2 =	stileid.u32  }
0x111: {  	s1 =	rddreg [dreg:$0x1];
	p0 =	sne.s32 s2, $0x0  }
0x112: {  	s3 =	rddreg [dreg:$0x2];
	[bflag:$0x3] =	sbarrier.arrive $0xFFFF;
	s2 =	simm.s32 @!p0 $0x1C02  }
0x113: {  	[timem:s3], [sflag:s2] =	dma.local @!p0 [hbm:s0], s1  }
0x114: {  	s0 =	simm.s32 @!p0 $0x2  }
0x115: {  	_ =	swait.ge @!p0 [sflag:s0], s1  }
0x116: {  	s1 =	ssub.s32 @!p0 $0x0, s1;
	[sflag:s0] =	ssyncset.done @!p0 $0x0  }
0x117: {  	[sflag:s0] =	ssyncadd.s32 @!p0 s1  }
0x118: {  	[bflag:$0x3] =	sbarrier.arrive $0xFFFF  }
0x119: {  	_ =	shalt  }

// kernel: kernel.8.cloned.1.call-start
scs
__scs_entry_jumppad:
0x0: {  	(pc) =	sbr.rel $0x88, $3  }
0x1: {  	(tag) =	ssettag $0x0;
	lr =	simm.s32 $0x1  }
0x2: {  	[smem:$0x3F98] =	sst lr;
	_ =	strace $0xD0000000  }
0x3: {  	_ = 	snop  }
0x4: {  	_ = 	snop  }
0x5: {  	_ = 	snop  }
0x6: {  	_ = 	snop  }
0x7: {  	_ = 	snop  }
__scs_overlays_trampoline_lowered:
0x8: {  	[smem:$0x3FA7] =	sst s0  }
0x9: {  	[smem:$0x3FA8] =	sst s1  }
0xa: {  	[smem:$0x3FA9] =	sst s2  }
0xb: {  	[smem:$0x3FAA] =	sst s3  }
0xc: {  	[smem:$0x3FAB] =	sst s4  }
0xd: {  	[smem:$0x3FAC] =	sst s5  }
0xe: {  	[smem:$0x3FAD] =	sst s6  }
0xf: {  	[smem:$0x3FAE] =	sst s7  }
0x10: {  	[smem:$0x3FAF] =	sst s8  }
0x11: {  	[smem:$0x3FB0] =	sst s9;
	s0 =	simm.s32 @!p0 $0x0  }
0x12: {  	s1 =	sld [smem:$0x3F96];
	s0 =	simm.s32 @p0 $0x1  }
0x13: {  	[smem:$0x3FB1] =	sst s0;
	s0 =	simm.s32 @!p1 $0x0  }
0x14: {  	s2 =	sld [smem:$0x3F95];
	s0 =	simm.s32 @p1 $0x1  }
0x15: {  	[smem:$0x3FB2] =	sst s0;
	s0 =	simm.s32 @!p2 $0x0  }
0x16: {  	s3 =	sld [smem:$0x3FDB];
	s0 =	simm.s32 @p2 $0x1  }
0x17: {  	s4 =	simm.s32 $0x1BF5;
	[smem:$0x3FB4] =	sst s0  }
0x18: {  	s0 =	sld [smem:$0x3F97];
	_ =	swait.ge [sflag:s4], $0x0  }
0x19: {  	s7 =	sld [smem:$0x3F98]  }
0x1a: {  	s8 =	sadd.s32 $0xFFFFE003, lr  }
0x1b: {  	s9 =	sadd.s32 $0xFFFFFEF7, lr;
	s5 =	simm.s32 $0xFFFFFFFF;
	p2 =	slt.u32 s8, $0xFFFFF086  }
0x1c: {  	p1 =	slt.u32 s9, $0xF7A;
	s5 =	simm.s32 @!p2 $0x0  }
0x1d: {  	s5 =	simm.s32 @p1 $0x1;
	p0 =	seq.s32 s7, s2  }
0x1e: {  	s7 =	smul.u32 @!p0 $0xF7A, s2;
	p2 =	seq.s32 @!p0 s5, $0x0  }
0x1f: {  	s9 =	smul.u32 $0xF7A, s1;
	s8 =	simm.s32 @!p0 $0x1BF5;
	p2 =	por !p2, p0  }
0x20: {  	[sflag:s8] =	ssyncset.s32 @!p0 $0xFFFFF086;
	s6 =	sadd.s32 @!p0 s3, s7;
	s7 =	simm.s32 @!p0 $0x108  }
0x21: {  	s3 =	sadd.s32 s3, s9;
	s6 =	sadd.s32 @!p0 $0x88, s6;
	s7 =	simm.s32 @p2 $0x1082  }
0x22: {  	[simem:s7], [sflag:s8] =	dma.local @!p0 [hbm:s6], $0xF7A  }
0x23: {  	s9 =	sor.u32 $0xD0000000, s2;
	s6 =	simm.s32 $0x108;
	_ =	swait.ge @!p0 [sflag:s8], $0x0  }
0x24: {  	s3 =	sadd.s32 $0x88, s3;
	s6 =	simm.s32 @!p1 $0x1082;
	[sflag:s4] =	ssyncset.s32 $0xFFFFF086  }
0x25: {  	[simem:s6], [sflag:s4] =	dma.local [hbm:s3], $0xF7A  }
0x26: {  	[smem:$0x3F98] =	sst s1;
	(tag) =	ssettag s2;
	_ =	strace s9  }
0x27: {  	s1 =	sld [smem:$0x3FA8]  }
0x28: {  	s2 =	sld [smem:$0x3FA9]  }
0x29: {  	s4 =	sld [smem:$0x3FAB]  }
0x2a: {  	p0 =	seq.s32 s5, $0x0;
	s5 =	sld [smem:$0x3FAC]  }
0x2b: {  	s6 =	sld [smem:$0x3FAD]  }
0x2c: {  	s7 =	sld [smem:$0x3FAE]  }
0x2d: {  	s3 =	simm.s32 $0x108;
	s8 =	sld [smem:$0x3FAF]  }
0x2e: {  	s3 =	simm.s32 @!p0 $0x1082;
	s9 =	sld [smem:$0x3FB0]  }
0x2f: {  	lr =	sadd.s32 s0, s3;
	s0 =	sld [smem:$0x3FA7]  }
0x30: {  	s3 =	sld [smem:$0x3FAA]  }
0x31: {  	[smem:$0x3FB3] =	sst s10  }
0x32: {  	s10 =	sld [smem:$0x3FB1];
	_ =	sdelay $0x3  }
0x33: {  	p0 =	seq.s32 s10, $0x1;
	s10 =	sld [smem:$0x3FB3];
	_ =	sdelay $0x3  }
0x34: {  	[smem:$0x3FB3] =	sst s10  }
0x35: {  	s10 =	sld [smem:$0x3FB2];
	_ =	sdelay $0x3  }
0x36: {  	p1 =	seq.s32 s10, $0x1;
	s10 =	sld [smem:$0x3FB3];
	_ =	sdelay $0x3  }
0x37: {  	[smem:$0x3FB3] =	sst s10  }
0x38: {  	s10 =	sld [smem:$0x3FB4]  }
0x39: {  	_ = 	snop;
	(pc) =	sbr.ind lr, $3  }
0x3a: {  	_ = 	snop  }
0x3b: {  	_ = 	snop  }
0x3c: {  	p2 =	seq.s32 s10, $0x1;
	s10 =	sld [smem:$0x3FB3]  }
0x3d: {  	_ =	shalt  }
0x3e: {  	_ =	shalt  }
0x3f: {  	_ =	shalt  }
0x40: {  	_ =	shalt  }
0x41: {  	_ =	shalt  }
0x42: {  	_ =	shalt  }
0x43: {  	_ =	shalt  }
0x44: {  	_ =	shalt  }
0x45: {  	_ =	shalt  }
0x46: {  	_ =	shalt  }
0x47: {  	_ =	shalt  }
0x48: {  	_ =	shalt  }
0x49: {  	_ =	shalt  }
0x4a: {  	_ =	shalt  }
0x4b: {  	_ =	shalt  }
0x4c: {  	_ =	shalt  }
0x4d: {  	_ =	shalt  }
0x4e: {  	_ =	shalt  }
0x4f: {  	_ =	shalt  }
0x50: {  	_ =	shalt  }
0x51: {  	_ =	shalt  }
0x52: {  	_ =	shalt  }
0x53: {  	_ =	shalt  }
0x54: {  	_ =	shalt  }
0x55: {  	_ =	shalt  }
0x56: {  	_ =	shalt  }
0x57: {  	_ =	shalt  }
0x58: {  	_ =	shalt  }
0x59: {  	_ =	shalt  }
0x5a: {  	_ =	shalt  }
0x5b: {  	_ =	shalt  }
0x5c: {  	_ =	shalt  }
0x5d: {  	_ =	shalt  }
0x5e: {  	_ =	shalt  }
0x5f: {  	_ =	shalt  }
0x60: {  	_ =	shalt  }
0x61: {  	_ =	shalt  }
0x62: {  	_ =	shalt  }
0x63: {  	_ =	shalt  }
0x64: {  	_ =	shalt  }
0x65: {  	_ =	shalt  }
0x66: {  	_ =	shalt  }
0x67: {  	_ =	shalt  }
0x68: {  	_ =	shalt  }
0x69: {  	_ =	shalt  }
0x6a: {  	_ =	shalt  }
0x6b: {  	_ =	shalt  }
0x6c: {  	_ =	shalt  }
0x6d: {  	_ =	shalt  }
0x6e: {  	_ =	shalt  }
0x6f: {  	_ =	shalt  }
0x70: {  	_ =	shalt  }
0x71: {  	_ =	shalt  }
0x72: {  	_ =	shalt  }
0x73: {  	_ =	shalt  }
0x74: {  	_ =	shalt  }
0x75: {  	_ =	shalt  }
0x76: {  	_ =	shalt  }
0x77: {  	_ =	shalt  }
0x78: {  	_ =	shalt  }
0x79: {  	_ =	shalt  }
0x7a: {  	_ =	shalt  }
0x7b: {  	_ =	shalt  }
0x7c: {  	_ =	shalt  }
0x7d: {  	_ =	shalt  }
0x7e: {  	_ =	shalt  }
0x7f: {  	_ =	shalt  }
0x80: {  	_ =	shalt  }
0x81: {  	_ =	shalt  }
0x82: {  	_ =	shalt  }
0x83: {  	_ =	shalt  }
0x84: {  	_ =	shalt  }
0x85: {  	_ =	shalt  }
0x86: {  	_ =	shalt  }
0x87: {  	_ =	shalt  }
.Lfunc_end0:
.L_simem_size_0:
called_computation_lowered:
.L_overlay_start_0:
0x88: {  	s2 =	sld [smem:$0x3FD9]  }
0x89: {  	s3 =	sld [smem:$0x3FFE];
	_ =	sdelay $0x1  }
0x8a: {  	s1 =	srdreg.scid  }
0x8b: {  	s0 =	sand.u32 $0x1, s1  }
0x8c: {  	s16 =	sshll.u32 s0, $0xA;
	s2 =	sadd.s32 s3, s2  }
0x8d: {  	s2 =	sadd.s32 s2, s16  }
0x8e: {  	[smem:$0x3FBF] =	sst s2  }
0x8f: {  	_ = 	snop  }
0x90: {  	(tm) =	ssettm $0x1  }
0x91: {  	s17 =	sld [smem:$0x3FFB];
	_ =	sdelay $0x3  }
0x92: {  	_ =	strace s17  }
0x93: {  	s2 =	sld [smem:$0x3FFC];
	_ =	sdelay $0x3  }
0x94: {  	_ =	strace s2  }
0x95: {  	s2 =	sld [smem:$0x3FFD];
	_ =	sdelay $0x3  }
0x96: {  	_ =	strace s2  }
0x97: {  	_ =	strace $0x8FFFFFFF  }
0x98: {  	s18 =	sld [smem:$0x3FDB];
	_ =	sdelay $0x1  }
0x99: {  	s19 =	simm.s32 $_scs_section_size  }
0x9a: {  	s4 =	simm.s32 $_size__tile_overlayer_lowered;
	s5 =	simm.s32 $_tile_overlayer_lowered  }
0x9b: {  	s22 =	simm.s32 $0x1BFF;
	s21 =	sshll.u32 s5, $0x1;
	s2 =	sadd.s32 s19, s18  }
0x9c: {  	s6 =	simm.s32 $0x0;
	s20 =	sshll.u32 s4, $0x1;
	s4 =	sadd.s32 s21, s2  }
0x9d: {  	[timem:s6], [sflag:s22] =	dma.local [hbm:s4], s20  }
0x9e: {  	_ =	swait.ge [sflag:s22], s20  }
0x9f: {  	s3 =	ssub.s32 $0x0, s20;
	[sflag:s22] =	ssyncset.done $0x0  }
0xa0: {  	[sflag:s22] =	ssyncadd.s32 s3;
	_ =	sdelay $0x1  }
0xa1: {  	s23 =	simm.s32 $0x1B8B  }
0xa2: {  	_ =	swait.ge [sflag:s23], $0x1  }
0xa3: {  	[sflag:s23] =	ssyncset.done $0x0  }
0xa4: {  	s25 =	simm.s32 $0x1B8E;
	s24 =	sld [smem:$0x3FFE];
	[sflag:s23] =	ssyncadd.s32 $0xFFFFFFFF  }
0xa5: {  	s26 =	simm.s32 $execute0_lowered;
	[smem:$0x3FD2] =	sst s25  }
0xa6: {  	s4 =	sshll.u32 s26, $0x1;
	_ =	strace $0x80000046;
	[dreg:$0x1] =	wrdreg $0xFFFFFFFF  }
0xa7: {  	s28 =	simm.s32 $_size_execute0_lowered;
	s2 =	sadd.s32 s2, s4;
	[dreg:$0x0] =	wrdreg $0x0  }
0xa8: {  	s4 =	sshll.u32 s28, $0x1;
	[dreg:$0x2] =	wrdreg s2  }
0xa9: {  	[dreg:$0x3] =	wrdreg s4  }
0xaa: {  	[dreg:$0x4] =	wrdreg $0xC0  }
0xab: {  	_ =	task [dreg:s6], $0x5FFFF  }
0xac: {  	[dreg:$0x1] =	wrdreg $0xFFFFFFFF  }
0xad: {  	[dreg:$0x0] =	wrdreg $0x60  }
0xae: {  	[dreg:$0x2] =	wrdreg s24  }
0xaf: {  	[dreg:$0x3] =	wrdreg $0x79000  }
0xb0: {  	[dreg:$0x4] =	wrdreg $0x9  }
0xb1: {  	_ =	task.clear_ibuf [dreg:s6], $0x5FFFF;
	_ =	strace $0x90000046  }
0xb2: {  	s29 =	simm.s32 $0x9;
	_ =	strace $0x80000048  }
0xb3: {  	_ =	swait.ge [sflag:s29], $0x1  }
0xb4: {  	[sflag:s29] =	ssyncadd.s32 $0xFFFFFFFF  }
0xb5: {  	_ =	strace $0x90000048  }
0xb6: {  	_ =	sfence  }
0xb7: {  	s30 =	sld [smem:$0x0];
	_ =	sdelay $0x2  }
0xb8: {  	s31 =	sshll.u32 s1, $0xD;
	s1 =	sshrl.u32 s1, $0x2  }
0xb9: {  	s3 =	sand.u32 $0x4000, s31;
	s1 =	sadd.s32 s1, s30  }
0xba: {  	s0 =	sor.u32 s3, s0;
	s1 =	sshll.u32 s1, $0x11  }
0xbb: {  	s0 =	sor.u32 s1, s0  }
0xbc: {  	s0 =	sadd.s32 $0x8F2B, s0  }
0xbd: {  	[sflag:s0] =	ssyncadd.remote.s32 $0x1  }
0xbe: {  	_ =	sfence.sel $0xFFFF  }
0xbf: {  	[dreg:$0x0] =	wrdreg $0xFFFFFFFF;
	(pc) =	sbr.abs _section_cstart, $3  }
0xc0: {  	[dreg:$0x1] =	wrdreg $0xFFFFFFFF  }
0xc1: {  	_ =	task.clear_ibuf [dreg:s6], $0x2FFFF;
	_ =	strace $0x9FFFFFFF  }
0xc2: {  	(tm) =	ssettm $0x7FFFFFFF  }
0xc3: {  	_ =	shalt  }
tec
execute0_lowered:
.L_overlay_start_1:
0x0: {  	(tag) =	ssettag $0x1  }
0x1: {  	s5 =	rddreg [dreg:$0x0]  }
0x2: {  	s0 =	srdreg.scid;
	s2 =	rddreg [dreg:$0x1]  }
0x3: {  	s1 =	rddreg [dreg:$0x2];
	s3 =	simm.s32 $0x0;
	s15 =	simm.s32 $0x50  }
0x4: {  	s16 =	simm.s32 $0x4F00;
	s17 =	simm.s32 $0x5100;
	s4 =	sand.u32 $0x1, s0  }
0x5: {  	s18 =	simm.s32 $0x4F80;
	s0 =	stileid.u32;
	s6 =	smul.u32 $0x27100, s4  }
0x6: {  	s19 =	simm.s32 $0x5000;
	s20 =	simm.s32 $0x1;
	s7 =	smul.u32 $0x2710, s0  }
0x7: {  	s21 =	simm.s32 $0x0;
	[smem:$0x7FF] =	sst s3;
	s8 =	smul.u32 $0x4E20, s4  }
0x8: {  	s29 =	smul.u32 $0x3E8, s0;
	_ =	strace $0x80000047;
	s30 =	ssub.s32 $0x2, s4  }
0x9: {  	s10 =	smul.u32 $0x7D000, s0;
	s4 =	sadd.s32 $0x16200, s5;
	p0 =	sgt.u32 s0, $0x9  }
0xa: {  	p1 =	slt.u32 s0, $0xA;
	s9 =	sshrl.u32 s30, $0x1;
	s13 =	sshll.u32 @!p0 s0, $0x6  }
0xb: {  	s6 =	sadd.s32 s7, s6;
	s7 =	sadd.s32 s29, s8;
	s12 =	ssub.s32 s30, s9  }
0xc: {  	s31 =	sshrl.u32 s10, $0x2;
	s13 =	sor.u32 @!p0 $0x1C02, s13;
	s6 =	sshrl.u32 s6, $0x3  }
0xd: {  	s7 =	sshll.u32 s7, $0x4;
	s10 =	smax.u32 s12, $0x1;
	s12 =	simm.s32 $0x2780  }
0xe: {  	s6 =	sadd.s32 s6, s5;
	s11 =	sadd.s32 s7, s5;
	s7 =	sadd.s32 s31, s2  }
0xf: {  	s5 =	sadd.s32 $0x2600, s6;
	s6 =	sadd.s32 $0xC400, s6;
	s8 =	sadd.s32 $0x1A200, s11  }
0x10: {  	v0 =	vimm.f32 $1.000000000e+00;
	s9 =	sadd.s32 $0x41300, s11;
	s11 =	simm.s32 $0x2;
	s14 =	sshrl.u32 @!p0 s7, $0x3  }
.LBB2_1:
0x11: {  	s22 =	sand.u32 $0xFE00, s3  }
0x12: {  	s23 =	sand.u32 $0x70, s3;
	s24 =	sshrl.u32 s22, $0x2  }
0x13: {  	s22 =	simm.s32 $0x40;
	s24 =	sor.u32 s23, s24;
	s23 =	simm.s32 $0x0  }
.LBB2_2:
0x14: {  	p2 =	sne.s32 s22, $0x9FC0  }
0x15: {  	[tilespmem:s24+$0x5100] =	vst v0;
	s23 =	sadd.s32 $0x10, s23;
	s24 =	smov.u32 s22;
	s22 =	sadd.s32 $0x40, s22  }
.Ltmp0:
0x16: {  	(pc) =	sbr.rel @p2 .LBB2_2-.Ltmp0, $4  }
0x17: {  	_ = 	snop  }
0x18: {  	s24 =	sand.u32 $0xFE00, s24  }
0x19: {  	s25 =	sand.u32 $0x70, s23;
	s24 =	sshrl.u32 s24, $0x2  }
0x1a: {  	s24 =	sor.u32 s25, s24  }
0x1b: {  	[tilespmem:s24+$0x5100] =	vst v0  }
0x1c: {  	[tilespmem:s3], [sflag:$0x2] =	stream.linear.gather [hbm4b:s5+s3], $0x2710, $0x38;
	[tilespmem:$0x1B180] =	vst v63  }
0x1d: {  	_ =	swait.ge [sflag:s11], $0x2710  }
0x1e: {  	[sflag:s11] =	ssyncset.done $0x0  }
0x1f: {  	[sflag:s11] =	ssyncadd.s32 $0xFFFFD8F0  }
0x20: {  	[tilespmem:s12], [sflag:$0x2] =	stream.linear.gather [hbm4b:s6+s3], $0x2710, $0x38;
	[tilespmem:$0x1B180] =	vst v63  }
0x21: {  	_ =	swait.ge [sflag:s11], $0x2710  }
0x22: {  	[sflag:s11] =	ssyncset.done $0x0  }
0x23: {  	s22 =	simm.s32 @!p0 $0x2;
	[sflag:s11] =	ssyncadd.s32 $0xFFFFD8F0  }
0x24: {  	[spmem:s14], [sflag:s13] =	dma.local @!p0 [hbm:s4], $0x3E80  }
0x25: {  	_ =	swait.ge @!p0 [sflag:s22], $0x3E80  }
0x26: {  	[sflag:s22] =	ssyncset.done @!p0 $0x0  }
0x27: {  	[sflag:s22] =	ssyncadd.s32 @!p0 $0xFFFFC180  }
0x28: {  	[bflag:$0x0] =	sbarrier.arrive $0xFFFF  }
0x29: {  	v1 =	vld [tilespmem:$0x0]  }
0x2a: {  	v2 =	vld [tilespmem:$0x10]  }
0x2b: {  	v3 =	vld [tilespmem:$0x20]  }
0x2c: {  	v4 =	vld [tilespmem:$0x30]  }
0x2d: {  	v5 =	vld [tilespmem:$0x40]  }
0x2e: {  	[tilespmem:$0x4F00] =	vst v1  }
0x2f: {  	[tilespmem:$0x4F10] =	vst v2  }
0x30: {  	[tilespmem:$0x4F20] =	vst v3  }
0x31: {  	[tilespmem:$0x4F30] =	vst v4  }
0x32: {  	[tilespmem:$0x4F40] =	vst v5  }
0x33: {  	[spmem:s2] =	stream.indirect.scatter.add.f32 [tilespmem:s17], [sflag:$0x1], $0x80, s16, s15, $0xb8;
	[tilespmem:$0x1B180] =	vst v63  }
0x34: {  	v1 =	vld [tilespmem:$0x50]  }
0x35: {  	v2 =	vld [tilespmem:$0x60]  }
0x36: {  	v3 =	vld [tilespmem:$0x70]  }
0x37: {  	v60 =	vld [tilespmem:$0x80]  }
0x38: {  	v61 =	vld [tilespmem:$0x90]  }
0x39: {  	[tilespmem:$0x4F80] =	vst v1  }
0x3a: {  	[tilespmem:$0x4F90] =	vst v2  }
0x3b: {  	[tilespmem:$0x4FA0] =	vst v3  }
0x3c: {  	[tilespmem:$0x4FB0] =	vst v60  }
0x3d: {  	[tilespmem:$0x4FC0] =	vst v61  }
0x3e: {  	[spmem:s2] =	stream.indirect.scatter.add.f32 [tilespmem:s17], [sflag:$0x1], $0x80, s18, s15, $0xb8;
	[tilespmem:$0x1B180] =	vst v63  }
0x3f: {  	v1 =	vld [tilespmem:$0xA0]  }
0x40: {  	v2 =	vld [tilespmem:$0xB0]  }
0x41: {  	v3 =	vld [tilespmem:$0xC0]  }
0x42: {  	v62 =	vld [tilespmem:$0xD0]  }
0x43: {  	v63 =	vld [tilespmem:$0xE0]  }
0x44: {  	[tilespmem:$0x5000] =	vst v1  }
0x45: {  	[tilespmem:$0x5010] =	vst v2  }
0x46: {  	[tilespmem:$0x5020] =	vst v3  }
0x47: {  	[tilespmem:$0x5030] =	vst v62  }
0x48: {  	s22 =	simm.s32 $0x130;
	[tilespmem:$0x5040] =	vst v63  }
0x49: {  	[spmem:s2] =	stream.indirect.scatter.add.f32 [tilespmem:s17], [sflag:$0x1], $0x80, s19, s15, $0xb8;
	[tilespmem:$0x1B180] =	vst v63  }
0x4a: {  	v1 =	vld [tilespmem:s22+$0xFFFFFFC0];
	_ =	sdelay $0x2  }
0x4b: {  	s23 =	simm.s32 $0x180  }
0x4c: {  	s23 =	sand.u32 $0x180, s23  }
0x4d: {  	[tilespmem:s23+$0x4F00] =	vst v1  }
0x4e: {  	v1 =	vld [tilespmem:s22+$0xFFFFFFD0];
	_ =	sdelay $0x4  }
0x4f: {  	[tilespmem:s23+$0x4F10] =	vst v1  }
0x50: {  	v1 =	vld [tilespmem:s22+$0xFFFFFFE0];
	_ =	sdelay $0x4  }
0x51: {  	[tilespmem:s23+$0x4F20] =	vst v1  }
0x52: {  	v1 =	vld [tilespmem:s22+$0xFFFFFFF0];
	_ =	sdelay $0x4  }
0x53: {  	[tilespmem:s23+$0x4F30] =	vst v1  }
0x54: {  	v1 =	vld [tilespmem:s22+$0x0];
	_ =	sdelay $0x4  }
0x55: {  	s31 =	sadd.s32 $0x4F00, s23;
	[tilespmem:s23+$0x4F40] =	vst v1  }
0x56: {  	[spmem:s2] =	stream.indirect.scatter.add.f32 [tilespmem:s17], [sflag:$0x1], $0x80, s31, s15, $0xb8;
	[tilespmem:$0x1B180] =	vst v63  }
0x57: {  	_ =	swait.ge [sflag:s20], $0x2800  }
0x58: {  	s23 =	simm.s32 $0x200;
	[sflag:s20] =	ssyncset.done $0x0  }
.LBB2_4:
0x59: {  	p2 =	sne.s32 s23, $0x3E00;
	[sflag:s20] =	ssyncadd.s32 $0xFFFFD800;
	s22 =	sadd.s32 $0x50, s22  }
0x5a: {  	s24 =	smov.u32 s23;
	s23 =	sadd.s32 $0x80, s23;
	v1 =	vld [tilespmem:s22+$0xFFFFFFC0];
	_ =	sdelay $0x3  }
0x5b: {  	s24 =	sand.u32 $0x180, s24  }
0x5c: {  	[tilespmem:s24+$0x4F00] =	vst v1  }
0x5d: {  	v1 =	vld [tilespmem:s22+$0xFFFFFFD0];
	_ =	sdelay $0x4  }
0x5e: {  	[tilespmem:s24+$0x4F10] =	vst v1  }
0x5f: {  	v1 =	vld [tilespmem:s22+$0xFFFFFFE0];
	_ =	sdelay $0x4  }
0x60: {  	[tilespmem:s24+$0x4F20] =	vst v1  }
0x61: {  	v1 =	vld [tilespmem:s22+$0xFFFFFFF0];
	_ =	sdelay $0x4  }
0x62: {  	[tilespmem:s24+$0x4F30] =	vst v1  }
0x63: {  	v1 =	vld [tilespmem:s22+$0x0];
	_ =	sdelay $0x3  }
.Ltmp1:
0x64: {  	(pc) =	sbr.rel @p2 .LBB2_4-.Ltmp1, $4  }
0x65: {  	s25 =	sadd.s32 $0x4F00, s24;
	[tilespmem:s24+$0x4F40] =	vst v1  }
0x66: {  	[spmem:s2] =	stream.indirect.scatter.add.f32 [tilespmem:s17], [sflag:$0x1], $0x80, s25, s15, $0xb8;
	[tilespmem:$0x1B180] =	vst v63  }
0x67: {  	_ =	swait.ge [sflag:s20], $0x2800  }
0x68: {  	[sflag:s20] =	ssyncset.done $0x0  }
0x69: {  	[sflag:s20] =	ssyncadd.s32 $0xFFFFD800  }
0x6a: {  	_ =	swait.ge [sflag:s20], $0x2800  }
0x6b: {  	[sflag:s20] =	ssyncset.done $0x0  }
0x6c: {  	[sflag:s20] =	ssyncadd.s32 $0xFFFFD800  }
0x6d: {  	_ =	swait.ge [sflag:s20], $0x2800  }
0x6e: {  	[sflag:s20] =	ssyncset.done $0x0  }
0x6f: {  	[sflag:s20] =	ssyncadd.s32 $0xFFFFD800  }
0x70: {  	_ =	swait.ge [sflag:s20], $0x2800  }
0x71: {  	[sflag:s20] =	ssyncset.done $0x0  }
0x72: {  	s22 =	sshll.u32 @p1 s0, $0x6;
	s23 =	sshrl.u32 @p1 s7, $0x3;
	[sflag:s20] =	ssyncadd.s32 $0xFFFFD800  }
0x73: {  	s24 =	simm.s32 @p1 $0x2;
	s22 =	sor.u32 @p1 $0x1C02, s22;
	[bflag:$0x0] =	sbarrier.arrive $0xFFFF  }
0x74: {  	[hbm:s8], [sflag:s22] =	dma.local @p1 [spmem:s23], $0x3E80  }
0x75: {  	_ =	swait.ge @p1 [sflag:s24], $0x3E80  }
0x76: {  	[sflag:s24] =	ssyncset.done @p1 $0x0  }
0x77: {  	[sflag:s24] =	ssyncadd.s32 @p1 $0xFFFFC180  }
0x78: {  	[bflag:$0x0] =	sbarrier.arrive @p1 $0xFFFF  }
0x79: {  	[spmem:s23], [sflag:s22] =	dma.local @p1 [hbm:s4], $0x3E80  }
0x7a: {  	_ =	swait.ge @p1 [sflag:s24], $0x3E80  }
0x7b: {  	[sflag:s24] =	ssyncset.done @p1 $0x0  }
0x7c: {  	[sflag:s24] =	ssyncadd.s32 @p1 $0xFFFFC180  }
0x7d: {  	[bflag:$0x0] =	sbarrier.arrive @!p1 $0xFFFF  }
0x7e: {  	[bflag:$0x0] =	sbarrier.arrive $0xFFFF  }
0x7f: {  	v1 =	vld [tilespmem:$0x2780]  }
0x80: {  	v2 =	vld [tilespmem:$0x2790]  }
0x81: {  	v3 =	vld [tilespmem:$0x27A0]  }
0x82: {  	v4 =	vld [tilespmem:$0x27B0]  }
0x83: {  	v5 =	vld [tilespmem:$0x27C0]  }
0x84: {  	[tilespmem:$0x4F00] =	vst v1  }
0x85: {  	[tilespmem:$0x4F10] =	vst v2  }
0x86: {  	[tilespmem:$0x4F20] =	vst v3  }
0x87: {  	[tilespmem:$0x4F30] =	vst v4  }
0x88: {  	[tilespmem:$0x4F40] =	vst v5  }
0x89: {  	[spmem:s2] =	stream.indirect.scatter.add.f32 [tilespmem:s17], [sflag:$0x1], $0x80, s16, s15, $0xb8;
	[tilespmem:$0x1B180] =	vst v63  }
0x8a: {  	v1 =	vld [tilespmem:$0x27D0]  }
0x8b: {  	v2 =	vld [tilespmem:$0x27E0]  }
0x8c: {  	v3 =	vld [tilespmem:$0x27F0]  }
0x8d: {  	v60 =	vld [tilespmem:$0x2800]  }
0x8e: {  	v61 =	vld [tilespmem:$0x2810]  }
0x8f: {  	[tilespmem:$0x4F80] =	vst v1  }
0x90: {  	[tilespmem:$0x4F90] =	vst v2  }
0x91: {  	[tilespmem:$0x4FA0] =	vst v3  }
0x92: {  	[tilespmem:$0x4FB0] =	vst v60  }
0x93: {  	[tilespmem:$0x4FC0] =	vst v61  }
0x94: {  	[spmem:s2] =	stream.indirect.scatter.add.f32 [tilespmem:s17], [sflag:$0x1], $0x80, s18, s15, $0xb8;
	[tilespmem:$0x1B180] =	vst v63  }
0x95: {  	v1 =	vld [tilespmem:$0x2820]  }
0x96: {  	v2 =	vld [tilespmem:$0x2830]  }
0x97: {  	v3 =	vld [tilespmem:$0x2840]  }
0x98: {  	v62 =	vld [tilespmem:$0x2850]  }
0x99: {  	v63 =	vld [tilespmem:$0x2860]  }
0x9a: {  	[tilespmem:$0x5000] =	vst v1  }
0x9b: {  	[tilespmem:$0x5010] =	vst v2  }
0x9c: {  	[tilespmem:$0x5020] =	vst v3  }
0x9d: {  	[tilespmem:$0x5030] =	vst v62  }
0x9e: {  	s22 =	simm.s32 $0x28B0;
	[tilespmem:$0x5040] =	vst v63  }
0x9f: {  	[spmem:s2] =	stream.indirect.scatter.add.f32 [tilespmem:s17], [sflag:$0x1], $0x80, s19, s15, $0xb8;
	[tilespmem:$0x1B180] =	vst v63  }
0xa0: {  	v1 =	vld [tilespmem:s22+$0xFFFFFFC0];
	_ =	sdelay $0x2  }
0xa1: {  	s30 =	simm.s32 $0x180  }
0xa2: {  	s23 =	sand.u32 $0x180, s30  }
0xa3: {  	[tilespmem:s23+$0x4F00] =	vst v1  }
0xa4: {  	v1 =	vld [tilespmem:s22+$0xFFFFFFD0];
	_ =	sdelay $0x4  }
0xa5: {  	[tilespmem:s23+$0x4F10] =	vst v1  }
0xa6: {  	v1 =	vld [tilespmem:s22+$0xFFFFFFE0];
	_ =	sdelay $0x4  }
0xa7: {  	[tilespmem:s23+$0x4F20] =	vst v1  }
0xa8: {  	v1 =	vld [tilespmem:s22+$0xFFFFFFF0];
	_ =	sdelay $0x4  }
0xa9: {  	[tilespmem:s23+$0x4F30] =	vst v1  }
0xaa: {  	v1 =	vld [tilespmem:s22+$0x0];
	_ =	sdelay $0x4  }
0xab: {  	s31 =	sadd.s32 $0x4F00, s23;
	[tilespmem:s23+$0x4F40] =	vst v1  }
0xac: {  	[spmem:s2] =	stream.indirect.scatter.add.f32 [tilespmem:s17], [sflag:$0x1], $0x80, s31, s15, $0xb8;
	[tilespmem:$0x1B180] =	vst v63  }
0xad: {  	_ =	swait.ge [sflag:s20], $0x2800  }
0xae: {  	s23 =	simm.s32 $0x200;
	[sflag:s20] =	ssyncset.done $0x0  }
.LBB2_6:
0xaf: {  	p2 =	sne.s32 s23, $0x3E00;
	[sflag:s20] =	ssyncadd.s32 $0xFFFFD800;
	s22 =	sadd.s32 $0x50, s22  }
0xb0: {  	s24 =	smov.u32 s23;
	s23 =	sadd.s32 $0x80, s23;
	v1 =	vld [tilespmem:s22+$0xFFFFFFC0];
	_ =	sdelay $0x3  }
0xb1: {  	s24 =	sand.u32 $0x180, s24  }
0xb2: {  	[tilespmem:s24+$0x4F00] =	vst v1  }
0xb3: {  	v1 =	vld [tilespmem:s22+$0xFFFFFFD0];
	_ =	sdelay $0x4  }
0xb4: {  	[tilespmem:s24+$0x4F10] =	vst v1  }
0xb5: {  	v1 =	vld [tilespmem:s22+$0xFFFFFFE0];
	_ =	sdelay $0x4  }
0xb6: {  	[tilespmem:s24+$0x4F20] =	vst v1  }
0xb7: {  	v1 =	vld [tilespmem:s22+$0xFFFFFFF0];
	_ =	sdelay $0x4  }
0xb8: {  	[tilespmem:s24+$0x4F30] =	vst v1  }
0xb9: {  	v1 =	vld [tilespmem:s22+$0x0];
	_ =	sdelay $0x3  }
.Ltmp2:
0xba: {  	(pc) =	sbr.rel @p2 .LBB2_6-.Ltmp2, $4  }
0xbb: {  	s25 =	sadd.s32 $0x4F00, s24;
	[tilespmem:s24+$0x4F40] =	vst v1  }
0xbc: {  	[spmem:s2] =	stream.indirect.scatter.add.f32 [tilespmem:s17], [sflag:$0x1], $0x80, s25, s15, $0xb8;
	[tilespmem:$0x1B180] =	vst v63  }
0xbd: {  	_ =	swait.ge [sflag:s20], $0x2800  }
0xbe: {  	[sflag:s20] =	ssyncset.done $0x0  }
0xbf: {  	[sflag:s20] =	ssyncadd.s32 $0xFFFFD800  }
0xc0: {  	_ =	swait.ge [sflag:s20], $0x2800  }
0xc1: {  	[sflag:s20] =	ssyncset.done $0x0  }
0xc2: {  	[sflag:s20] =	ssyncadd.s32 $0xFFFFD800  }
0xc3: {  	_ =	swait.ge [sflag:s20], $0x2800  }
0xc4: {  	[sflag:s20] =	ssyncset.done $0x0  }
0xc5: {  	[sflag:s20] =	ssyncadd.s32 $0xFFFFD800  }
0xc6: {  	_ =	swait.ge [sflag:s20], $0x2800  }
0xc7: {  	[sflag:s20] =	ssyncset.done $0x0  }
0xc8: {  	s21 =	sadd.s32 $0x1, s21;
	[sflag:s20] =	ssyncadd.s32 $0xFFFFD800  }
0xc9: {  	s22 =	simm.s32 @!p0 $0x2;
	p2 =	sne.s32 s21, s10;
	[bflag:$0x0] =	sbarrier.arrive $0xFFFF  }
0xca: {  	[hbm:s9], [sflag:s13] =	dma.local @!p0 [spmem:s14], $0x3E80  }
.Ltmp3:
0xcb: {  	_ =	swait.ge @!p0 [sflag:s22], $0x3E80;
	(pc) =	sbr.rel @p2 .LBB2_1-.Ltmp3, $3  }
0xcc: {  	[sflag:s22] =	ssyncset.done @!p0 $0x0  }
0xcd: {  	[sflag:s22] =	ssyncadd.s32 @!p0 $0xFFFFC180  }
0xce: {  	[bflag:$0x0] =	sbarrier.arrive $0xFFFF;
	_ =	sdelay $0x1  }
0xcf: {  	_ =	sfence.sel $0x180000  }
0xd0: {  	[bflag:$0x0] =	sbarrier.arrive $0xFFFF  }
0xd1: {  	p0 =	sne.s32 s0, $0x0;
	_ =	strace $0x90000047  }
0xd2: {  	s0 =	sadd.s32 @!p0 $0x100000, s1;
	[bflag:$0x2] =	sbarrier.arrive $0xFFFF  }
0xd3: {  	[sflag:s0] =	ssyncadd.tile.s32 @!p0 $0x1;
	_ =	shalt  }
.Lfunc_end2:
_tile_overlayer_lowered:
.L_overlay_start_2:
0xd4: {  	(tag) =	ssettag $0x2  }
0xd5: {  	s0 =	rddreg [dreg:$0x0];
	s2 =	stileid.u32  }
0xd6: {  	s1 =	rddreg [dreg:$0x1];
	p0 =	sne.s32 s2, $0x0  }
0xd7: {  	s3 =	rddreg [dreg:$0x2];
	[bflag:$0x3] =	sbarrier.arrive $0xFFFF;
	s2 =	simm.s32 @!p0 $0x1C02  }
0xd8: {  	[timem:s3], [sflag:s2] =	dma.local @!p0 [hbm:s0], s1  }
0xd9: {  	s0 =	simm.s32 @!p0 $0x2  }
0xda: {  	_ =	swait.ge @!p0 [sflag:s0], s1  }
0xdb: {  	s1 =	ssub.s32 @!p0 $0x0, s1;
	[sflag:s0] =	ssyncset.done @!p0 $0x0  }
0xdc: {  	[sflag:s0] =	ssyncadd.s32 @!p0 s1  }
0xdd: {  	[bflag:$0x3] =	sbarrier.arrive $0xFFFF  }
0xde: {  	_ =	shalt  }

</sc_bundles>
